<compile_context>
chip_gen: v7x
topology: tpu7x:2x2x1
jax: 0.10.2.dev20260603
libtpu: 0.0.44.dev20260713+nightly
codegen_flags: <defaults>
</compile_context>

<pallas_src>
import functools

import jax
import jax.numpy as jnp
from jax import lax
from jax.experimental import pallas as pl
from jax.experimental.pallas import tpu as pltpu
from jax.experimental.pallas import tpu_sc as plsc

B = 8192
OBS_DIM = 1024
NUM_TASKS = 16
TRUE_OBS = OBS_DIM - NUM_TASKS
EPS = 1e-8

NC, NS, L = 2, 16, 16
NW = NC * NS
ROWS_PER_W = B // NW
CHUNK = 16
NBUF = 2
NCHUNK = ROWS_PER_W // CHUNK
NGRP = OBS_DIM // L


def _prep_body(mean_ref, var_ref, scale_ref, bias_ref):
    scale = lax.rsqrt(var_ref[...] + EPS)
    mean = mean_ref[...]
    pad_cols = jax.lax.broadcasted_iota(
        jnp.int32, (NUM_TASKS, OBS_DIM), 1) >= TRUE_OBS
    scale_full = jnp.pad(scale, ((0, 0), (0, OBS_DIM - TRUE_OBS)))
    bias_full = jnp.pad(-mean * scale, ((0, 0), (0, OBS_DIM - TRUE_OBS)))
    scale_ref[...] = jnp.where(pad_cols, 1.0, scale_full)
    bias_ref[...] = jnp.where(pad_cols, 0.0, bias_full)


_prep = pl.pallas_call(
    _prep_body,
    out_shape=(
        jax.ShapeDtypeStruct((NUM_TASKS, OBS_DIM), jnp.float32),
        jax.ShapeDtypeStruct((NUM_TASKS, OBS_DIM), jnp.float32),
    ),
)


@functools.partial(
    pl.kernel,
    out_type=jax.ShapeDtypeStruct((B, OBS_DIM), jnp.float32),
    mesh=plsc.VectorSubcoreMesh(core_axis_name="c", subcore_axis_name="s"),
    scratch_types=[
        pltpu.VMEM((ROWS_PER_W,), jnp.int32),
        pltpu.VMEM((NUM_TASKS, OBS_DIM), jnp.float32),
        pltpu.VMEM((NUM_TASKS, OBS_DIM), jnp.float32),
    ] + [pltpu.VMEM((CHUNK, OBS_DIM), jnp.float32)] * (2 * NBUF)
      + [pltpu.SemaphoreType.DMA] * (2 * NBUF),
)
def _sc_norm(obs_hbm, tid_hbm, scale_hbm, bias_hbm, out_hbm,
             tid_v, scale_v, bias_v, *bufs_sems):
    ibs = bufs_sems[:NBUF]
    obufs = bufs_sems[NBUF:2 * NBUF]
    isems = bufs_sems[2 * NBUF:3 * NBUF]
    osems = bufs_sems[3 * NBUF:]
    wid = lax.axis_index("s") * NC + lax.axis_index("c")
    base = wid * ROWS_PER_W

    def start_in(b, c):
        pltpu.async_copy(
            obs_hbm.at[pl.ds(base + c * CHUNK, CHUNK), :], ibs[b], isems[b])

    def start_out(b, c):
        pltpu.async_copy(
            obufs[b], out_hbm.at[pl.ds(base + c * CHUNK, CHUNK), :], osems[b])

    def wait_in(b):
        pltpu.make_async_copy(
            obs_hbm.at[pl.ds(base, CHUNK), :], ibs[b], isems[b]).wait()

    def wait_out(b):
        pltpu.make_async_copy(
            obufs[b], out_hbm.at[pl.ds(base, CHUNK), :], osems[b]).wait()

    for b in range(NBUF):
        start_in(b, b)

    pltpu.sync_copy(tid_hbm.at[pl.ds(base, ROWS_PER_W)], tid_v)
    pltpu.sync_copy(scale_hbm, scale_v)
    pltpu.sync_copy(bias_hbm, bias_v)

    def compute(b, c):
        ib, ob = ibs[b], obufs[b]
        tidvec = tid_v[pl.ds(c * CHUNK, CHUNK)]

        for r in range(CHUNK):
            t = tidvec[r]

            @plsc.parallel_loop(0, NGRP, unroll=4)
            def _col(j, r=r, t=t, ib=ib, ob=ob):
                sl = pl.ds(j * L, L)
                ob[r, sl] = ib[r, sl] * scale_v[t, sl] + bias_v[t, sl]

    def ring_body(p, _):
        for b in range(NBUF):
            c = NBUF * p + b
            wait_in(b)
            pl.when(c >= NBUF)(lambda b=b: wait_out(b))
            compute(b, c)
            start_out(b, c)
            pl.when(c + NBUF < NCHUNK)(lambda b=b, c=c: start_in(b, c + NBUF))
        return 0

    lax.fori_loop(0, NCHUNK // NBUF, ring_body, 0)
    for b in range(NBUF):
        wait_out(b)


def kernel(observation, task_indices, running_mean, running_var):
    tid = jnp.squeeze(task_indices, axis=-1)
    scale, bias = _prep(running_mean, running_var)
    return _sc_norm(observation, tid, scale, bias)

# --- scband reference (transcript-rebuilt; emitter-appended) ---
"""Pipeline reference for scband-mtmodel-network-38963943309908 (READ-ONLY COPY).

The authoritative reference and input builder live on the scoring server;
editing this copy changes nothing except your own understanding.
"""

import jax, jax.numpy as jnp
import numpy as np

B = 8192
OBS_DIM = 1024
TASK_EMB = 16
TRUE_OBS = OBS_DIM - TASK_EMB  # 1008
VALUE_SIZE = 1


def setup_inputs(seed: int = 0) -> dict:
    key = jax.random.key(seed)
    k1, k2, k3, k4 = jax.random.split(key, 4)
    observation = jax.random.normal(k1, (B, OBS_DIM), dtype=jnp.float32)
    task_indices = jax.random.randint(k2, (B, 1), 0, TASK_EMB, dtype=jnp.int32)
    # Per-task RunningMeanStd buffers (running_mean / running_var for each of the
    # TASK_EMB tasks), stacked into tables for gather-based lookup.
    running_mean = jax.random.normal(k3, (TASK_EMB, TRUE_OBS), dtype=jnp.float32) * 0.1
    running_var = jax.random.uniform(k4, (TASK_EMB, TRUE_OBS), minval=0.5, maxval=1.5, dtype=jnp.float32)
    return {
        "observation": observation,
        "task_indices": task_indices,
        "running_mean": running_mean,
        "running_var": running_var,
    }


def reference(observation, task_indices, running_mean, running_var):
    # Faithful eval-mode translation of MTModelNetwork.norm_obs.
    # The per-task python loop `for tid in torch.unique(...)` merely scatters each
    # task's running stats to the rows of that task; this is exactly a row-gather
    # of the stacked per-task stat tables by task id.
    tid = jnp.squeeze(task_indices, axis=-1)
    true_obs = observation[:, :TRUE_OBS]
    current_mean = jnp.take(running_mean, tid, axis=0)
    current_var = jnp.take(running_var, tid, axis=0)
    normalized_obs = (true_obs - current_mean) / jnp.sqrt(current_var + 1e-08)
    out = jnp.concatenate([normalized_obs, observation[:, TRUE_OBS:]], axis=1)
    # torch code computes and returns inside `with torch.no_grad()` -> detached output
    return jax.lax.stop_gradient(out)

if __name__ == "__main__":
    import jax
    _d = setup_inputs()
    print(jax.jit(kernel)(*tuple(_d.values())))

</pallas_src>

<mosaic_0001>
#map = affine_map<(d0, d1) -> (0, 0)>
#map1 = affine_map<(d0, d1) -> (0)>
module attributes {stable_mosaic.version = 14 : i64} {
  func.func @_sc_norm(%arg0: i32, %arg1: i32, %arg2: memref<8192x1024xf32, #tpu.memory_space<hbm>>, %arg3: memref<8192xi32, #tpu.memory_space<hbm>>, %arg4: memref<16x1024xf32, #tpu.memory_space<hbm>>, %arg5: memref<16x1024xf32, #tpu.memory_space<hbm>>, %arg6: memref<8192x1024xf32, #tpu.memory_space<hbm>>, %arg7: memref<256xi32, #tpu.memory_space<vmem>>, %arg8: memref<16x1024xf32, #tpu.memory_space<vmem>>, %arg9: memref<16x1024xf32, #tpu.memory_space<vmem>>, %arg10: memref<16x1024xf32, #tpu.memory_space<vmem>>, %arg11: memref<16x1024xf32, #tpu.memory_space<vmem>>, %arg12: memref<16x1024xf32, #tpu.memory_space<vmem>>, %arg13: memref<16x1024xf32, #tpu.memory_space<vmem>>, %arg14: memref<!tpu.dma_semaphore, #tpu.memory_space<semaphore_mem>>, %arg15: memref<!tpu.dma_semaphore, #tpu.memory_space<semaphore_mem>>, %arg16: memref<!tpu.dma_semaphore, #tpu.memory_space<semaphore_mem>>, %arg17: memref<!tpu.dma_semaphore, #tpu.memory_space<semaphore_mem>>) attributes {dimension_semantics = [#tpu.dimension_semantics<core_parallel>, #tpu.dimension_semantics<subcore_parallel>], iteration_bounds = array<i64: 2, 16>, scalar_prefetch = 0 : i64, scratch_operands = 11 : i64, tpu.core_type = #tpu.core_type<sc_vector_subcore>, window_params = [{transform_indices = #map}, {transform_indices = #map1}, {transform_indices = #map}, {transform_indices = #map}, {transform_indices = #map}]} {
    %mul3A = arith.constant 2 : i32
    %mul3A_0 = arith.muli %arg1, %mul3A : i32
    %add3A = arith.addi %mul3A_0, %arg0 : i32
    %mul3A_1 = arith.constant 256 : i32
    %mul3A_2 = arith.muli %add3A, %mul3A_1 : i32
    %add3A_3 = arith.constant 0 : i32
    %add3A_4 = arith.addi %mul3A_2, %add3A_3 : i32
    %dma_start3A = arith.constant 0 : i32
    %dma_start3A_5 = tpu.memref_slice %arg2[%add3A_4, %dma_start3A] : memref<8192x1024xf32, #tpu.memory_space<hbm>> -> memref<16x1024xf32, #tpu.memory_space<hbm>>
    %dma_start3A_6 = arith.constant 0 : i32
    %dma_start3A_7 = tpu.memref_slice %arg2[%add3A_4, %dma_start3A_6] : memref<8192x1024xf32, #tpu.memory_space<hbm>> -> memref<16x1024xf32, #tpu.memory_space<hbm>>
    tpu.enqueue_dma source(%dma_start3A_7 : memref<16x1024xf32, #tpu.memory_space<hbm>>) target(%arg10 : memref<16x1024xf32, #tpu.memory_space<vmem>>) target_semaphore(%arg14 : memref<!tpu.dma_semaphore, #tpu.memory_space<semaphore_mem>>)
    %add3A_8 = arith.constant 16 : i32
    %add3A_9 = arith.addi %mul3A_2, %add3A_8 : i32
    %dma_start3A_10 = arith.constant 0 : i32
    %dma_start3A_11 = tpu.memref_slice %arg2[%add3A_9, %dma_start3A_10] : memref<8192x1024xf32, #tpu.memory_space<hbm>> -> memref<16x1024xf32, #tpu.memory_space<hbm>>
    %dma_start3A_12 = arith.constant 0 : i32
    %dma_start3A_13 = tpu.memref_slice %arg2[%add3A_9, %dma_start3A_12] : memref<8192x1024xf32, #tpu.memory_space<hbm>> -> memref<16x1024xf32, #tpu.memory_space<hbm>>
    tpu.enqueue_dma source(%dma_start3A_13 : memref<16x1024xf32, #tpu.memory_space<hbm>>) target(%arg11 : memref<16x1024xf32, #tpu.memory_space<vmem>>) target_semaphore(%arg15 : memref<!tpu.dma_semaphore, #tpu.memory_space<semaphore_mem>>)
    "tpu.region"() ({
      %run_scoped3A = tpu.sem_alloc : memref<!tpu.dma_semaphore, #tpu.memory_space<semaphore_mem>>
      %dma_start3A_27 = tpu.memref_slice %arg3[%mul3A_2] : memref<8192xi32, #tpu.memory_space<hbm>> -> memref<256xi32, #tpu.memory_space<hbm>>
      %dma_start3A_28 = tpu.memref_slice %arg3[%mul3A_2] : memref<8192xi32, #tpu.memory_space<hbm>> -> memref<256xi32, #tpu.memory_space<hbm>>
      tpu.enqueue_dma source(%dma_start3A_28 : memref<256xi32, #tpu.memory_space<hbm>>) target(%arg7 : memref<256xi32, #tpu.memory_space<vmem>>) target_semaphore(%run_scoped3A : memref<!tpu.dma_semaphore, #tpu.memory_space<semaphore_mem>>)
      %dma_wait3A_29 = tpu.memref_slice %arg3[%mul3A_2] : memref<8192xi32, #tpu.memory_space<hbm>> -> memref<256xi32, #tpu.memory_space<hbm>>
      %dma_wait3A_30 = tpu.memref_slice %arg3[%mul3A_2] : memref<8192xi32, #tpu.memory_space<hbm>> -> memref<256xi32, #tpu.memory_space<hbm>>
      tpu.wait_dma2 semaphore(%run_scoped3A : memref<!tpu.dma_semaphore, #tpu.memory_space<semaphore_mem>>) src(%dma_wait3A_30 : memref<256xi32, #tpu.memory_space<hbm>>) dst(%arg7 : memref<256xi32, #tpu.memory_space<vmem>>)
      tpu.yield
    }) : () -> ()
    "tpu.region"() ({
      %run_scoped3A = tpu.sem_alloc : memref<!tpu.dma_semaphore, #tpu.memory_space<semaphore_mem>>
      tpu.enqueue_dma source(%arg4 : memref<16x1024xf32, #tpu.memory_space<hbm>>) target(%arg8 : memref<16x1024xf32, #tpu.memory_space<vmem>>) target_semaphore(%run_scoped3A : memref<!tpu.dma_semaphore, #tpu.memory_space<semaphore_mem>>)
      tpu.wait_dma2 semaphore(%run_scoped3A : memref<!tpu.dma_semaphore, #tpu.memory_space<semaphore_mem>>) src(%arg4 : memref<16x1024xf32, #tpu.memory_space<hbm>>) dst(%arg8 : memref<16x1024xf32, #tpu.memory_space<vmem>>)
      tpu.yield
    }) : () -> ()
    "tpu.region"() ({
      %run_scoped3A = tpu.sem_alloc : memref<!tpu.dma_semaphore, #tpu.memory_space<semaphore_mem>>
      tpu.enqueue_dma source(%arg5 : memref<16x1024xf32, #tpu.memory_space<hbm>>) target(%arg9 : memref<16x1024xf32, #tpu.memory_space<vmem>>) target_semaphore(%run_scoped3A : memref<!tpu.dma_semaphore, #tpu.memory_space<semaphore_mem>>)
      tpu.wait_dma2 semaphore(%run_scoped3A : memref<!tpu.dma_semaphore, #tpu.memory_space<semaphore_mem>>) src(%arg5 : memref<16x1024xf32, #tpu.memory_space<hbm>>) dst(%arg9 : memref<16x1024xf32, #tpu.memory_space<vmem>>)
      tpu.yield
    }) : () -> ()
    %scan3A = arith.constant 0 : i32
    %scan3A_14 = arith.constant 0 : i32
    %scan3A_15 = arith.constant 8 : i32
    %scan3A_16 = arith.addi %scan3A_14, %scan3A_15 : i32
    %scan3A_17 = arith.constant 1 : i32
    %scan3A_18 = scf.for %scan3A_27 = %scan3A_14 to %scan3A_16 step %scan3A_17 iter_args(%scan3A_28 = %scan3A) -> (i32)  : i32 {
      %mul3A_29 = arith.constant 2 : i32
      %mul3A_30 = arith.muli %mul3A_29, %scan3A_27 : i32
      %add3A_31 = arith.constant 0 : i32
      %add3A_32 = arith.addi %mul3A_30, %add3A_31 : i32
      %dma_wait3A_33 = arith.constant 0 : i32
      %dma_wait3A_34 = tpu.memref_slice %arg2[%mul3A_2, %dma_wait3A_33] : memref<8192x1024xf32, #tpu.memory_space<hbm>> -> memref<16x1024xf32, #tpu.memory_space<hbm>>
      %dma_wait3A_35 = arith.constant 0 : i32
      %dma_wait3A_36 = tpu.memref_slice %arg2[%mul3A_2, %dma_wait3A_35] : memref<8192x1024xf32, #tpu.memory_space<hbm>> -> memref<16x1024xf32, #tpu.memory_space<hbm>>
      tpu.wait_dma2 semaphore(%arg14 : memref<!tpu.dma_semaphore, #tpu.memory_space<semaphore_mem>>) src(%dma_wait3A_36 : memref<16x1024xf32, #tpu.memory_space<hbm>>) dst(%arg10 : memref<16x1024xf32, #tpu.memory_space<vmem>>)
      %ge3A = arith.constant 2 : i32
      %ge3A_37 = arith.cmpi sge, %add3A_32, %ge3A : i32
      %convert_element_type3A = arith.extui %ge3A_37 : i1 to i32
      %cond3A = arith.constant 0 : i32
      %cond3A_38 = arith.cmpi ne, %convert_element_type3A, %cond3A : i32
      scf.if %cond3A_38 {
        %dma_wait3A_246 = arith.constant 0 : i32
        %dma_wait3A_247 = tpu.memref_slice %arg6[%mul3A_2, %dma_wait3A_246] : memref<8192x1024xf32, #tpu.memory_space<hbm>> -> memref<16x1024xf32, #tpu.memory_space<hbm>>
        %dma_wait3A_248 = arith.constant 0 : i32
        %dma_wait3A_249 = tpu.memref_slice %arg6[%mul3A_2, %dma_wait3A_248] : memref<8192x1024xf32, #tpu.memory_space<hbm>> -> memref<16x1024xf32, #tpu.memory_space<hbm>>
        tpu.wait_dma2 semaphore(%arg16 : memref<!tpu.dma_semaphore, #tpu.memory_space<semaphore_mem>>) src(%arg12 : memref<16x1024xf32, #tpu.memory_space<vmem>>) dst(%dma_wait3A_249 : memref<16x1024xf32, #tpu.memory_space<hbm>>)
      } else {
      }
      %mul3A_39 = arith.constant 16 : i32
      %mul3A_40 = arith.muli %add3A_32, %mul3A_39 : i32
      %get3A = arith.index_cast %mul3A_40 : i32 to index
      %get3A_41 = tpu.vector_load %arg7[%get3A] {strides = array<i32>} : memref<256xi32, #tpu.memory_space<vmem>>, vector<16xi32>,
      %get3A_42 = vector.shape_cast %get3A_41 : vector<16xi32> to vector<16xi32>
      %slice3A = vector.extract_strided_slice %get3A_42 {offsets = [0], sizes = [1], strides = [1]} : vector<16xi32> to vector<1xi32>
      %squeeze3A = vector.extract %slice3A[0] : i32 from vector<1xi32>
      %parallel_loop3A = arith.constant 0 : i32
      %parallel_loop3A_43 = arith.constant 64 : i32
      %parallel_loop3A_44 = arith.constant 1 : i32
      scf.for %parallel_loop3A_246 = %parallel_loop3A to %parallel_loop3A_43 step %parallel_loop3A_44  : i32 {
        %parallel_loop3A_247 = arith.constant 16 : i32
        %parallel_loop3A_248 = arith.muli %parallel_loop3A_246, %parallel_loop3A_247 : i32
        %parallel_loop3A_249 = arith.constant 0 : i32
        %parallel_loop3A_250 = arith.index_cast %parallel_loop3A_249 : i32 to index
        %parallel_loop3A_251 = arith.index_cast %parallel_loop3A_248 : i32 to index
        %parallel_loop3A_252 = tpu.vector_load %arg10[%parallel_loop3A_250, %parallel_loop3A_251] {strides = array<i32>} : memref<16x1024xf32, #tpu.memory_space<vmem>>, vector<1x16xf32>,
        %parallel_loop3A_253 = vector.shape_cast %parallel_loop3A_252 : vector<1x16xf32> to vector<16xf32>
        %parallel_loop3A_254 = arith.index_cast %squeeze3A : i32 to index
        %parallel_loop3A_255 = arith.index_cast %parallel_loop3A_248 : i32 to index
        %parallel_loop3A_256 = tpu.vector_load %arg8[%parallel_loop3A_254, %parallel_loop3A_255] {strides = array<i32>} : memref<16x1024xf32, #tpu.memory_space<vmem>>, vector<1x16xf32>,
        %parallel_loop3A_257 = vector.shape_cast %parallel_loop3A_256 : vector<1x16xf32> to vector<16xf32>
        %parallel_loop3A_258 = arith.mulf %parallel_loop3A_253, %parallel_loop3A_257 : vector<16xf32>
        %parallel_loop3A_259 = arith.index_cast %squeeze3A : i32 to index
        %parallel_loop3A_260 = arith.index_cast %parallel_loop3A_248 : i32 to index
        %parallel_loop3A_261 = tpu.vector_load %arg9[%parallel_loop3A_259, %parallel_loop3A_260] {strides = array<i32>} : memref<16x1024xf32, #tpu.memory_space<vmem>>, vector<1x16xf32>,
        %parallel_loop3A_262 = vector.shape_cast %parallel_loop3A_261 : vector<1x16xf32> to vector<16xf32>
        %parallel_loop3A_263 = arith.addf %parallel_loop3A_258, %parallel_loop3A_262 : vector<16xf32>
        %parallel_loop3A_264 = arith.constant 0 : i32
        %parallel_loop3A_265 = arith.index_cast %parallel_loop3A_264 : i32 to index
        %parallel_loop3A_266 = arith.index_cast %parallel_loop3A_248 : i32 to index
        %parallel_loop3A_267 = tpu.vector_load %arg12[%parallel_loop3A_265, %parallel_loop3A_266] {strides = array<i32>} : memref<16x1024xf32, #tpu.memory_space<vmem>>, vector<1x16xf32>,
        %parallel_loop3A_268 = vector.shape_cast %parallel_loop3A_267 : vector<1x16xf32> to vector<16xf32>
        %parallel_loop3A_269 = vector.shape_cast %parallel_loop3A_263 : vector<16xf32> to vector<1x16xf32>
        tpu.vector_store %arg12[%parallel_loop3A_265, %parallel_loop3A_266], %parallel_loop3A_269 {strides = array<i32>} : memref<16x1024xf32, #tpu.memory_space<vmem>>, vector<1x16xf32>,
      } {sc.loop_unroll_factor = 4 : i64, sc.parallel_access}
      %slice3A_45 = vector.extract_strided_slice %get3A_42 {offsets = [1], sizes = [1], strides = [1]} : vector<16xi32> to vector<1xi32>
      %squeeze3A_46 = vector.extract %slice3A_45[0] : i32 from vector<1xi32>
      %parallel_loop3A_47 = arith.constant 0 : i32
      %parallel_loop3A_48 = arith.constant 64 : i32
      %parallel_loop3A_49 = arith.constant 1 : i32
      scf.for %parallel_loop3A_246 = %parallel_loop3A_47 to %parallel_loop3A_48 step %parallel_loop3A_49  : i32 {
        %parallel_loop3A_247 = arith.constant 16 : i32
        %parallel_loop3A_248 = arith.muli %parallel_loop3A_246, %parallel_loop3A_247 : i32
        %parallel_loop3A_249 = arith.constant 1 : i32
        %parallel_loop3A_250 = arith.index_cast %parallel_loop3A_249 : i32 to index
        %parallel_loop3A_251 = arith.index_cast %parallel_loop3A_248 : i32 to index
        %parallel_loop3A_252 = tpu.vector_load %arg10[%parallel_loop3A_250, %parallel_loop3A_251] {strides = array<i32>} : memref<16x1024xf32, #tpu.memory_space<vmem>>, vector<1x16xf32>,
        %parallel_loop3A_253 = vector.shape_cast %parallel_loop3A_252 : vector<1x16xf32> to vector<16xf32>
        %parallel_loop3A_254 = arith.index_cast %squeeze3A_46 : i32 to index
        %parallel_loop3A_255 = arith.index_cast %parallel_loop3A_248 : i32 to index
        %parallel_loop3A_256 = tpu.vector_load %arg8[%parallel_loop3A_254, %parallel_loop3A_255] {strides = array<i32>} : memref<16x1024xf32, #tpu.memory_space<vmem>>, vector<1x16xf32>,
        %parallel_loop3A_257 = vector.shape_cast %parallel_loop3A_256 : vector<1x16xf32> to vector<16xf32>
        %parallel_loop3A_258 = arith.mulf %parallel_loop3A_253, %parallel_loop3A_257 : vector<16xf32>
        %parallel_loop3A_259 = arith.index_cast %squeeze3A_46 : i32 to index
        %parallel_loop3A_260 = arith.index_cast %parallel_loop3A_248 : i32 to index
        %parallel_loop3A_261 = tpu.vector_load %arg9[%parallel_loop3A_259, %parallel_loop3A_260] {strides = array<i32>} : memref<16x1024xf32, #tpu.memory_space<vmem>>, vector<1x16xf32>,
        %parallel_loop3A_262 = vector.shape_cast %parallel_loop3A_261 : vector<1x16xf32> to vector<16xf32>
        %parallel_loop3A_263 = arith.addf %parallel_loop3A_258, %parallel_loop3A_262 : vector<16xf32>
        %parallel_loop3A_264 = arith.constant 1 : i32
        %parallel_loop3A_265 = arith.index_cast %parallel_loop3A_264 : i32 to index
        %parallel_loop3A_266 = arith.index_cast %parallel_loop3A_248 : i32 to index
        %parallel_loop3A_267 = tpu.vector_load %arg12[%parallel_loop3A_265, %parallel_loop3A_266] {strides = array<i32>} : memref<16x1024xf32, #tpu.memory_space<vmem>>, vector<1x16xf32>,
        %parallel_loop3A_268 = vector.shape_cast %parallel_loop3A_267 : vector<1x16xf32> to vector<16xf32>
        %parallel_loop3A_269 = vector.shape_cast %parallel_loop3A_263 : vector<16xf32> to vector<1x16xf32>
        tpu.vector_store %arg12[%parallel_loop3A_265, %parallel_loop3A_266], %parallel_loop3A_269 {strides = array<i32>} : memref<16x1024xf32, #tpu.memory_space<vmem>>, vector<1x16xf32>,
      } {sc.loop_unroll_factor = 4 : i64, sc.parallel_access}
      %slice3A_50 = vector.extract_strided_slice %get3A_42 {offsets = [2], sizes = [1], strides = [1]} : vector<16xi32> to vector<1xi32>
      %squeeze3A_51 = vector.extract %slice3A_50[0] : i32 from vector<1xi32>
      %parallel_loop3A_52 = arith.constant 0 : i32
      %parallel_loop3A_53 = arith.constant 64 : i32
      %parallel_loop3A_54 = arith.constant 1 : i32
      scf.for %parallel_loop3A_246 = %parallel_loop3A_52 to %parallel_loop3A_53 step %parallel_loop3A_54  : i32 {
        %parallel_loop3A_247 = arith.constant 16 : i32
        %parallel_loop3A_248 = arith.muli %parallel_loop3A_246, %parallel_loop3A_247 : i32
        %parallel_loop3A_249 = arith.constant 2 : i32
        %parallel_loop3A_250 = arith.index_cast %parallel_loop3A_249 : i32 to index
        %parallel_loop3A_251 = arith.index_cast %parallel_loop3A_248 : i32 to index
        %parallel_loop3A_252 = tpu.vector_load %arg10[%parallel_loop3A_250, %parallel_loop3A_251] {strides = array<i32>} : memref<16x1024xf32, #tpu.memory_space<vmem>>, vector<1x16xf32>,
        %parallel_loop3A_253 = vector.shape_cast %parallel_loop3A_252 : vector<1x16xf32> to vector<16xf32>
        %parallel_loop3A_254 = arith.index_cast %squeeze3A_51 : i32 to index
        %parallel_loop3A_255 = arith.index_cast %parallel_loop3A_248 : i32 to index
        %parallel_loop3A_256 = tpu.vector_load %arg8[%parallel_loop3A_254, %parallel_loop3A_255] {strides = array<i32>} : memref<16x1024xf32, #tpu.memory_space<vmem>>, vector<1x16xf32>,
        %parallel_loop3A_257 = vector.shape_cast %parallel_loop3A_256 : vector<1x16xf32> to vector<16xf32>
        %parallel_loop3A_258 = arith.mulf %parallel_loop3A_253, %parallel_loop3A_257 : vector<16xf32>
        %parallel_loop3A_259 = arith.index_cast %squeeze3A_51 : i32 to index
        %parallel_loop3A_260 = arith.index_cast %parallel_loop3A_248 : i32 to index
        %parallel_loop3A_261 = tpu.vector_load %arg9[%parallel_loop3A_259, %parallel_loop3A_260] {strides = array<i32>} : memref<16x1024xf32, #tpu.memory_space<vmem>>, vector<1x16xf32>,
        %parallel_loop3A_262 = vector.shape_cast %parallel_loop3A_261 : vector<1x16xf32> to vector<16xf32>
        %parallel_loop3A_263 = arith.addf %parallel_loop3A_258, %parallel_loop3A_262 : vector<16xf32>
        %parallel_loop3A_264 = arith.constant 2 : i32
        %parallel_loop3A_265 = arith.index_cast %parallel_loop3A_264 : i32 to index
        %parallel_loop3A_266 = arith.index_cast %parallel_loop3A_248 : i32 to index
        %parallel_loop3A_267 = tpu.vector_load %arg12[%parallel_loop3A_265, %parallel_loop3A_266] {strides = array<i32>} : memref<16x1024xf32, #tpu.memory_space<vmem>>, vector<1x16xf32>,
        %parallel_loop3A_268 = vector.shape_cast %parallel_loop3A_267 : vector<1x16xf32> to vector<16xf32>
        %parallel_loop3A_269 = vector.shape_cast %parallel_loop3A_263 : vector<16xf32> to vector<1x16xf32>
        tpu.vector_store %arg12[%parallel_loop3A_265, %parallel_loop3A_266], %parallel_loop3A_269 {strides = array<i32>} : memref<16x1024xf32, #tpu.memory_space<vmem>>, vector<1x16xf32>,
      } {sc.loop_unroll_factor = 4 : i64, sc.parallel_access}
      %slice3A_55 = vector.extract_strided_slice %get3A_42 {offsets = [3], sizes = [1], strides = [1]} : vector<16xi32> to vector<1xi32>
      %squeeze3A_56 = vector.extract %slice3A_55[0] : i32 from vector<1xi32>
      %parallel_loop3A_57 = arith.constant 0 : i32
      %parallel_loop3A_58 = arith.constant 64 : i32
      %parallel_loop3A_59 = arith.constant 1 : i32
      scf.for %parallel_loop3A_246 = %parallel_loop3A_57 to %parallel_loop3A_58 step %parallel_loop3A_59  : i32 {
        %parallel_loop3A_247 = arith.constant 16 : i32
        %parallel_loop3A_248 = arith.muli %parallel_loop3A_246, %parallel_loop3A_247 : i32
        %parallel_loop3A_249 = arith.constant 3 : i32
        %parallel_loop3A_250 = arith.index_cast %parallel_loop3A_249 : i32 to index
        %parallel_loop3A_251 = arith.index_cast %parallel_loop3A_248 : i32 to index
        %parallel_loop3A_252 = tpu.vector_load %arg10[%parallel_loop3A_250, %parallel_loop3A_251] {strides = array<i32>} : memref<16x1024xf32, #tpu.memory_space<vmem>>, vector<1x16xf32>,
        %parallel_loop3A_253 = vector.shape_cast %parallel_loop3A_252 : vector<1x16xf32> to vector<16xf32>
        %parallel_loop3A_254 = arith.index_cast %squeeze3A_56 : i32 to index
        %parallel_loop3A_255 = arith.index_cast %parallel_loop3A_248 : i32 to index
        %parallel_loop3A_256 = tpu.vector_load %arg8[%parallel_loop3A_254, %parallel_loop3A_255] {strides = array<i32>} : memref<16x1024xf32, #tpu.memory_space<vmem>>, vector<1x16xf32>,
        %parallel_loop3A_257 = vector.shape_cast %parallel_loop3A_256 : vector<1x16xf32> to vector<16xf32>
        %parallel_loop3A_258 = arith.mulf %parallel_loop3A_253, %parallel_loop3A_257 : vector<16xf32>
        %parallel_loop3A_259 = arith.index_cast %squeeze3A_56 : i32 to index
        %parallel_loop3A_260 = arith.index_cast %parallel_loop3A_248 : i32 to index
        %parallel_loop3A_261 = tpu.vector_load %arg9[%parallel_loop3A_259, %parallel_loop3A_260] {strides = array<i32>} : memref<16x1024xf32, #tpu.memory_space<vmem>>, vector<1x16xf32>,
        %parallel_loop3A_262 = vector.shape_cast %parallel_loop3A_261 : vector<1x16xf32> to vector<16xf32>
        %parallel_loop3A_263 = arith.addf %parallel_loop3A_258, %parallel_loop3A_262 : vector<16xf32>
        %parallel_loop3A_264 = arith.constant 3 : i32
        %parallel_loop3A_265 = arith.index_cast %parallel_loop3A_264 : i32 to index
        %parallel_loop3A_266 = arith.index_cast %parallel_loop3A_248 : i32 to index
        %parallel_loop3A_267 = tpu.vector_load %arg12[%parallel_loop3A_265, %parallel_loop3A_266] {strides = array<i32>} : memref<16x1024xf32, #tpu.memory_space<vmem>>, vector<1x16xf32>,
        %parallel_loop3A_268 = vector.shape_cast %parallel_loop3A_267 : vector<1x16xf32> to vector<16xf32>
        %parallel_loop3A_269 = vector.shape_cast %parallel_loop3A_263 : vector<16xf32> to vector<1x16xf32>
        tpu.vector_store %arg12[%parallel_loop3A_265, %parallel_loop3A_266], %parallel_loop3A_269 {strides = array<i32>} : memref<16x1024xf32, #tpu.memory_space<vmem>>, vector<1x16xf32>,
      } {sc.loop_unroll_factor = 4 : i64, sc.parallel_access}
      %slice3A_60 = vector.extract_strided_slice %get3A_42 {offsets = [4], sizes = [1], strides = [1]} : vector<16xi32> to vector<1xi32>
      %squeeze3A_61 = vector.extract %slice3A_60[0] : i32 from vector<1xi32>
      %parallel_loop3A_62 = arith.constant 0 : i32
      %parallel_loop3A_63 = arith.constant 64 : i32
      %parallel_loop3A_64 = arith.constant 1 : i32
      scf.for %parallel_loop3A_246 = %parallel_loop3A_62 to %parallel_loop3A_63 step %parallel_loop3A_64  : i32 {
        %parallel_loop3A_247 = arith.constant 16 : i32
        %parallel_loop3A_248 = arith.muli %parallel_loop3A_246, %parallel_loop3A_247 : i32
        %parallel_loop3A_249 = arith.constant 4 : i32
        %parallel_loop3A_250 = arith.index_cast %parallel_loop3A_249 : i32 to index
        %parallel_loop3A_251 = arith.index_cast %parallel_loop3A_248 : i32 to index
        %parallel_loop3A_252 = tpu.vector_load %arg10[%parallel_loop3A_250, %parallel_loop3A_251] {strides = array<i32>} : memref<16x1024xf32, #tpu.memory_space<vmem>>, vector<1x16xf32>,
        %parallel_loop3A_253 = vector.shape_cast %parallel_loop3A_252 : vector<1x16xf32> to vector<16xf32>
        %parallel_loop3A_254 = arith.index_cast %squeeze3A_61 : i32 to index
        %parallel_loop3A_255 = arith.index_cast %parallel_loop3A_248 : i32 to index
        %parallel_loop3A_256 = tpu.vector_load %arg8[%parallel_loop3A_254, %parallel_loop3A_255] {strides = array<i32>} : memref<16x1024xf32, #tpu.memory_space<vmem>>, vector<1x16xf32>,
        %parallel_loop3A_257 = vector.shape_cast %parallel_loop3A_256 : vector<1x16xf32> to vector<16xf32>
        %parallel_loop3A_258 = arith.mulf %parallel_loop3A_253, %parallel_loop3A_257 : vector<16xf32>
        %parallel_loop3A_259 = arith.index_cast %squeeze3A_61 : i32 to index
        %parallel_loop3A_260 = arith.index_cast %parallel_loop3A_248 : i32 to index
        %parallel_loop3A_261 = tpu.vector_load %arg9[%parallel_loop3A_259, %parallel_loop3A_260] {strides = array<i32>} : memref<16x1024xf32, #tpu.memory_space<vmem>>, vector<1x16xf32>,
        %parallel_loop3A_262 = vector.shape_cast %parallel_loop3A_261 : vector<1x16xf32> to vector<16xf32>
        %parallel_loop3A_263 = arith.addf %parallel_loop3A_258, %parallel_loop3A_262 : vector<16xf32>
        %parallel_loop3A_264 = arith.constant 4 : i32
        %parallel_loop3A_265 = arith.index_cast %parallel_loop3A_264 : i32 to index
        %parallel_loop3A_266 = arith.index_cast %parallel_loop3A_248 : i32 to index
        %parallel_loop3A_267 = tpu.vector_load %arg12[%parallel_loop3A_265, %parallel_loop3A_266] {strides = array<i32>} : memref<16x1024xf32, #tpu.memory_space<vmem>>, vector<1x16xf32>,
        %parallel_loop3A_268 = vector.shape_cast %parallel_loop3A_267 : vector<1x16xf32> to vector<16xf32>
        %parallel_loop3A_269 = vector.shape_cast %parallel_loop3A_263 : vector<16xf32> to vector<1x16xf32>
        tpu.vector_store %arg12[%parallel_loop3A_265, %parallel_loop3A_266], %parallel_loop3A_269 {strides = array<i32>} : memref<16x1024xf32, #tpu.memory_space<vmem>>, vector<1x16xf32>,
      } {sc.loop_unroll_factor = 4 : i64, sc.parallel_access}
      %slice3A_65 = vector.extract_strided_slice %get3A_42 {offsets = [5], sizes = [1], strides = [1]} : vector<16xi32> to vector<1xi32>
      %squeeze3A_66 = vector.extract %slice3A_65[0] : i32 from vector<1xi32>
      %parallel_loop3A_67 = arith.constant 0 : i32
      %parallel_loop3A_68 = arith.constant 64 : i32
      %parallel_loop3A_69 = arith.constant 1 : i32
      scf.for %parallel_loop3A_246 = %parallel_loop3A_67 to %parallel_loop3A_68 step %parallel_loop3A_69  : i32 {
        %parallel_loop3A_247 = arith.constant 16 : i32
        %parallel_loop3A_248 = arith.muli %parallel_loop3A_246, %parallel_loop3A_247 : i32
        %parallel_loop3A_249 = arith.constant 5 : i32
        %parallel_loop3A_250 = arith.index_cast %parallel_loop3A_249 : i32 to index
        %parallel_loop3A_251 = arith.index_cast %parallel_loop3A_248 : i32 to index
        %parallel_loop3A_252 = tpu.vector_load %arg10[%parallel_loop3A_250, %parallel_loop3A_251] {strides = array<i32>} : memref<16x1024xf32, #tpu.memory_space<vmem>>, vector<1x16xf32>,
        %parallel_loop3A_253 = vector.shape_cast %parallel_loop3A_252 : vector<1x16xf32> to vector<16xf32>
        %parallel_loop3A_254 = arith.index_cast %squeeze3A_66 : i32 to index
        %parallel_loop3A_255 = arith.index_cast %parallel_loop3A_248 : i32 to index
        %parallel_loop3A_256 = tpu.vector_load %arg8[%parallel_loop3A_254, %parallel_loop3A_255] {strides = array<i32>} : memref<16x1024xf32, #tpu.memory_space<vmem>>, vector<1x16xf32>,
        %parallel_loop3A_257 = vector.shape_cast %parallel_loop3A_256 : vector<1x16xf32> to vector<16xf32>
        %parallel_loop3A_258 = arith.mulf %parallel_loop3A_253, %parallel_loop3A_257 : vector<16xf32>
        %parallel_loop3A_259 = arith.index_cast %squeeze3A_66 : i32 to index
        %parallel_loop3A_260 = arith.index_cast %parallel_loop3A_248 : i32 to index
        %parallel_loop3A_261 = tpu.vector_load %arg9[%parallel_loop3A_259, %parallel_loop3A_260] {strides = array<i32>} : memref<16x1024xf32, #tpu.memory_space<vmem>>, vector<1x16xf32>,
        %parallel_loop3A_262 = vector.shape_cast %parallel_loop3A_261 : vector<1x16xf32> to vector<16xf32>
        %parallel_loop3A_263 = arith.addf %parallel_loop3A_258, %parallel_loop3A_262 : vector<16xf32>
        %parallel_loop3A_264 = arith.constant 5 : i32
        %parallel_loop3A_265 = arith.index_cast %parallel_loop3A_264 : i32 to index
        %parallel_loop3A_266 = arith.index_cast %parallel_loop3A_248 : i32 to index
        %parallel_loop3A_267 = tpu.vector_load %arg12[%parallel_loop3A_265, %parallel_loop3A_266] {strides = array<i32>} : memref<16x1024xf32, #tpu.memory_space<vmem>>, vector<1x16xf32>,
        %parallel_loop3A_268 = vector.shape_cast %parallel_loop3A_267 : vector<1x16xf32> to vector<16xf32>
        %parallel_loop3A_269 = vector.shape_cast %parallel_loop3A_263 : vector<16xf32> to vector<1x16xf32>
        tpu.vector_store %arg12[%parallel_loop3A_265, %parallel_loop3A_266], %parallel_loop3A_269 {strides = array<i32>} : memref<16x1024xf32, #tpu.memory_space<vmem>>, vector<1x16xf32>,
      } {sc.loop_unroll_factor = 4 : i64, sc.parallel_access}
      %slice3A_70 = vector.extract_strided_slice %get3A_42 {offsets = [6], sizes = [1], strides = [1]} : vector<16xi32> to vector<1xi32>
      %squeeze3A_71 = vector.extract %slice3A_70[0] : i32 from vector<1xi32>
      %parallel_loop3A_72 = arith.constant 0 : i32
      %parallel_loop3A_73 = arith.constant 64 : i32
      %parallel_loop3A_74 = arith.constant 1 : i32
      scf.for %parallel_loop3A_246 = %parallel_loop3A_72 to %parallel_loop3A_73 step %parallel_loop3A_74  : i32 {
        %parallel_loop3A_247 = arith.constant 16 : i32
        %parallel_loop3A_248 = arith.muli %parallel_loop3A_246, %parallel_loop3A_247 : i32
        %parallel_loop3A_249 = arith.constant 6 : i32
        %parallel_loop3A_250 = arith.index_cast %parallel_loop3A_249 : i32 to index
        %parallel_loop3A_251 = arith.index_cast %parallel_loop3A_248 : i32 to index
        %parallel_loop3A_252 = tpu.vector_load %arg10[%parallel_loop3A_250, %parallel_loop3A_251] {strides = array<i32>} : memref<16x1024xf32, #tpu.memory_space<vmem>>, vector<1x16xf32>,
        %parallel_loop3A_253 = vector.shape_cast %parallel_loop3A_252 : vector<1x16xf32> to vector<16xf32>
        %parallel_loop3A_254 = arith.index_cast %squeeze3A_71 : i32 to index
        %parallel_loop3A_255 = arith.index_cast %parallel_loop3A_248 : i32 to index
        %parallel_loop3A_256 = tpu.vector_load %arg8[%parallel_loop3A_254, %parallel_loop3A_255] {strides = array<i32>} : memref<16x1024xf32, #tpu.memory_space<vmem>>, vector<1x16xf32>,
        %parallel_loop3A_257 = vector.shape_cast %parallel_loop3A_256 : vector<1x16xf32> to vector<16xf32>
        %parallel_loop3A_258 = arith.mulf %parallel_loop3A_253, %parallel_loop3A_257 : vector<16xf32>
        %parallel_loop3A_259 = arith.index_cast %squeeze3A_71 : i32 to index
        %parallel_loop3A_260 = arith.index_cast %parallel_loop3A_248 : i32 to index
        %parallel_loop3A_261 = tpu.vector_load %arg9[%parallel_loop3A_259, %parallel_loop3A_260] {strides = array<i32>} : memref<16x1024xf32, #tpu.memory_space<vmem>>, vector<1x16xf32>,
        %parallel_loop3A_262 = vector.shape_cast %parallel_loop3A_261 : vector<1x16xf32> to vector<16xf32>
        %parallel_loop3A_263 = arith.addf %parallel_loop3A_258, %parallel_loop3A_262 : vector<16xf32>
        %parallel_loop3A_264 = arith.constant 6 : i32
        %parallel_loop3A_265 = arith.index_cast %parallel_loop3A_264 : i32 to index
        %parallel_loop3A_266 = arith.index_cast %parallel_loop3A_248 : i32 to index
        %parallel_loop3A_267 = tpu.vector_load %arg12[%parallel_loop3A_265, %parallel_loop3A_266] {strides = array<i32>} : memref<16x1024xf32, #tpu.memory_space<vmem>>, vector<1x16xf32>,
        %parallel_loop3A_268 = vector.shape_cast %parallel_loop3A_267 : vector<1x16xf32> to vector<16xf32>
        %parallel_loop3A_269 = vector.shape_cast %parallel_loop3A_263 : vector<16xf32> to vector<1x16xf32>
        tpu.vector_store %arg12[%parallel_loop3A_265, %parallel_loop3A_266], %parallel_loop3A_269 {strides = array<i32>} : memref<16x1024xf32, #tpu.memory_space<vmem>>, vector<1x16xf32>,
      } {sc.loop_unroll_factor = 4 : i64, sc.parallel_access}
      %slice3A_75 = vector.extract_strided_slice %get3A_42 {offsets = [7], sizes = [1], strides = [1]} : vector<16xi32> to vector<1xi32>
      %squeeze3A_76 = vector.extract %slice3A_75[0] : i32 from vector<1xi32>
      %parallel_loop3A_77 = arith.constant 0 : i32
      %parallel_loop3A_78 = arith.constant 64 : i32
      %parallel_loop3A_79 = arith.constant 1 : i32
      scf.for %parallel_loop3A_246 = %parallel_loop3A_77 to %parallel_loop3A_78 step %parallel_loop3A_79  : i32 {
        %parallel_loop3A_247 = arith.constant 16 : i32
        %parallel_loop3A_248 = arith.muli %parallel_loop3A_246, %parallel_loop3A_247 : i32
        %parallel_loop3A_249 = arith.constant 7 : i32
        %parallel_loop3A_250 = arith.index_cast %parallel_loop3A_249 : i32 to index
        %parallel_loop3A_251 = arith.index_cast %parallel_loop3A_248 : i32 to index
        %parallel_loop3A_252 = tpu.vector_load %arg10[%parallel_loop3A_250, %parallel_loop3A_251] {strides = array<i32>} : memref<16x1024xf32, #tpu.memory_space<vmem>>, vector<1x16xf32>,
        %parallel_loop3A_253 = vector.shape_cast %parallel_loop3A_252 : vector<1x16xf32> to vector<16xf32>
        %parallel_loop3A_254 = arith.index_cast %squeeze3A_76 : i32 to index
        %parallel_loop3A_255 = arith.index_cast %parallel_loop3A_248 : i32 to index
        %parallel_loop3A_256 = tpu.vector_load %arg8[%parallel_loop3A_254, %parallel_loop3A_255] {strides = array<i32>} : memref<16x1024xf32, #tpu.memory_space<vmem>>, vector<1x16xf32>,
        %parallel_loop3A_257 = vector.shape_cast %parallel_loop3A_256 : vector<1x16xf32> to vector<16xf32>
        %parallel_loop3A_258 = arith.mulf %parallel_loop3A_253, %parallel_loop3A_257 : vector<16xf32>
        %parallel_loop3A_259 = arith.index_cast %squeeze3A_76 : i32 to index
        %parallel_loop3A_260 = arith.index_cast %parallel_loop3A_248 : i32 to index
        %parallel_loop3A_261 = tpu.vector_load %arg9[%parallel_loop3A_259, %parallel_loop3A_260] {strides = array<i32>} : memref<16x1024xf32, #tpu.memory_space<vmem>>, vector<1x16xf32>,
        %parallel_loop3A_262 = vector.shape_cast %parallel_loop3A_261 : vector<1x16xf32> to vector<16xf32>
        %parallel_loop3A_263 = arith.addf %parallel_loop3A_258, %parallel_loop3A_262 : vector<16xf32>
        %parallel_loop3A_264 = arith.constant 7 : i32
        %parallel_loop3A_265 = arith.index_cast %parallel_loop3A_264 : i32 to index
        %parallel_loop3A_266 = arith.index_cast %parallel_loop3A_248 : i32 to index
        %parallel_loop3A_267 = tpu.vector_load %arg12[%parallel_loop3A_265, %parallel_loop3A_266] {strides = array<i32>} : memref<16x1024xf32, #tpu.memory_space<vmem>>, vector<1x16xf32>,
        %parallel_loop3A_268 = vector.shape_cast %parallel_loop3A_267 : vector<1x16xf32> to vector<16xf32>
        %parallel_loop3A_269 = vector.shape_cast %parallel_loop3A_263 : vector<16xf32> to vector<1x16xf32>
        tpu.vector_store %arg12[%parallel_loop3A_265, %parallel_loop3A_266], %parallel_loop3A_269 {strides = array<i32>} : memref<16x1024xf32, #tpu.memory_space<vmem>>, vector<1x16xf32>,
      } {sc.loop_unroll_factor = 4 : i64, sc.parallel_access}
      %slice3A_80 = vector.extract_strided_slice %get3A_42 {offsets = [8], sizes = [1], strides = [1]} : vector<16xi32> to vector<1xi32>
      %squeeze3A_81 = vector.extract %slice3A_80[0] : i32 from vector<1xi32>
      %parallel_loop3A_82 = arith.constant 0 : i32
      %parallel_loop3A_83 = arith.constant 64 : i32
      %parallel_loop3A_84 = arith.constant 1 : i32
      scf.for %parallel_loop3A_246 = %parallel_loop3A_82 to %parallel_loop3A_83 step %parallel_loop3A_84  : i32 {
        %parallel_loop3A_247 = arith.constant 16 : i32
        %parallel_loop3A_248 = arith.muli %parallel_loop3A_246, %parallel_loop3A_247 : i32
        %parallel_loop3A_249 = arith.constant 8 : i32
        %parallel_loop3A_250 = arith.index_cast %parallel_loop3A_249 : i32 to index
        %parallel_loop3A_251 = arith.index_cast %parallel_loop3A_248 : i32 to index
        %parallel_loop3A_252 = tpu.vector_load %arg10[%parallel_loop3A_250, %parallel_loop3A_251] {strides = array<i32>} : memref<16x1024xf32, #tpu.memory_space<vmem>>, vector<1x16xf32>,
        %parallel_loop3A_253 = vector.shape_cast %parallel_loop3A_252 : vector<1x16xf32> to vector<16xf32>
        %parallel_loop3A_254 = arith.index_cast %squeeze3A_81 : i32 to index
        %parallel_loop3A_255 = arith.index_cast %parallel_loop3A_248 : i32 to index
        %parallel_loop3A_256 = tpu.vector_load %arg8[%parallel_loop3A_254, %parallel_loop3A_255] {strides = array<i32>} : memref<16x1024xf32, #tpu.memory_space<vmem>>, vector<1x16xf32>,
        %parallel_loop3A_257 = vector.shape_cast %parallel_loop3A_256 : vector<1x16xf32> to vector<16xf32>
        %parallel_loop3A_258 = arith.mulf %parallel_loop3A_253, %parallel_loop3A_257 : vector<16xf32>
        %parallel_loop3A_259 = arith.index_cast %squeeze3A_81 : i32 to index
        %parallel_loop3A_260 = arith.index_cast %parallel_loop3A_248 : i32 to index
        %parallel_loop3A_261 = tpu.vector_load %arg9[%parallel_loop3A_259, %parallel_loop3A_260] {strides = array<i32>} : memref<16x1024xf32, #tpu.memory_space<vmem>>, vector<1x16xf32>,
        %parallel_loop3A_262 = vector.shape_cast %parallel_loop3A_261 : vector<1x16xf32> to vector<16xf32>
        %parallel_loop3A_263 = arith.addf %parallel_loop3A_258, %parallel_loop3A_262 : vector<16xf32>
        %parallel_loop3A_264 = arith.constant 8 : i32
        %parallel_loop3A_265 = arith.index_cast %parallel_loop3A_264 : i32 to index
        %parallel_loop3A_266 = arith.index_cast %parallel_loop3A_248 : i32 to index
        %parallel_loop3A_267 = tpu.vector_load %arg12[%parallel_loop3A_265, %parallel_loop3A_266] {strides = array<i32>} : memref<16x1024xf32, #tpu.memory_space<vmem>>, vector<1x16xf32>,
        %parallel_loop3A_268 = vector.shape_cast %parallel_loop3A_267 : vector<1x16xf32> to vector<16xf32>
        %parallel_loop3A_269 = vector.shape_cast %parallel_loop3A_263 : vector<16xf32> to vector<1x16xf32>
        tpu.vector_store %arg12[%parallel_loop3A_265, %parallel_loop3A_266], %parallel_loop3A_269 {strides = array<i32>} : memref<16x1024xf32, #tpu.memory_space<vmem>>, vector<1x16xf32>,
      } {sc.loop_unroll_factor = 4 : i64, sc.parallel_access}
      %slice3A_85 = vector.extract_strided_slice %get3A_42 {offsets = [9], sizes = [1], strides = [1]} : vector<16xi32> to vector<1xi32>
      %squeeze3A_86 = vector.extract %slice3A_85[0] : i32 from vector<1xi32>
      %parallel_loop3A_87 = arith.constant 0 : i32
      %parallel_loop3A_88 = arith.constant 64 : i32
      %parallel_loop3A_89 = arith.constant 1 : i32
      scf.for %parallel_loop3A_246 = %parallel_loop3A_87 to %parallel_loop3A_88 step %parallel_loop3A_89  : i32 {
        %parallel_loop3A_247 = arith.constant 16 : i32
        %parallel_loop3A_248 = arith.muli %parallel_loop3A_246, %parallel_loop3A_247 : i32
        %parallel_loop3A_249 = arith.constant 9 : i32
        %parallel_loop3A_250 = arith.index_cast %parallel_loop3A_249 : i32 to index
        %parallel_loop3A_251 = arith.index_cast %parallel_loop3A_248 : i32 to index
        %parallel_loop3A_252 = tpu.vector_load %arg10[%parallel_loop3A_250, %parallel_loop3A_251] {strides = array<i32>} : memref<16x1024xf32, #tpu.memory_space<vmem>>, vector<1x16xf32>,
        %parallel_loop3A_253 = vector.shape_cast %parallel_loop3A_252 : vector<1x16xf32> to vector<16xf32>
        %parallel_loop3A_254 = arith.index_cast %squeeze3A_86 : i32 to index
        %parallel_loop3A_255 = arith.index_cast %parallel_loop3A_248 : i32 to index
        %parallel_loop3A_256 = tpu.vector_load %arg8[%parallel_loop3A_254, %parallel_loop3A_255] {strides = array<i32>} : memref<16x1024xf32, #tpu.memory_space<vmem>>, vector<1x16xf32>,
        %parallel_loop3A_257 = vector.shape_cast %parallel_loop3A_256 : vector<1x16xf32> to vector<16xf32>
        %parallel_loop3A_258 = arith.mulf %parallel_loop3A_253, %parallel_loop3A_257 : vector<16xf32>
        %parallel_loop3A_259 = arith.index_cast %squeeze3A_86 : i32 to index
        %parallel_loop3A_260 = arith.index_cast %parallel_loop3A_248 : i32 to index
        %parallel_loop3A_261 = tpu.vector_load %arg9[%parallel_loop3A_259, %parallel_loop3A_260] {strides = array<i32>} : memref<16x1024xf32, #tpu.memory_space<vmem>>, vector<1x16xf32>,
        %parallel_loop3A_262 = vector.shape_cast %parallel_loop3A_261 : vector<1x16xf32> to vector<16xf32>
        %parallel_loop3A_263 = arith.addf %parallel_loop3A_258, %parallel_loop3A_262 : vector<16xf32>
        %parallel_loop3A_264 = arith.constant 9 : i32
        %parallel_loop3A_265 = arith.index_cast %parallel_loop3A_264 : i32 to index
        %parallel_loop3A_266 = arith.index_cast %parallel_loop3A_248 : i32 to index
        %parallel_loop3A_267 = tpu.vector_load %arg12[%parallel_loop3A_265, %parallel_loop3A_266] {strides = array<i32>} : memref<16x1024xf32, #tpu.memory_space<vmem>>, vector<1x16xf32>,
        %parallel_loop3A_268 = vector.shape_cast %parallel_loop3A_267 : vector<1x16xf32> to vector<16xf32>
        %parallel_loop3A_269 = vector.shape_cast %parallel_loop3A_263 : vector<16xf32> to vector<1x16xf32>
        tpu.vector_store %arg12[%parallel_loop3A_265, %parallel_loop3A_266], %parallel_loop3A_269 {strides = array<i32>} : memref<16x1024xf32, #tpu.memory_space<vmem>>, vector<1x16xf32>,
      } {sc.loop_unroll_factor = 4 : i64, sc.parallel_access}
      %slice3A_90 = vector.extract_strided_slice %get3A_42 {offsets = [10], sizes = [1], strides = [1]} : vector<16xi32> to vector<1xi32>
      %squeeze3A_91 = vector.extract %slice3A_90[0] : i32 from vector<1xi32>
      %parallel_loop3A_92 = arith.constant 0 : i32
      %parallel_loop3A_93 = arith.constant 64 : i32
      %parallel_loop3A_94 = arith.constant 1 : i32
      scf.for %parallel_loop3A_246 = %parallel_loop3A_92 to %parallel_loop3A_93 step %parallel_loop3A_94  : i32 {
        %parallel_loop3A_247 = arith.constant 16 : i32
        %parallel_loop3A_248 = arith.muli %parallel_loop3A_246, %parallel_loop3A_247 : i32
        %parallel_loop3A_249 = arith.constant 10 : i32
        %parallel_loop3A_250 = arith.index_cast %parallel_loop3A_249 : i32 to index
        %parallel_loop3A_251 = arith.index_cast %parallel_loop3A_248 : i32 to index
        %parallel_loop3A_252 = tpu.vector_load %arg10[%parallel_loop3A_250, %parallel_loop3A_251] {strides = array<i32>} : memref<16x1024xf32, #tpu.memory_space<vmem>>, vector<1x16xf32>,
        %parallel_loop3A_253 = vector.shape_cast %parallel_loop3A_252 : vector<1x16xf32> to vector<16xf32>
        %parallel_loop3A_254 = arith.index_cast %squeeze3A_91 : i32 to index
        %parallel_loop3A_255 = arith.index_cast %parallel_loop3A_248 : i32 to index
        %parallel_loop3A_256 = tpu.vector_load %arg8[%parallel_loop3A_254, %parallel_loop3A_255] {strides = array<i32>} : memref<16x1024xf32, #tpu.memory_space<vmem>>, vector<1x16xf32>,
        %parallel_loop3A_257 = vector.shape_cast %parallel_loop3A_256 : vector<1x16xf32> to vector<16xf32>
        %parallel_loop3A_258 = arith.mulf %parallel_loop3A_253, %parallel_loop3A_257 : vector<16xf32>
        %parallel_loop3A_259 = arith.index_cast %squeeze3A_91 : i32 to index
        %parallel_loop3A_260 = arith.index_cast %parallel_loop3A_248 : i32 to index
        %parallel_loop3A_261 = tpu.vector_load %arg9[%parallel_loop3A_259, %parallel_loop3A_260] {strides = array<i32>} : memref<16x1024xf32, #tpu.memory_space<vmem>>, vector<1x16xf32>,
        %parallel_loop3A_262 = vector.shape_cast %parallel_loop3A_261 : vector<1x16xf32> to vector<16xf32>
        %parallel_loop3A_263 = arith.addf %parallel_loop3A_258, %parallel_loop3A_262 : vector<16xf32>
        %parallel_loop3A_264 = arith.constant 10 : i32
        %parallel_loop3A_265 = arith.index_cast %parallel_loop3A_264 : i32 to index
        %parallel_loop3A_266 = arith.index_cast %parallel_loop3A_248 : i32 to index
        %parallel_loop3A_267 = tpu.vector_load %arg12[%parallel_loop3A_265, %parallel_loop3A_266] {strides = array<i32>} : memref<16x1024xf32, #tpu.memory_space<vmem>>, vector<1x16xf32>,
        %parallel_loop3A_268 = vector.shape_cast %parallel_loop3A_267 : vector<1x16xf32> to vector<16xf32>
        %parallel_loop3A_269 = vector.shape_cast %parallel_loop3A_263 : vector<16xf32> to vector<1x16xf32>
        tpu.vector_store %arg12[%parallel_loop3A_265, %parallel_loop3A_266], %parallel_loop3A_269 {strides = array<i32>} : memref<16x1024xf32, #tpu.memory_space<vmem>>, vector<1x16xf32>,
      } {sc.loop_unroll_factor = 4 : i64, sc.parallel_access}
      %slice3A_95 = vector.extract_strided_slice %get3A_42 {offsets = [11], sizes = [1], strides = [1]} : vector<16xi32> to vector<1xi32>
      %squeeze3A_96 = vector.extract %slice3A_95[0] : i32 from vector<1xi32>
      %parallel_loop3A_97 = arith.constant 0 : i32
      %parallel_loop3A_98 = arith.constant 64 : i32
      %parallel_loop3A_99 = arith.constant 1 : i32
      scf.for %parallel_loop3A_246 = %parallel_loop3A_97 to %parallel_loop3A_98 step %parallel_loop3A_99  : i32 {
        %parallel_loop3A_247 = arith.constant 16 : i32
        %parallel_loop3A_248 = arith.muli %parallel_loop3A_246, %parallel_loop3A_247 : i32
        %parallel_loop3A_249 = arith.constant 11 : i32
        %parallel_loop3A_250 = arith.index_cast %parallel_loop3A_249 : i32 to index
        %parallel_loop3A_251 = arith.index_cast %parallel_loop3A_248 : i32 to index
        %parallel_loop3A_252 = tpu.vector_load %arg10[%parallel_loop3A_250, %parallel_loop3A_251] {strides = array<i32>} : memref<16x1024xf32, #tpu.memory_space<vmem>>, vector<1x16xf32>,
        %parallel_loop3A_253 = vector.shape_cast %parallel_loop3A_252 : vector<1x16xf32> to vector<16xf32>
        %parallel_loop3A_254 = arith.index_cast %squeeze3A_96 : i32 to index
        %parallel_loop3A_255 = arith.index_cast %parallel_loop3A_248 : i32 to index
        %parallel_loop3A_256 = tpu.vector_load %arg8[%parallel_loop3A_254, %parallel_loop3A_255] {strides = array<i32>} : memref<16x1024xf32, #tpu.memory_space<vmem>>, vector<1x16xf32>,
        %parallel_loop3A_257 = vector.shape_cast %parallel_loop3A_256 : vector<1x16xf32> to vector<16xf32>
        %parallel_loop3A_258 = arith.mulf %parallel_loop3A_253, %parallel_loop3A_257 : vector<16xf32>
        %parallel_loop3A_259 = arith.index_cast %squeeze3A_96 : i32 to index
        %parallel_loop3A_260 = arith.index_cast %parallel_loop3A_248 : i32 to index
        %parallel_loop3A_261 = tpu.vector_load %arg9[%parallel_loop3A_259, %parallel_loop3A_260] {strides = array<i32>} : memref<16x1024xf32, #tpu.memory_space<vmem>>, vector<1x16xf32>,
        %parallel_loop3A_262 = vector.shape_cast %parallel_loop3A_261 : vector<1x16xf32> to vector<16xf32>
        %parallel_loop3A_263 = arith.addf %parallel_loop3A_258, %parallel_loop3A_262 : vector<16xf32>
        %parallel_loop3A_264 = arith.constant 11 : i32
        %parallel_loop3A_265 = arith.index_cast %parallel_loop3A_264 : i32 to index
        %parallel_loop3A_266 = arith.index_cast %parallel_loop3A_248 : i32 to index
        %parallel_loop3A_267 = tpu.vector_load %arg12[%parallel_loop3A_265, %parallel_loop3A_266] {strides = array<i32>} : memref<16x1024xf32, #tpu.memory_space<vmem>>, vector<1x16xf32>,
        %parallel_loop3A_268 = vector.shape_cast %parallel_loop3A_267 : vector<1x16xf32> to vector<16xf32>
        %parallel_loop3A_269 = vector.shape_cast %parallel_loop3A_263 : vector<16xf32> to vector<1x16xf32>
        tpu.vector_store %arg12[%parallel_loop3A_265, %parallel_loop3A_266], %parallel_loop3A_269 {strides = array<i32>} : memref<16x1024xf32, #tpu.memory_space<vmem>>, vector<1x16xf32>,
      } {sc.loop_unroll_factor = 4 : i64, sc.parallel_access}
      %slice3A_100 = vector.extract_strided_slice %get3A_42 {offsets = [12], sizes = [1], strides = [1]} : vector<16xi32> to vector<1xi32>
      %squeeze3A_101 = vector.extract %slice3A_100[0] : i32 from vector<1xi32>
      %parallel_loop3A_102 = arith.constant 0 : i32
      %parallel_loop3A_103 = arith.constant 64 : i32
      %parallel_loop3A_104 = arith.constant 1 : i32
      scf.for %parallel_loop3A_246 = %parallel_loop3A_102 to %parallel_loop3A_103 step %parallel_loop3A_104  : i32 {
        %parallel_loop3A_247 = arith.constant 16 : i32
        %parallel_loop3A_248 = arith.muli %parallel_loop3A_246, %parallel_loop3A_247 : i32
        %parallel_loop3A_249 = arith.constant 12 : i32
        %parallel_loop3A_250 = arith.index_cast %parallel_loop3A_249 : i32 to index
        %parallel_loop3A_251 = arith.index_cast %parallel_loop3A_248 : i32 to index
        %parallel_loop3A_252 = tpu.vector_load %arg10[%parallel_loop3A_250, %parallel_loop3A_251] {strides = array<i32>} : memref<16x1024xf32, #tpu.memory_space<vmem>>, vector<1x16xf32>,
        %parallel_loop3A_253 = vector.shape_cast %parallel_loop3A_252 : vector<1x16xf32> to vector<16xf32>
        %parallel_loop3A_254 = arith.index_cast %squeeze3A_101 : i32 to index
        %parallel_loop3A_255 = arith.index_cast %parallel_loop3A_248 : i32 to index
        %parallel_loop3A_256 = tpu.vector_load %arg8[%parallel_loop3A_254, %parallel_loop3A_255] {strides = array<i32>} : memref<16x1024xf32, #tpu.memory_space<vmem>>, vector<1x16xf32>,
        %parallel_loop3A_257 = vector.shape_cast %parallel_loop3A_256 : vector<1x16xf32> to vector<16xf32>
        %parallel_loop3A_258 = arith.mulf %parallel_loop3A_253, %parallel_loop3A_257 : vector<16xf32>
        %parallel_loop3A_259 = arith.index_cast %squeeze3A_101 : i32 to index
        %parallel_loop3A_260 = arith.index_cast %parallel_loop3A_248 : i32 to index
        %parallel_loop3A_261 = tpu.vector_load %arg9[%parallel_loop3A_259, %parallel_loop3A_260] {strides = array<i32>} : memref<16x1024xf32, #tpu.memory_space<vmem>>, vector<1x16xf32>,
        %parallel_loop3A_262 = vector.shape_cast %parallel_loop3A_261 : vector<1x16xf32> to vector<16xf32>
        %parallel_loop3A_263 = arith.addf %parallel_loop3A_258, %parallel_loop3A_262 : vector<16xf32>
        %parallel_loop3A_264 = arith.constant 12 : i32
        %parallel_loop3A_265 = arith.index_cast %parallel_loop3A_264 : i32 to index
        %parallel_loop3A_266 = arith.index_cast %parallel_loop3A_248 : i32 to index
        %parallel_loop3A_267 = tpu.vector_load %arg12[%parallel_loop3A_265, %parallel_loop3A_266] {strides = array<i32>} : memref<16x1024xf32, #tpu.memory_space<vmem>>, vector<1x16xf32>,
        %parallel_loop3A_268 = vector.shape_cast %parallel_loop3A_267 : vector<1x16xf32> to vector<16xf32>
        %parallel_loop3A_269 = vector.shape_cast %parallel_loop3A_263 : vector<16xf32> to vector<1x16xf32>
        tpu.vector_store %arg12[%parallel_loop3A_265, %parallel_loop3A_266], %parallel_loop3A_269 {strides = array<i32>} : memref<16x1024xf32, #tpu.memory_space<vmem>>, vector<1x16xf32>,
      } {sc.loop_unroll_factor = 4 : i64, sc.parallel_access}
      %slice3A_105 = vector.extract_strided_slice %get3A_42 {offsets = [13], sizes = [1], strides = [1]} : vector<16xi32> to vector<1xi32>
      %squeeze3A_106 = vector.extract %slice3A_105[0] : i32 from vector<1xi32>
      %parallel_loop3A_107 = arith.constant 0 : i32
      %parallel_loop3A_108 = arith.constant 64 : i32
      %parallel_loop3A_109 = arith.constant 1 : i32
      scf.for %parallel_loop3A_246 = %parallel_loop3A_107 to %parallel_loop3A_108 step %parallel_loop3A_109  : i32 {
        %parallel_loop3A_247 = arith.constant 16 : i32
        %parallel_loop3A_248 = arith.muli %parallel_loop3A_246, %parallel_loop3A_247 : i32
        %parallel_loop3A_249 = arith.constant 13 : i32
        %parallel_loop3A_250 = arith.index_cast %parallel_loop3A_249 : i32 to index
        %parallel_loop3A_251 = arith.index_cast %parallel_loop3A_248 : i32 to index
        %parallel_loop3A_252 = tpu.vector_load %arg10[%parallel_loop3A_250, %parallel_loop3A_251] {strides = array<i32>} : memref<16x1024xf32, #tpu.memory_space<vmem>>, vector<1x16xf32>,
        %parallel_loop3A_253 = vector.shape_cast %parallel_loop3A_252 : vector<1x16xf32> to vector<16xf32>
        %parallel_loop3A_254 = arith.index_cast %squeeze3A_106 : i32 to index
        %parallel_loop3A_255 = arith.index_cast %parallel_loop3A_248 : i32 to index
        %parallel_loop3A_256 = tpu.vector_load %arg8[%parallel_loop3A_254, %parallel_loop3A_255] {strides = array<i32>} : memref<16x1024xf32, #tpu.memory_space<vmem>>, vector<1x16xf32>,
        %parallel_loop3A_257 = vector.shape_cast %parallel_loop3A_256 : vector<1x16xf32> to vector<16xf32>
        %parallel_loop3A_258 = arith.mulf %parallel_loop3A_253, %parallel_loop3A_257 : vector<16xf32>
        %parallel_loop3A_259 = arith.index_cast %squeeze3A_106 : i32 to index
        %parallel_loop3A_260 = arith.index_cast %parallel_loop3A_248 : i32 to index
        %parallel_loop3A_261 = tpu.vector_load %arg9[%parallel_loop3A_259, %parallel_loop3A_260] {strides = array<i32>} : memref<16x1024xf32, #tpu.memory_space<vmem>>, vector<1x16xf32>,
        %parallel_loop3A_262 = vector.shape_cast %parallel_loop3A_261 : vector<1x16xf32> to vector<16xf32>
        %parallel_loop3A_263 = arith.addf %parallel_loop3A_258, %parallel_loop3A_262 : vector<16xf32>
        %parallel_loop3A_264 = arith.constant 13 : i32
        %parallel_loop3A_265 = arith.index_cast %parallel_loop3A_264 : i32 to index
        %parallel_loop3A_266 = arith.index_cast %parallel_loop3A_248 : i32 to index
        %parallel_loop3A_267 = tpu.vector_load %arg12[%parallel_loop3A_265, %parallel_loop3A_266] {strides = array<i32>} : memref<16x1024xf32, #tpu.memory_space<vmem>>, vector<1x16xf32>,
        %parallel_loop3A_268 = vector.shape_cast %parallel_loop3A_267 : vector<1x16xf32> to vector<16xf32>
        %parallel_loop3A_269 = vector.shape_cast %parallel_loop3A_263 : vector<16xf32> to vector<1x16xf32>
        tpu.vector_store %arg12[%parallel_loop3A_265, %parallel_loop3A_266], %parallel_loop3A_269 {strides = array<i32>} : memref<16x1024xf32, #tpu.memory_space<vmem>>, vector<1x16xf32>,
      } {sc.loop_unroll_factor = 4 : i64, sc.parallel_access}
      %slice3A_110 = vector.extract_strided_slice %get3A_42 {offsets = [14], sizes = [1], strides = [1]} : vector<16xi32> to vector<1xi32>
      %squeeze3A_111 = vector.extract %slice3A_110[0] : i32 from vector<1xi32>
      %parallel_loop3A_112 = arith.constant 0 : i32
      %parallel_loop3A_113 = arith.constant 64 : i32
      %parallel_loop3A_114 = arith.constant 1 : i32
      scf.for %parallel_loop3A_246 = %parallel_loop3A_112 to %parallel_loop3A_113 step %parallel_loop3A_114  : i32 {
        %parallel_loop3A_247 = arith.constant 16 : i32
        %parallel_loop3A_248 = arith.muli %parallel_loop3A_246, %parallel_loop3A_247 : i32
        %parallel_loop3A_249 = arith.constant 14 : i32
        %parallel_loop3A_250 = arith.index_cast %parallel_loop3A_249 : i32 to index
        %parallel_loop3A_251 = arith.index_cast %parallel_loop3A_248 : i32 to index
        %parallel_loop3A_252 = tpu.vector_load %arg10[%parallel_loop3A_250, %parallel_loop3A_251] {strides = array<i32>} : memref<16x1024xf32, #tpu.memory_space<vmem>>, vector<1x16xf32>,
        %parallel_loop3A_253 = vector.shape_cast %parallel_loop3A_252 : vector<1x16xf32> to vector<16xf32>
        %parallel_loop3A_254 = arith.index_cast %squeeze3A_111 : i32 to index
        %parallel_loop3A_255 = arith.index_cast %parallel_loop3A_248 : i32 to index
        %parallel_loop3A_256 = tpu.vector_load %arg8[%parallel_loop3A_254, %parallel_loop3A_255] {strides = array<i32>} : memref<16x1024xf32, #tpu.memory_space<vmem>>, vector<1x16xf32>,
        %parallel_loop3A_257 = vector.shape_cast %parallel_loop3A_256 : vector<1x16xf32> to vector<16xf32>
        %parallel_loop3A_258 = arith.mulf %parallel_loop3A_253, %parallel_loop3A_257 : vector<16xf32>
        %parallel_loop3A_259 = arith.index_cast %squeeze3A_111 : i32 to index
        %parallel_loop3A_260 = arith.index_cast %parallel_loop3A_248 : i32 to index
        %parallel_loop3A_261 = tpu.vector_load %arg9[%parallel_loop3A_259, %parallel_loop3A_260] {strides = array<i32>} : memref<16x1024xf32, #tpu.memory_space<vmem>>, vector<1x16xf32>,
        %parallel_loop3A_262 = vector.shape_cast %parallel_loop3A_261 : vector<1x16xf32> to vector<16xf32>
        %parallel_loop3A_263 = arith.addf %parallel_loop3A_258, %parallel_loop3A_262 : vector<16xf32>
        %parallel_loop3A_264 = arith.constant 14 : i32
        %parallel_loop3A_265 = arith.index_cast %parallel_loop3A_264 : i32 to index
        %parallel_loop3A_266 = arith.index_cast %parallel_loop3A_248 : i32 to index
        %parallel_loop3A_267 = tpu.vector_load %arg12[%parallel_loop3A_265, %parallel_loop3A_266] {strides = array<i32>} : memref<16x1024xf32, #tpu.memory_space<vmem>>, vector<1x16xf32>,
        %parallel_loop3A_268 = vector.shape_cast %parallel_loop3A_267 : vector<1x16xf32> to vector<16xf32>
        %parallel_loop3A_269 = vector.shape_cast %parallel_loop3A_263 : vector<16xf32> to vector<1x16xf32>
        tpu.vector_store %arg12[%parallel_loop3A_265, %parallel_loop3A_266], %parallel_loop3A_269 {strides = array<i32>} : memref<16x1024xf32, #tpu.memory_space<vmem>>, vector<1x16xf32>,
      } {sc.loop_unroll_factor = 4 : i64, sc.parallel_access}
      %slice3A_115 = vector.extract_strided_slice %get3A_42 {offsets = [15], sizes = [1], strides = [1]} : vector<16xi32> to vector<1xi32>
      %squeeze3A_116 = vector.extract %slice3A_115[0] : i32 from vector<1xi32>
      %parallel_loop3A_117 = arith.constant 0 : i32
      %parallel_loop3A_118 = arith.constant 64 : i32
      %parallel_loop3A_119 = arith.constant 1 : i32
      scf.for %parallel_loop3A_246 = %parallel_loop3A_117 to %parallel_loop3A_118 step %parallel_loop3A_119  : i32 {
        %parallel_loop3A_247 = arith.constant 16 : i32
        %parallel_loop3A_248 = arith.muli %parallel_loop3A_246, %parallel_loop3A_247 : i32
        %parallel_loop3A_249 = arith.constant 15 : i32
        %parallel_loop3A_250 = arith.index_cast %parallel_loop3A_249 : i32 to index
        %parallel_loop3A_251 = arith.index_cast %parallel_loop3A_248 : i32 to index
        %parallel_loop3A_252 = tpu.vector_load %arg10[%parallel_loop3A_250, %parallel_loop3A_251] {strides = array<i32>} : memref<16x1024xf32, #tpu.memory_space<vmem>>, vector<1x16xf32>,
        %parallel_loop3A_253 = vector.shape_cast %parallel_loop3A_252 : vector<1x16xf32> to vector<16xf32>
        %parallel_loop3A_254 = arith.index_cast %squeeze3A_116 : i32 to index
        %parallel_loop3A_255 = arith.index_cast %parallel_loop3A_248 : i32 to index
        %parallel_loop3A_256 = tpu.vector_load %arg8[%parallel_loop3A_254, %parallel_loop3A_255] {strides = array<i32>} : memref<16x1024xf32, #tpu.memory_space<vmem>>, vector<1x16xf32>,
        %parallel_loop3A_257 = vector.shape_cast %parallel_loop3A_256 : vector<1x16xf32> to vector<16xf32>
        %parallel_loop3A_258 = arith.mulf %parallel_loop3A_253, %parallel_loop3A_257 : vector<16xf32>
        %parallel_loop3A_259 = arith.index_cast %squeeze3A_116 : i32 to index
        %parallel_loop3A_260 = arith.index_cast %parallel_loop3A_248 : i32 to index
        %parallel_loop3A_261 = tpu.vector_load %arg9[%parallel_loop3A_259, %parallel_loop3A_260] {strides = array<i32>} : memref<16x1024xf32, #tpu.memory_space<vmem>>, vector<1x16xf32>,
        %parallel_loop3A_262 = vector.shape_cast %parallel_loop3A_261 : vector<1x16xf32> to vector<16xf32>
        %parallel_loop3A_263 = arith.addf %parallel_loop3A_258, %parallel_loop3A_262 : vector<16xf32>
        %parallel_loop3A_264 = arith.constant 15 : i32
        %parallel_loop3A_265 = arith.index_cast %parallel_loop3A_264 : i32 to index
        %parallel_loop3A_266 = arith.index_cast %parallel_loop3A_248 : i32 to index
        %parallel_loop3A_267 = tpu.vector_load %arg12[%parallel_loop3A_265, %parallel_loop3A_266] {strides = array<i32>} : memref<16x1024xf32, #tpu.memory_space<vmem>>, vector<1x16xf32>,
        %parallel_loop3A_268 = vector.shape_cast %parallel_loop3A_267 : vector<1x16xf32> to vector<16xf32>
        %parallel_loop3A_269 = vector.shape_cast %parallel_loop3A_263 : vector<16xf32> to vector<1x16xf32>
        tpu.vector_store %arg12[%parallel_loop3A_265, %parallel_loop3A_266], %parallel_loop3A_269 {strides = array<i32>} : memref<16x1024xf32, #tpu.memory_space<vmem>>, vector<1x16xf32>,
      } {sc.loop_unroll_factor = 4 : i64, sc.parallel_access}
      %mul3A_120 = arith.constant 16 : i32
      %mul3A_121 = arith.muli %add3A_32, %mul3A_120 : i32
      %add3A_122 = arith.addi %mul3A_2, %mul3A_121 : i32
      %dma_start3A_123 = arith.constant 0 : i32
      %dma_start3A_124 = tpu.memref_slice %arg6[%add3A_122, %dma_start3A_123] : memref<8192x1024xf32, #tpu.memory_space<hbm>> -> memref<16x1024xf32, #tpu.memory_space<hbm>>
      %dma_start3A_125 = arith.constant 0 : i32
      %dma_start3A_126 = tpu.memref_slice %arg6[%add3A_122, %dma_start3A_125] : memref<8192x1024xf32, #tpu.memory_space<hbm>> -> memref<16x1024xf32, #tpu.memory_space<hbm>>
      tpu.enqueue_dma source(%arg12 : memref<16x1024xf32, #tpu.memory_space<vmem>>) target(%dma_start3A_126 : memref<16x1024xf32, #tpu.memory_space<hbm>>) target_semaphore(%arg16 : memref<!tpu.dma_semaphore, #tpu.memory_space<semaphore_mem>>)
      %add3A_127 = arith.constant 2 : i32
      %add3A_128 = arith.addi %add3A_32, %add3A_127 : i32
      %lt3A = arith.constant 16 : i32
      %lt3A_129 = arith.cmpi slt, %add3A_128, %lt3A : i32
      %convert_element_type3A_130 = arith.extui %lt3A_129 : i1 to i32
      %cond3A_131 = arith.constant 0 : i32
      %cond3A_132 = arith.cmpi ne, %convert_element_type3A_130, %cond3A_131 : i32
      scf.if %cond3A_132 {
        %add3A_246 = arith.constant 2 : i32
        %add3A_247 = arith.addi %add3A_32, %add3A_246 : i32
        %mul3A_248 = arith.constant 16 : i32
        %mul3A_249 = arith.muli %add3A_247, %mul3A_248 : i32
        %add3A_250 = arith.addi %mul3A_2, %mul3A_249 : i32
        %dma_start3A_251 = arith.constant 0 : i32
        %dma_start3A_252 = tpu.memref_slice %arg2[%add3A_250, %dma_start3A_251] : memref<8192x1024xf32, #tpu.memory_space<hbm>> -> memref<16x1024xf32, #tpu.memory_space<hbm>>
        %dma_start3A_253 = arith.constant 0 : i32
        %dma_start3A_254 = tpu.memref_slice %arg2[%add3A_250, %dma_start3A_253] : memref<8192x1024xf32, #tpu.memory_space<hbm>> -> memref<16x1024xf32, #tpu.memory_space<hbm>>
        tpu.enqueue_dma source(%dma_start3A_254 : memref<16x1024xf32, #tpu.memory_space<hbm>>) target(%arg10 : memref<16x1024xf32, #tpu.memory_space<vmem>>) target_semaphore(%arg14 : memref<!tpu.dma_semaphore, #tpu.memory_space<semaphore_mem>>)
      } else {
      }
      %mul3A_133 = arith.constant 2 : i32
      %mul3A_134 = arith.muli %mul3A_133, %scan3A_27 : i32
      %add3A_135 = arith.constant 1 : i32
      %add3A_136 = arith.addi %mul3A_134, %add3A_135 : i32
      %dma_wait3A_137 = arith.constant 0 : i32
      %dma_wait3A_138 = tpu.memref_slice %arg2[%mul3A_2, %dma_wait3A_137] : memref<8192x1024xf32, #tpu.memory_space<hbm>> -> memref<16x1024xf32, #tpu.memory_space<hbm>>
      %dma_wait3A_139 = arith.constant 0 : i32
      %dma_wait3A_140 = tpu.memref_slice %arg2[%mul3A_2, %dma_wait3A_139] : memref<8192x1024xf32, #tpu.memory_space<hbm>> -> memref<16x1024xf32, #tpu.memory_space<hbm>>
      tpu.wait_dma2 semaphore(%arg15 : memref<!tpu.dma_semaphore, #tpu.memory_space<semaphore_mem>>) src(%dma_wait3A_140 : memref<16x1024xf32, #tpu.memory_space<hbm>>) dst(%arg11 : memref<16x1024xf32, #tpu.memory_space<vmem>>)
      %ge3A_141 = arith.constant 2 : i32
      %ge3A_142 = arith.cmpi sge, %add3A_136, %ge3A_141 : i32
      %convert_element_type3A_143 = arith.extui %ge3A_142 : i1 to i32
      %cond3A_144 = arith.constant 0 : i32
      %cond3A_145 = arith.cmpi ne, %convert_element_type3A_143, %cond3A_144 : i32
      scf.if %cond3A_145 {
        %dma_wait3A_246 = arith.constant 0 : i32
        %dma_wait3A_247 = tpu.memref_slice %arg6[%mul3A_2, %dma_wait3A_246] : memref<8192x1024xf32, #tpu.memory_space<hbm>> -> memref<16x1024xf32, #tpu.memory_space<hbm>>
        %dma_wait3A_248 = arith.constant 0 : i32
        %dma_wait3A_249 = tpu.memref_slice %arg6[%mul3A_2, %dma_wait3A_248] : memref<8192x1024xf32, #tpu.memory_space<hbm>> -> memref<16x1024xf32, #tpu.memory_space<hbm>>
        tpu.wait_dma2 semaphore(%arg17 : memref<!tpu.dma_semaphore, #tpu.memory_space<semaphore_mem>>) src(%arg13 : memref<16x1024xf32, #tpu.memory_space<vmem>>) dst(%dma_wait3A_249 : memref<16x1024xf32, #tpu.memory_space<hbm>>)
      } else {
      }
      %mul3A_146 = arith.constant 16 : i32
      %mul3A_147 = arith.muli %add3A_136, %mul3A_146 : i32
      %get3A_148 = arith.index_cast %mul3A_147 : i32 to index
      %get3A_149 = tpu.vector_load %arg7[%get3A_148] {strides = array<i32>} : memref<256xi32, #tpu.memory_space<vmem>>, vector<16xi32>,
      %get3A_150 = vector.shape_cast %get3A_149 : vector<16xi32> to vector<16xi32>
      %slice3A_151 = vector.extract_strided_slice %get3A_150 {offsets = [0], sizes = [1], strides = [1]} : vector<16xi32> to vector<1xi32>
      %squeeze3A_152 = vector.extract %slice3A_151[0] : i32 from vector<1xi32>
      %parallel_loop3A_153 = arith.constant 0 : i32
      %parallel_loop3A_154 = arith.constant 64 : i32
      %parallel_loop3A_155 = arith.constant 1 : i32
      scf.for %parallel_loop3A_246 = %parallel_loop3A_153 to %parallel_loop3A_154 step %parallel_loop3A_155  : i32 {
        %parallel_loop3A_247 = arith.constant 16 : i32
        %parallel_loop3A_248 = arith.muli %parallel_loop3A_246, %parallel_loop3A_247 : i32
        %parallel_loop3A_249 = arith.constant 0 : i32
        %parallel_loop3A_250 = arith.index_cast %parallel_loop3A_249 : i32 to index
        %parallel_loop3A_251 = arith.index_cast %parallel_loop3A_248 : i32 to index
        %parallel_loop3A_252 = tpu.vector_load %arg11[%parallel_loop3A_250, %parallel_loop3A_251] {strides = array<i32>} : memref<16x1024xf32, #tpu.memory_space<vmem>>, vector<1x16xf32>,
        %parallel_loop3A_253 = vector.shape_cast %parallel_loop3A_252 : vector<1x16xf32> to vector<16xf32>
        %parallel_loop3A_254 = arith.index_cast %squeeze3A_152 : i32 to index
        %parallel_loop3A_255 = arith.index_cast %parallel_loop3A_248 : i32 to index
        %parallel_loop3A_256 = tpu.vector_load %arg8[%parallel_loop3A_254, %parallel_loop3A_255] {strides = array<i32>} : memref<16x1024xf32, #tpu.memory_space<vmem>>, vector<1x16xf32>,
        %parallel_loop3A_257 = vector.shape_cast %parallel_loop3A_256 : vector<1x16xf32> to vector<16xf32>
        %parallel_loop3A_258 = arith.mulf %parallel_loop3A_253, %parallel_loop3A_257 : vector<16xf32>
        %parallel_loop3A_259 = arith.index_cast %squeeze3A_152 : i32 to index
        %parallel_loop3A_260 = arith.index_cast %parallel_loop3A_248 : i32 to index
        %parallel_loop3A_261 = tpu.vector_load %arg9[%parallel_loop3A_259, %parallel_loop3A_260] {strides = array<i32>} : memref<16x1024xf32, #tpu.memory_space<vmem>>, vector<1x16xf32>,
        %parallel_loop3A_262 = vector.shape_cast %parallel_loop3A_261 : vector<1x16xf32> to vector<16xf32>
        %parallel_loop3A_263 = arith.addf %parallel_loop3A_258, %parallel_loop3A_262 : vector<16xf32>
        %parallel_loop3A_264 = arith.constant 0 : i32
        %parallel_loop3A_265 = arith.index_cast %parallel_loop3A_264 : i32 to index
        %parallel_loop3A_266 = arith.index_cast %parallel_loop3A_248 : i32 to index
        %parallel_loop3A_267 = tpu.vector_load %arg13[%parallel_loop3A_265, %parallel_loop3A_266] {strides = array<i32>} : memref<16x1024xf32, #tpu.memory_space<vmem>>, vector<1x16xf32>,
        %parallel_loop3A_268 = vector.shape_cast %parallel_loop3A_267 : vector<1x16xf32> to vector<16xf32>
        %parallel_loop3A_269 = vector.shape_cast %parallel_loop3A_263 : vector<16xf32> to vector<1x16xf32>
        tpu.vector_store %arg13[%parallel_loop3A_265, %parallel_loop3A_266], %parallel_loop3A_269 {strides = array<i32>} : memref<16x1024xf32, #tpu.memory_space<vmem>>, vector<1x16xf32>,
      } {sc.loop_unroll_factor = 4 : i64, sc.parallel_access}
      %slice3A_156 = vector.extract_strided_slice %get3A_150 {offsets = [1], sizes = [1], strides = [1]} : vector<16xi32> to vector<1xi32>
      %squeeze3A_157 = vector.extract %slice3A_156[0] : i32 from vector<1xi32>
      %parallel_loop3A_158 = arith.constant 0 : i32
      %parallel_loop3A_159 = arith.constant 64 : i32
      %parallel_loop3A_160 = arith.constant 1 : i32
      scf.for %parallel_loop3A_246 = %parallel_loop3A_158 to %parallel_loop3A_159 step %parallel_loop3A_160  : i32 {
        %parallel_loop3A_247 = arith.constant 16 : i32
        %parallel_loop3A_248 = arith.muli %parallel_loop3A_246, %parallel_loop3A_247 : i32
        %parallel_loop3A_249 = arith.constant 1 : i32
        %parallel_loop3A_250 = arith.index_cast %parallel_loop3A_249 : i32 to index
        %parallel_loop3A_251 = arith.index_cast %parallel_loop3A_248 : i32 to index
        %parallel_loop3A_252 = tpu.vector_load %arg11[%parallel_loop3A_250, %parallel_loop3A_251] {strides = array<i32>} : memref<16x1024xf32, #tpu.memory_space<vmem>>, vector<1x16xf32>,
        %parallel_loop3A_253 = vector.shape_cast %parallel_loop3A_252 : vector<1x16xf32> to vector<16xf32>
        %parallel_loop3A_254 = arith.index_cast %squeeze3A_157 : i32 to index
        %parallel_loop3A_255 = arith.index_cast %parallel_loop3A_248 : i32 to index
        %parallel_loop3A_256 = tpu.vector_load %arg8[%parallel_loop3A_254, %parallel_loop3A_255] {strides = array<i32>} : memref<16x1024xf32, #tpu.memory_space<vmem>>, vector<1x16xf32>,
        %parallel_loop3A_257 = vector.shape_cast %parallel_loop3A_256 : vector<1x16xf32> to vector<16xf32>
        %parallel_loop3A_258 = arith.mulf %parallel_loop3A_253, %parallel_loop3A_257 : vector<16xf32>
        %parallel_loop3A_259 = arith.index_cast %squeeze3A_157 : i32 to index
        %parallel_loop3A_260 = arith.index_cast %parallel_loop3A_248 : i32 to index
        %parallel_loop3A_261 = tpu.vector_load %arg9[%parallel_loop3A_259, %parallel_loop3A_260] {strides = array<i32>} : memref<16x1024xf32, #tpu.memory_space<vmem>>, vector<1x16xf32>,
        %parallel_loop3A_262 = vector.shape_cast %parallel_loop3A_261 : vector<1x16xf32> to vector<16xf32>
        %parallel_loop3A_263 = arith.addf %parallel_loop3A_258, %parallel_loop3A_262 : vector<16xf32>
        %parallel_loop3A_264 = arith.constant 1 : i32
        %parallel_loop3A_265 = arith.index_cast %parallel_loop3A_264 : i32 to index
        %parallel_loop3A_266 = arith.index_cast %parallel_loop3A_248 : i32 to index
        %parallel_loop3A_267 = tpu.vector_load %arg13[%parallel_loop3A_265, %parallel_loop3A_266] {strides = array<i32>} : memref<16x1024xf32, #tpu.memory_space<vmem>>, vector<1x16xf32>,
        %parallel_loop3A_268 = vector.shape_cast %parallel_loop3A_267 : vector<1x16xf32> to vector<16xf32>
        %parallel_loop3A_269 = vector.shape_cast %parallel_loop3A_263 : vector<16xf32> to vector<1x16xf32>
        tpu.vector_store %arg13[%parallel_loop3A_265, %parallel_loop3A_266], %parallel_loop3A_269 {strides = array<i32>} : memref<16x1024xf32, #tpu.memory_space<vmem>>, vector<1x16xf32>,
      } {sc.loop_unroll_factor = 4 : i64, sc.parallel_access}
      %slice3A_161 = vector.extract_strided_slice %get3A_150 {offsets = [2], sizes = [1], strides = [1]} : vector<16xi32> to vector<1xi32>
      %squeeze3A_162 = vector.extract %slice3A_161[0] : i32 from vector<1xi32>
      %parallel_loop3A_163 = arith.constant 0 : i32
      %parallel_loop3A_164 = arith.constant 64 : i32
      %parallel_loop3A_165 = arith.constant 1 : i32
      scf.for %parallel_loop3A_246 = %parallel_loop3A_163 to %parallel_loop3A_164 step %parallel_loop3A_165  : i32 {
        %parallel_loop3A_247 = arith.constant 16 : i32
        %parallel_loop3A_248 = arith.muli %parallel_loop3A_246, %parallel_loop3A_247 : i32
        %parallel_loop3A_249 = arith.constant 2 : i32
        %parallel_loop3A_250 = arith.index_cast %parallel_loop3A_249 : i32 to index
        %parallel_loop3A_251 = arith.index_cast %parallel_loop3A_248 : i32 to index
        %parallel_loop3A_252 = tpu.vector_load %arg11[%parallel_loop3A_250, %parallel_loop3A_251] {strides = array<i32>} : memref<16x1024xf32, #tpu.memory_space<vmem>>, vector<1x16xf32>,
        %parallel_loop3A_253 = vector.shape_cast %parallel_loop3A_252 : vector<1x16xf32> to vector<16xf32>
        %parallel_loop3A_254 = arith.index_cast %squeeze3A_162 : i32 to index
        %parallel_loop3A_255 = arith.index_cast %parallel_loop3A_248 : i32 to index
        %parallel_loop3A_256 = tpu.vector_load %arg8[%parallel_loop3A_254, %parallel_loop3A_255] {strides = array<i32>} : memref<16x1024xf32, #tpu.memory_space<vmem>>, vector<1x16xf32>,
        %parallel_loop3A_257 = vector.shape_cast %parallel_loop3A_256 : vector<1x16xf32> to vector<16xf32>
        %parallel_loop3A_258 = arith.mulf %parallel_loop3A_253, %parallel_loop3A_257 : vector<16xf32>
        %parallel_loop3A_259 = arith.index_cast %squeeze3A_162 : i32 to index
        %parallel_loop3A_260 = arith.index_cast %parallel_loop3A_248 : i32 to index
        %parallel_loop3A_261 = tpu.vector_load %arg9[%parallel_loop3A_259, %parallel_loop3A_260] {strides = array<i32>} : memref<16x1024xf32, #tpu.memory_space<vmem>>, vector<1x16xf32>,
        %parallel_loop3A_262 = vector.shape_cast %parallel_loop3A_261 : vector<1x16xf32> to vector<16xf32>
        %parallel_loop3A_263 = arith.addf %parallel_loop3A_258, %parallel_loop3A_262 : vector<16xf32>
        %parallel_loop3A_264 = arith.constant 2 : i32
        %parallel_loop3A_265 = arith.index_cast %parallel_loop3A_264 : i32 to index
        %parallel_loop3A_266 = arith.index_cast %parallel_loop3A_248 : i32 to index
        %parallel_loop3A_267 = tpu.vector_load %arg13[%parallel_loop3A_265, %parallel_loop3A_266] {strides = array<i32>} : memref<16x1024xf32, #tpu.memory_space<vmem>>, vector<1x16xf32>,
        %parallel_loop3A_268 = vector.shape_cast %parallel_loop3A_267 : vector<1x16xf32> to vector<16xf32>
        %parallel_loop3A_269 = vector.shape_cast %parallel_loop3A_263 : vector<16xf32> to vector<1x16xf32>
        tpu.vector_store %arg13[%parallel_loop3A_265, %parallel_loop3A_266], %parallel_loop3A_269 {strides = array<i32>} : memref<16x1024xf32, #tpu.memory_space<vmem>>, vector<1x16xf32>,
      } {sc.loop_unroll_factor = 4 : i64, sc.parallel_access}
      %slice3A_166 = vector.extract_strided_slice %get3A_150 {offsets = [3], sizes = [1], strides = [1]} : vector<16xi32> to vector<1xi32>
      %squeeze3A_167 = vector.extract %slice3A_166[0] : i32 from vector<1xi32>
      %parallel_loop3A_168 = arith.constant 0 : i32
      %parallel_loop3A_169 = arith.constant 64 : i32
      %parallel_loop3A_170 = arith.constant 1 : i32
      scf.for %parallel_loop3A_246 = %parallel_loop3A_168 to %parallel_loop3A_169 step %parallel_loop3A_170  : i32 {
        %parallel_loop3A_247 = arith.constant 16 : i32
        %parallel_loop3A_248 = arith.muli %parallel_loop3A_246, %parallel_loop3A_247 : i32
        %parallel_loop3A_249 = arith.constant 3 : i32
        %parallel_loop3A_250 = arith.index_cast %parallel_loop3A_249 : i32 to index
        %parallel_loop3A_251 = arith.index_cast %parallel_loop3A_248 : i32 to index
        %parallel_loop3A_252 = tpu.vector_load %arg11[%parallel_loop3A_250, %parallel_loop3A_251] {strides = array<i32>} : memref<16x1024xf32, #tpu.memory_space<vmem>>, vector<1x16xf32>,
        %parallel_loop3A_253 = vector.shape_cast %parallel_loop3A_252 : vector<1x16xf32> to vector<16xf32>
        %parallel_loop3A_254 = arith.index_cast %squeeze3A_167 : i32 to index
        %parallel_loop3A_255 = arith.index_cast %parallel_loop3A_248 : i32 to index
        %parallel_loop3A_256 = tpu.vector_load %arg8[%parallel_loop3A_254, %parallel_loop3A_255] {strides = array<i32>} : memref<16x1024xf32, #tpu.memory_space<vmem>>, vector<1x16xf32>,
        %parallel_loop3A_257 = vector.shape_cast %parallel_loop3A_256 : vector<1x16xf32> to vector<16xf32>
        %parallel_loop3A_258 = arith.mulf %parallel_loop3A_253, %parallel_loop3A_257 : vector<16xf32>
        %parallel_loop3A_259 = arith.index_cast %squeeze3A_167 : i32 to index
        %parallel_loop3A_260 = arith.index_cast %parallel_loop3A_248 : i32 to index
        %parallel_loop3A_261 = tpu.vector_load %arg9[%parallel_loop3A_259, %parallel_loop3A_260] {strides = array<i32>} : memref<16x1024xf32, #tpu.memory_space<vmem>>, vector<1x16xf32>,
        %parallel_loop3A_262 = vector.shape_cast %parallel_loop3A_261 : vector<1x16xf32> to vector<16xf32>
        %parallel_loop3A_263 = arith.addf %parallel_loop3A_258, %parallel_loop3A_262 : vector<16xf32>
        %parallel_loop3A_264 = arith.constant 3 : i32
        %parallel_loop3A_265 = arith.index_cast %parallel_loop3A_264 : i32 to index
        %parallel_loop3A_266 = arith.index_cast %parallel_loop3A_248 : i32 to index
        %parallel_loop3A_267 = tpu.vector_load %arg13[%parallel_loop3A_265, %parallel_loop3A_266] {strides = array<i32>} : memref<16x1024xf32, #tpu.memory_space<vmem>>, vector<1x16xf32>,
        %parallel_loop3A_268 = vector.shape_cast %parallel_loop3A_267 : vector<1x16xf32> to vector<16xf32>
        %parallel_loop3A_269 = vector.shape_cast %parallel_loop3A_263 : vector<16xf32> to vector<1x16xf32>
        tpu.vector_store %arg13[%parallel_loop3A_265, %parallel_loop3A_266], %parallel_loop3A_269 {strides = array<i32>} : memref<16x1024xf32, #tpu.memory_space<vmem>>, vector<1x16xf32>,
      } {sc.loop_unroll_factor = 4 : i64, sc.parallel_access}
      %slice3A_171 = vector.extract_strided_slice %get3A_150 {offsets = [4], sizes = [1], strides = [1]} : vector<16xi32> to vector<1xi32>
      %squeeze3A_172 = vector.extract %slice3A_171[0] : i32 from vector<1xi32>
      %parallel_loop3A_173 = arith.constant 0 : i32
      %parallel_loop3A_174 = arith.constant 64 : i32
      %parallel_loop3A_175 = arith.constant 1 : i32
      scf.for %parallel_loop3A_246 = %parallel_loop3A_173 to %parallel_loop3A_174 step %parallel_loop3A_175  : i32 {
        %parallel_loop3A_247 = arith.constant 16 : i32
        %parallel_loop3A_248 = arith.muli %parallel_loop3A_246, %parallel_loop3A_247 : i32
        %parallel_loop3A_249 = arith.constant 4 : i32
        %parallel_loop3A_250 = arith.index_cast %parallel_loop3A_249 : i32 to index
        %parallel_loop3A_251 = arith.index_cast %parallel_loop3A_248 : i32 to index
        %parallel_loop3A_252 = tpu.vector_load %arg11[%parallel_loop3A_250, %parallel_loop3A_251] {strides = array<i32>} : memref<16x1024xf32, #tpu.memory_space<vmem>>, vector<1x16xf32>,
        %parallel_loop3A_253 = vector.shape_cast %parallel_loop3A_252 : vector<1x16xf32> to vector<16xf32>
        %parallel_loop3A_254 = arith.index_cast %squeeze3A_172 : i32 to index
        %parallel_loop3A_255 = arith.index_cast %parallel_loop3A_248 : i32 to index
        %parallel_loop3A_256 = tpu.vector_load %arg8[%parallel_loop3A_254, %parallel_loop3A_255] {strides = array<i32>} : memref<16x1024xf32, #tpu.memory_space<vmem>>, vector<1x16xf32>,
        %parallel_loop3A_257 = vector.shape_cast %parallel_loop3A_256 : vector<1x16xf32> to vector<16xf32>
        %parallel_loop3A_258 = arith.mulf %parallel_loop3A_253, %parallel_loop3A_257 : vector<16xf32>
        %parallel_loop3A_259 = arith.index_cast %squeeze3A_172 : i32 to index
        %parallel_loop3A_260 = arith.index_cast %parallel_loop3A_248 : i32 to index
        %parallel_loop3A_261 = tpu.vector_load %arg9[%parallel_loop3A_259, %parallel_loop3A_260] {strides = array<i32>} : memref<16x1024xf32, #tpu.memory_space<vmem>>, vector<1x16xf32>,
        %parallel_loop3A_262 = vector.shape_cast %parallel_loop3A_261 : vector<1x16xf32> to vector<16xf32>
        %parallel_loop3A_263 = arith.addf %parallel_loop3A_258, %parallel_loop3A_262 : vector<16xf32>
        %parallel_loop3A_264 = arith.constant 4 : i32
        %parallel_loop3A_265 = arith.index_cast %parallel_loop3A_264 : i32 to index
        %parallel_loop3A_266 = arith.index_cast %parallel_loop3A_248 : i32 to index
        %parallel_loop3A_267 = tpu.vector_load %arg13[%parallel_loop3A_265, %parallel_loop3A_266] {strides = array<i32>} : memref<16x1024xf32, #tpu.memory_space<vmem>>, vector<1x16xf32>,
        %parallel_loop3A_268 = vector.shape_cast %parallel_loop3A_267 : vector<1x16xf32> to vector<16xf32>
        %parallel_loop3A_269 = vector.shape_cast %parallel_loop3A_263 : vector<16xf32> to vector<1x16xf32>
        tpu.vector_store %arg13[%parallel_loop3A_265, %parallel_loop3A_266], %parallel_loop3A_269 {strides = array<i32>} : memref<16x1024xf32, #tpu.memory_space<vmem>>, vector<1x16xf32>,
      } {sc.loop_unroll_factor = 4 : i64, sc.parallel_access}
      %slice3A_176 = vector.extract_strided_slice %get3A_150 {offsets = [5], sizes = [1], strides = [1]} : vector<16xi32> to vector<1xi32>
      %squeeze3A_177 = vector.extract %slice3A_176[0] : i32 from vector<1xi32>
      %parallel_loop3A_178 = arith.constant 0 : i32
      %parallel_loop3A_179 = arith.constant 64 : i32
      %parallel_loop3A_180 = arith.constant 1 : i32
      scf.for %parallel_loop3A_246 = %parallel_loop3A_178 to %parallel_loop3A_179 step %parallel_loop3A_180  : i32 {
        %parallel_loop3A_247 = arith.constant 16 : i32
        %parallel_loop3A_248 = arith.muli %parallel_loop3A_246, %parallel_loop3A_247 : i32
        %parallel_loop3A_249 = arith.constant 5 : i32
        %parallel_loop3A_250 = arith.index_cast %parallel_loop3A_249 : i32 to index
        %parallel_loop3A_251 = arith.index_cast %parallel_loop3A_248 : i32 to index
        %parallel_loop3A_252 = tpu.vector_load %arg11[%parallel_loop3A_250, %parallel_loop3A_251] {strides = array<i32>} : memref<16x1024xf32, #tpu.memory_space<vmem>>, vector<1x16xf32>,
        %parallel_loop3A_253 = vector.shape_cast %parallel_loop3A_252 : vector<1x16xf32> to vector<16xf32>
        %parallel_loop3A_254 = arith.index_cast %squeeze3A_177 : i32 to index
        %parallel_loop3A_255 = arith.index_cast %parallel_loop3A_248 : i32 to index
        %parallel_loop3A_256 = tpu.vector_load %arg8[%parallel_loop3A_254, %parallel_loop3A_255] {strides = array<i32>} : memref<16x1024xf32, #tpu.memory_space<vmem>>, vector<1x16xf32>,
        %parallel_loop3A_257 = vector.shape_cast %parallel_loop3A_256 : vector<1x16xf32> to vector<16xf32>
        %parallel_loop3A_258 = arith.mulf %parallel_loop3A_253, %parallel_loop3A_257 : vector<16xf32>
        %parallel_loop3A_259 = arith.index_cast %squeeze3A_177 : i32 to index
        %parallel_loop3A_260 = arith.index_cast %parallel_loop3A_248 : i32 to index
        %parallel_loop3A_261 = tpu.vector_load %arg9[%parallel_loop3A_259, %parallel_loop3A_260] {strides = array<i32>} : memref<16x1024xf32, #tpu.memory_space<vmem>>, vector<1x16xf32>,
        %parallel_loop3A_262 = vector.shape_cast %parallel_loop3A_261 : vector<1x16xf32> to vector<16xf32>
        %parallel_loop3A_263 = arith.addf %parallel_loop3A_258, %parallel_loop3A_262 : vector<16xf32>
        %parallel_loop3A_264 = arith.constant 5 : i32
        %parallel_loop3A_265 = arith.index_cast %parallel_loop3A_264 : i32 to index
        %parallel_loop3A_266 = arith.index_cast %parallel_loop3A_248 : i32 to index
        %parallel_loop3A_267 = tpu.vector_load %arg13[%parallel_loop3A_265, %parallel_loop3A_266] {strides = array<i32>} : memref<16x1024xf32, #tpu.memory_space<vmem>>, vector<1x16xf32>,
        %parallel_loop3A_268 = vector.shape_cast %parallel_loop3A_267 : vector<1x16xf32> to vector<16xf32>
        %parallel_loop3A_269 = vector.shape_cast %parallel_loop3A_263 : vector<16xf32> to vector<1x16xf32>
        tpu.vector_store %arg13[%parallel_loop3A_265, %parallel_loop3A_266], %parallel_loop3A_269 {strides = array<i32>} : memref<16x1024xf32, #tpu.memory_space<vmem>>, vector<1x16xf32>,
      } {sc.loop_unroll_factor = 4 : i64, sc.parallel_access}
      %slice3A_181 = vector.extract_strided_slice %get3A_150 {offsets = [6], sizes = [1], strides = [1]} : vector<16xi32> to vector<1xi32>
      %squeeze3A_182 = vector.extract %slice3A_181[0] : i32 from vector<1xi32>
      %parallel_loop3A_183 = arith.constant 0 : i32
      %parallel_loop3A_184 = arith.constant 64 : i32
      %parallel_loop3A_185 = arith.constant 1 : i32
      scf.for %parallel_loop3A_246 = %parallel_loop3A_183 to %parallel_loop3A_184 step %parallel_loop3A_185  : i32 {
        %parallel_loop3A_247 = arith.constant 16 : i32
        %parallel_loop3A_248 = arith.muli %parallel_loop3A_246, %parallel_loop3A_247 : i32
        %parallel_loop3A_249 = arith.constant 6 : i32
        %parallel_loop3A_250 = arith.index_cast %parallel_loop3A_249 : i32 to index
        %parallel_loop3A_251 = arith.index_cast %parallel_loop3A_248 : i32 to index
        %parallel_loop3A_252 = tpu.vector_load %arg11[%parallel_loop3A_250, %parallel_loop3A_251] {strides = array<i32>} : memref<16x1024xf32, #tpu.memory_space<vmem>>, vector<1x16xf32>,
        %parallel_loop3A_253 = vector.shape_cast %parallel_loop3A_252 : vector<1x16xf32> to vector<16xf32>
        %parallel_loop3A_254 = arith.index_cast %squeeze3A_182 : i32 to index
        %parallel_loop3A_255 = arith.index_cast %parallel_loop3A_248 : i32 to index
        %parallel_loop3A_256 = tpu.vector_load %arg8[%parallel_loop3A_254, %parallel_loop3A_255] {strides = array<i32>} : memref<16x1024xf32, #tpu.memory_space<vmem>>, vector<1x16xf32>,
        %parallel_loop3A_257 = vector.shape_cast %parallel_loop3A_256 : vector<1x16xf32> to vector<16xf32>
        %parallel_loop3A_258 = arith.mulf %parallel_loop3A_253, %parallel_loop3A_257 : vector<16xf32>
        %parallel_loop3A_259 = arith.index_cast %squeeze3A_182 : i32 to index
        %parallel_loop3A_260 = arith.index_cast %parallel_loop3A_248 : i32 to index
        %parallel_loop3A_261 = tpu.vector_load %arg9[%parallel_loop3A_259, %parallel_loop3A_260] {strides = array<i32>} : memref<16x1024xf32, #tpu.memory_space<vmem>>, vector<1x16xf32>,
        %parallel_loop3A_262 = vector.shape_cast %parallel_loop3A_261 : vector<1x16xf32> to vector<16xf32>
        %parallel_loop3A_263 = arith.addf %parallel_loop3A_258, %parallel_loop3A_262 : vector<16xf32>
        %parallel_loop3A_264 = arith.constant 6 : i32
        %parallel_loop3A_265 = arith.index_cast %parallel_loop3A_264 : i32 to index
        %parallel_loop3A_266 = arith.index_cast %parallel_loop3A_248 : i32 to index
        %parallel_loop3A_267 = tpu.vector_load %arg13[%parallel_loop3A_265, %parallel_loop3A_266] {strides = array<i32>} : memref<16x1024xf32, #tpu.memory_space<vmem>>, vector<1x16xf32>,
        %parallel_loop3A_268 = vector.shape_cast %parallel_loop3A_267 : vector<1x16xf32> to vector<16xf32>
        %parallel_loop3A_269 = vector.shape_cast %parallel_loop3A_263 : vector<16xf32> to vector<1x16xf32>
        tpu.vector_store %arg13[%parallel_loop3A_265, %parallel_loop3A_266], %parallel_loop3A_269 {strides = array<i32>} : memref<16x1024xf32, #tpu.memory_space<vmem>>, vector<1x16xf32>,
      } {sc.loop_unroll_factor = 4 : i64, sc.parallel_access}
      %slice3A_186 = vector.extract_strided_slice %get3A_150 {offsets = [7], sizes = [1], strides = [1]} : vector<16xi32> to vector<1xi32>
      %squeeze3A_187 = vector.extract %slice3A_186[0] : i32 from vector<1xi32>
      %parallel_loop3A_188 = arith.constant 0 : i32
      %parallel_loop3A_189 = arith.constant 64 : i32
      %parallel_loop3A_190 = arith.constant 1 : i32
      scf.for %parallel_loop3A_246 = %parallel_loop3A_188 to %parallel_loop3A_189 step %parallel_loop3A_190  : i32 {
        %parallel_loop3A_247 = arith.constant 16 : i32
        %parallel_loop3A_248 = arith.muli %parallel_loop3A_246, %parallel_loop3A_247 : i32
        %parallel_loop3A_249 = arith.constant 7 : i32
        %parallel_loop3A_250 = arith.index_cast %parallel_loop3A_249 : i32 to index
        %parallel_loop3A_251 = arith.index_cast %parallel_loop3A_248 : i32 to index
        %parallel_loop3A_252 = tpu.vector_load %arg11[%parallel_loop3A_250, %parallel_loop3A_251] {strides = array<i32>} : memref<16x1024xf32, #tpu.memory_space<vmem>>, vector<1x16xf32>,
        %parallel_loop3A_253 = vector.shape_cast %parallel_loop3A_252 : vector<1x16xf32> to vector<16xf32>
        %parallel_loop3A_254 = arith.index_cast %squeeze3A_187 : i32 to index
        %parallel_loop3A_255 = arith.index_cast %parallel_loop3A_248 : i32 to index
        %parallel_loop3A_256 = tpu.vector_load %arg8[%parallel_loop3A_254, %parallel_loop3A_255] {strides = array<i32>} : memref<16x1024xf32, #tpu.memory_space<vmem>>, vector<1x16xf32>,
        %parallel_loop3A_257 = vector.shape_cast %parallel_loop3A_256 : vector<1x16xf32> to vector<16xf32>
        %parallel_loop3A_258 = arith.mulf %parallel_loop3A_253, %parallel_loop3A_257 : vector<16xf32>
        %parallel_loop3A_259 = arith.index_cast %squeeze3A_187 : i32 to index
        %parallel_loop3A_260 = arith.index_cast %parallel_loop3A_248 : i32 to index
        %parallel_loop3A_261 = tpu.vector_load %arg9[%parallel_loop3A_259, %parallel_loop3A_260] {strides = array<i32>} : memref<16x1024xf32, #tpu.memory_space<vmem>>, vector<1x16xf32>,
        %parallel_loop3A_262 = vector.shape_cast %parallel_loop3A_261 : vector<1x16xf32> to vector<16xf32>
        %parallel_loop3A_263 = arith.addf %parallel_loop3A_258, %parallel_loop3A_262 : vector<16xf32>
        %parallel_loop3A_264 = arith.constant 7 : i32
        %parallel_loop3A_265 = arith.index_cast %parallel_loop3A_264 : i32 to index
        %parallel_loop3A_266 = arith.index_cast %parallel_loop3A_248 : i32 to index
        %parallel_loop3A_267 = tpu.vector_load %arg13[%parallel_loop3A_265, %parallel_loop3A_266] {strides = array<i32>} : memref<16x1024xf32, #tpu.memory_space<vmem>>, vector<1x16xf32>,
        %parallel_loop3A_268 = vector.shape_cast %parallel_loop3A_267 : vector<1x16xf32> to vector<16xf32>
        %parallel_loop3A_269 = vector.shape_cast %parallel_loop3A_263 : vector<16xf32> to vector<1x16xf32>
        tpu.vector_store %arg13[%parallel_loop3A_265, %parallel_loop3A_266], %parallel_loop3A_269 {strides = array<i32>} : memref<16x1024xf32, #tpu.memory_space<vmem>>, vector<1x16xf32>,
      } {sc.loop_unroll_factor = 4 : i64, sc.parallel_access}
      %slice3A_191 = vector.extract_strided_slice %get3A_150 {offsets = [8], sizes = [1], strides = [1]} : vector<16xi32> to vector<1xi32>
      %squeeze3A_192 = vector.extract %slice3A_191[0] : i32 from vector<1xi32>
      %parallel_loop3A_193 = arith.constant 0 : i32
      %parallel_loop3A_194 = arith.constant 64 : i32
      %parallel_loop3A_195 = arith.constant 1 : i32
      scf.for %parallel_loop3A_246 = %parallel_loop3A_193 to %parallel_loop3A_194 step %parallel_loop3A_195  : i32 {
        %parallel_loop3A_247 = arith.constant 16 : i32
        %parallel_loop3A_248 = arith.muli %parallel_loop3A_246, %parallel_loop3A_247 : i32
        %parallel_loop3A_249 = arith.constant 8 : i32
        %parallel_loop3A_250 = arith.index_cast %parallel_loop3A_249 : i32 to index
        %parallel_loop3A_251 = arith.index_cast %parallel_loop3A_248 : i32 to index
        %parallel_loop3A_252 = tpu.vector_load %arg11[%parallel_loop3A_250, %parallel_loop3A_251] {strides = array<i32>} : memref<16x1024xf32, #tpu.memory_space<vmem>>, vector<1x16xf32>,
        %parallel_loop3A_253 = vector.shape_cast %parallel_loop3A_252 : vector<1x16xf32> to vector<16xf32>
        %parallel_loop3A_254 = arith.index_cast %squeeze3A_192 : i32 to index
        %parallel_loop3A_255 = arith.index_cast %parallel_loop3A_248 : i32 to index
        %parallel_loop3A_256 = tpu.vector_load %arg8[%parallel_loop3A_254, %parallel_loop3A_255] {strides = array<i32>} : memref<16x1024xf32, #tpu.memory_space<vmem>>, vector<1x16xf32>,
        %parallel_loop3A_257 = vector.shape_cast %parallel_loop3A_256 : vector<1x16xf32> to vector<16xf32>
        %parallel_loop3A_258 = arith.mulf %parallel_loop3A_253, %parallel_loop3A_257 : vector<16xf32>
        %parallel_loop3A_259 = arith.index_cast %squeeze3A_192 : i32 to index
        %parallel_loop3A_260 = arith.index_cast %parallel_loop3A_248 : i32 to index
        %parallel_loop3A_261 = tpu.vector_load %arg9[%parallel_loop3A_259, %parallel_loop3A_260] {strides = array<i32>} : memref<16x1024xf32, #tpu.memory_space<vmem>>, vector<1x16xf32>,
        %parallel_loop3A_262 = vector.shape_cast %parallel_loop3A_261 : vector<1x16xf32> to vector<16xf32>
        %parallel_loop3A_263 = arith.addf %parallel_loop3A_258, %parallel_loop3A_262 : vector<16xf32>
        %parallel_loop3A_264 = arith.constant 8 : i32
        %parallel_loop3A_265 = arith.index_cast %parallel_loop3A_264 : i32 to index
        %parallel_loop3A_266 = arith.index_cast %parallel_loop3A_248 : i32 to index
        %parallel_loop3A_267 = tpu.vector_load %arg13[%parallel_loop3A_265, %parallel_loop3A_266] {strides = array<i32>} : memref<16x1024xf32, #tpu.memory_space<vmem>>, vector<1x16xf32>,
        %parallel_loop3A_268 = vector.shape_cast %parallel_loop3A_267 : vector<1x16xf32> to vector<16xf32>
        %parallel_loop3A_269 = vector.shape_cast %parallel_loop3A_263 : vector<16xf32> to vector<1x16xf32>
        tpu.vector_store %arg13[%parallel_loop3A_265, %parallel_loop3A_266], %parallel_loop3A_269 {strides = array<i32>} : memref<16x1024xf32, #tpu.memory_space<vmem>>, vector<1x16xf32>,
      } {sc.loop_unroll_factor = 4 : i64, sc.parallel_access}
      %slice3A_196 = vector.extract_strided_slice %get3A_150 {offsets = [9], sizes = [1], strides = [1]} : vector<16xi32> to vector<1xi32>
      %squeeze3A_197 = vector.extract %slice3A_196[0] : i32 from vector<1xi32>
      %parallel_loop3A_198 = arith.constant 0 : i32
      %parallel_loop3A_199 = arith.constant 64 : i32
      %parallel_loop3A_200 = arith.constant 1 : i32
      scf.for %parallel_loop3A_246 = %parallel_loop3A_198 to %parallel_loop3A_199 step %parallel_loop3A_200  : i32 {
        %parallel_loop3A_247 = arith.constant 16 : i32
        %parallel_loop3A_248 = arith.muli %parallel_loop3A_246, %parallel_loop3A_247 : i32
        %parallel_loop3A_249 = arith.constant 9 : i32
        %parallel_loop3A_250 = arith.index_cast %parallel_loop3A_249 : i32 to index
        %parallel_loop3A_251 = arith.index_cast %parallel_loop3A_248 : i32 to index
        %parallel_loop3A_252 = tpu.vector_load %arg11[%parallel_loop3A_250, %parallel_loop3A_251] {strides = array<i32>} : memref<16x1024xf32, #tpu.memory_space<vmem>>, vector<1x16xf32>,
        %parallel_loop3A_253 = vector.shape_cast %parallel_loop3A_252 : vector<1x16xf32> to vector<16xf32>
        %parallel_loop3A_254 = arith.index_cast %squeeze3A_197 : i32 to index
        %parallel_loop3A_255 = arith.index_cast %parallel_loop3A_248 : i32 to index
        %parallel_loop3A_256 = tpu.vector_load %arg8[%parallel_loop3A_254, %parallel_loop3A_255] {strides = array<i32>} : memref<16x1024xf32, #tpu.memory_space<vmem>>, vector<1x16xf32>,
        %parallel_loop3A_257 = vector.shape_cast %parallel_loop3A_256 : vector<1x16xf32> to vector<16xf32>
        %parallel_loop3A_258 = arith.mulf %parallel_loop3A_253, %parallel_loop3A_257 : vector<16xf32>
        %parallel_loop3A_259 = arith.index_cast %squeeze3A_197 : i32 to index
        %parallel_loop3A_260 = arith.index_cast %parallel_loop3A_248 : i32 to index
        %parallel_loop3A_261 = tpu.vector_load %arg9[%parallel_loop3A_259, %parallel_loop3A_260] {strides = array<i32>} : memref<16x1024xf32, #tpu.memory_space<vmem>>, vector<1x16xf32>,
        %parallel_loop3A_262 = vector.shape_cast %parallel_loop3A_261 : vector<1x16xf32> to vector<16xf32>
        %parallel_loop3A_263 = arith.addf %parallel_loop3A_258, %parallel_loop3A_262 : vector<16xf32>
        %parallel_loop3A_264 = arith.constant 9 : i32
        %parallel_loop3A_265 = arith.index_cast %parallel_loop3A_264 : i32 to index
        %parallel_loop3A_266 = arith.index_cast %parallel_loop3A_248 : i32 to index
        %parallel_loop3A_267 = tpu.vector_load %arg13[%parallel_loop3A_265, %parallel_loop3A_266] {strides = array<i32>} : memref<16x1024xf32, #tpu.memory_space<vmem>>, vector<1x16xf32>,
        %parallel_loop3A_268 = vector.shape_cast %parallel_loop3A_267 : vector<1x16xf32> to vector<16xf32>
        %parallel_loop3A_269 = vector.shape_cast %parallel_loop3A_263 : vector<16xf32> to vector<1x16xf32>
        tpu.vector_store %arg13[%parallel_loop3A_265, %parallel_loop3A_266], %parallel_loop3A_269 {strides = array<i32>} : memref<16x1024xf32, #tpu.memory_space<vmem>>, vector<1x16xf32>,
      } {sc.loop_unroll_factor = 4 : i64, sc.parallel_access}
      %slice3A_201 = vector.extract_strided_slice %get3A_150 {offsets = [10], sizes = [1], strides = [1]} : vector<16xi32> to vector<1xi32>
      %squeeze3A_202 = vector.extract %slice3A_201[0] : i32 from vector<1xi32>
      %parallel_loop3A_203 = arith.constant 0 : i32
      %parallel_loop3A_204 = arith.constant 64 : i32
      %parallel_loop3A_205 = arith.constant 1 : i32
      scf.for %parallel_loop3A_246 = %parallel_loop3A_203 to %parallel_loop3A_204 step %parallel_loop3A_205  : i32 {
        %parallel_loop3A_247 = arith.constant 16 : i32
        %parallel_loop3A_248 = arith.muli %parallel_loop3A_246, %parallel_loop3A_247 : i32
        %parallel_loop3A_249 = arith.constant 10 : i32
        %parallel_loop3A_250 = arith.index_cast %parallel_loop3A_249 : i32 to index
        %parallel_loop3A_251 = arith.index_cast %parallel_loop3A_248 : i32 to index
        %parallel_loop3A_252 = tpu.vector_load %arg11[%parallel_loop3A_250, %parallel_loop3A_251] {strides = array<i32>} : memref<16x1024xf32, #tpu.memory_space<vmem>>, vector<1x16xf32>,
        %parallel_loop3A_253 = vector.shape_cast %parallel_loop3A_252 : vector<1x16xf32> to vector<16xf32>
        %parallel_loop3A_254 = arith.index_cast %squeeze3A_202 : i32 to index
        %parallel_loop3A_255 = arith.index_cast %parallel_loop3A_248 : i32 to index
        %parallel_loop3A_256 = tpu.vector_load %arg8[%parallel_loop3A_254, %parallel_loop3A_255] {strides = array<i32>} : memref<16x1024xf32, #tpu.memory_space<vmem>>, vector<1x16xf32>,
        %parallel_loop3A_257 = vector.shape_cast %parallel_loop3A_256 : vector<1x16xf32> to vector<16xf32>
        %parallel_loop3A_258 = arith.mulf %parallel_loop3A_253, %parallel_loop3A_257 : vector<16xf32>
        %parallel_loop3A_259 = arith.index_cast %squeeze3A_202 : i32 to index
        %parallel_loop3A_260 = arith.index_cast %parallel_loop3A_248 : i32 to index
        %parallel_loop3A_261 = tpu.vector_load %arg9[%parallel_loop3A_259, %parallel_loop3A_260] {strides = array<i32>} : memref<16x1024xf32, #tpu.memory_space<vmem>>, vector<1x16xf32>,
        %parallel_loop3A_262 = vector.shape_cast %parallel_loop3A_261 : vector<1x16xf32> to vector<16xf32>
        %parallel_loop3A_263 = arith.addf %parallel_loop3A_258, %parallel_loop3A_262 : vector<16xf32>
        %parallel_loop3A_264 = arith.constant 10 : i32
        %parallel_loop3A_265 = arith.index_cast %parallel_loop3A_264 : i32 to index
        %parallel_loop3A_266 = arith.index_cast %parallel_loop3A_248 : i32 to index
        %parallel_loop3A_267 = tpu.vector_load %arg13[%parallel_loop3A_265, %parallel_loop3A_266] {strides = array<i32>} : memref<16x1024xf32, #tpu.memory_space<vmem>>, vector<1x16xf32>,
        %parallel_loop3A_268 = vector.shape_cast %parallel_loop3A_267 : vector<1x16xf32> to vector<16xf32>
        %parallel_loop3A_269 = vector.shape_cast %parallel_loop3A_263 : vector<16xf32> to vector<1x16xf32>
        tpu.vector_store %arg13[%parallel_loop3A_265, %parallel_loop3A_266], %parallel_loop3A_269 {strides = array<i32>} : memref<16x1024xf32, #tpu.memory_space<vmem>>, vector<1x16xf32>,
      } {sc.loop_unroll_factor = 4 : i64, sc.parallel_access}
      %slice3A_206 = vector.extract_strided_slice %get3A_150 {offsets = [11], sizes = [1], strides = [1]} : vector<16xi32> to vector<1xi32>
      %squeeze3A_207 = vector.extract %slice3A_206[0] : i32 from vector<1xi32>
      %parallel_loop3A_208 = arith.constant 0 : i32
      %parallel_loop3A_209 = arith.constant 64 : i32
      %parallel_loop3A_210 = arith.constant 1 : i32
      scf.for %parallel_loop3A_246 = %parallel_loop3A_208 to %parallel_loop3A_209 step %parallel_loop3A_210  : i32 {
        %parallel_loop3A_247 = arith.constant 16 : i32
        %parallel_loop3A_248 = arith.muli %parallel_loop3A_246, %parallel_loop3A_247 : i32
        %parallel_loop3A_249 = arith.constant 11 : i32
        %parallel_loop3A_250 = arith.index_cast %parallel_loop3A_249 : i32 to index
        %parallel_loop3A_251 = arith.index_cast %parallel_loop3A_248 : i32 to index
        %parallel_loop3A_252 = tpu.vector_load %arg11[%parallel_loop3A_250, %parallel_loop3A_251] {strides = array<i32>} : memref<16x1024xf32, #tpu.memory_space<vmem>>, vector<1x16xf32>,
        %parallel_loop3A_253 = vector.shape_cast %parallel_loop3A_252 : vector<1x16xf32> to vector<16xf32>
        %parallel_loop3A_254 = arith.index_cast %squeeze3A_207 : i32 to index
        %parallel_loop3A_255 = arith.index_cast %parallel_loop3A_248 : i32 to index
        %parallel_loop3A_256 = tpu.vector_load %arg8[%parallel_loop3A_254, %parallel_loop3A_255] {strides = array<i32>} : memref<16x1024xf32, #tpu.memory_space<vmem>>, vector<1x16xf32>,
        %parallel_loop3A_257 = vector.shape_cast %parallel_loop3A_256 : vector<1x16xf32> to vector<16xf32>
        %parallel_loop3A_258 = arith.mulf %parallel_loop3A_253, %parallel_loop3A_257 : vector<16xf32>
        %parallel_loop3A_259 = arith.index_cast %squeeze3A_207 : i32 to index
        %parallel_loop3A_260 = arith.index_cast %parallel_loop3A_248 : i32 to index
        %parallel_loop3A_261 = tpu.vector_load %arg9[%parallel_loop3A_259, %parallel_loop3A_260] {strides = array<i32>} : memref<16x1024xf32, #tpu.memory_space<vmem>>, vector<1x16xf32>,
        %parallel_loop3A_262 = vector.shape_cast %parallel_loop3A_261 : vector<1x16xf32> to vector<16xf32>
        %parallel_loop3A_263 = arith.addf %parallel_loop3A_258, %parallel_loop3A_262 : vector<16xf32>
        %parallel_loop3A_264 = arith.constant 11 : i32
        %parallel_loop3A_265 = arith.index_cast %parallel_loop3A_264 : i32 to index
        %parallel_loop3A_266 = arith.index_cast %parallel_loop3A_248 : i32 to index
        %parallel_loop3A_267 = tpu.vector_load %arg13[%parallel_loop3A_265, %parallel_loop3A_266] {strides = array<i32>} : memref<16x1024xf32, #tpu.memory_space<vmem>>, vector<1x16xf32>,
        %parallel_loop3A_268 = vector.shape_cast %parallel_loop3A_267 : vector<1x16xf32> to vector<16xf32>
        %parallel_loop3A_269 = vector.shape_cast %parallel_loop3A_263 : vector<16xf32> to vector<1x16xf32>
        tpu.vector_store %arg13[%parallel_loop3A_265, %parallel_loop3A_266], %parallel_loop3A_269 {strides = array<i32>} : memref<16x1024xf32, #tpu.memory_space<vmem>>, vector<1x16xf32>,
      } {sc.loop_unroll_factor = 4 : i64, sc.parallel_access}
      %slice3A_211 = vector.extract_strided_slice %get3A_150 {offsets = [12], sizes = [1], strides = [1]} : vector<16xi32> to vector<1xi32>
      %squeeze3A_212 = vector.extract %slice3A_211[0] : i32 from vector<1xi32>
      %parallel_loop3A_213 = arith.constant 0 : i32
      %parallel_loop3A_214 = arith.constant 64 : i32
      %parallel_loop3A_215 = arith.constant 1 : i32
      scf.for %parallel_loop3A_246 = %parallel_loop3A_213 to %parallel_loop3A_214 step %parallel_loop3A_215  : i32 {
        %parallel_loop3A_247 = arith.constant 16 : i32
        %parallel_loop3A_248 = arith.muli %parallel_loop3A_246, %parallel_loop3A_247 : i32
        %parallel_loop3A_249 = arith.constant 12 : i32
        %parallel_loop3A_250 = arith.index_cast %parallel_loop3A_249 : i32 to index
        %parallel_loop3A_251 = arith.index_cast %parallel_loop3A_248 : i32 to index
        %parallel_loop3A_252 = tpu.vector_load %arg11[%parallel_loop3A_250, %parallel_loop3A_251] {strides = array<i32>} : memref<16x1024xf32, #tpu.memory_space<vmem>>, vector<1x16xf32>,
        %parallel_loop3A_253 = vector.shape_cast %parallel_loop3A_252 : vector<1x16xf32> to vector<16xf32>
        %parallel_loop3A_254 = arith.index_cast %squeeze3A_212 : i32 to index
        %parallel_loop3A_255 = arith.index_cast %parallel_loop3A_248 : i32 to index
        %parallel_loop3A_256 = tpu.vector_load %arg8[%parallel_loop3A_254, %parallel_loop3A_255] {strides = array<i32>} : memref<16x1024xf32, #tpu.memory_space<vmem>>, vector<1x16xf32>,
        %parallel_loop3A_257 = vector.shape_cast %parallel_loop3A_256 : vector<1x16xf32> to vector<16xf32>
        %parallel_loop3A_258 = arith.mulf %parallel_loop3A_253, %parallel_loop3A_257 : vector<16xf32>
        %parallel_loop3A_259 = arith.index_cast %squeeze3A_212 : i32 to index
        %parallel_loop3A_260 = arith.index_cast %parallel_loop3A_248 : i32 to index
        %parallel_loop3A_261 = tpu.vector_load %arg9[%parallel_loop3A_259, %parallel_loop3A_260] {strides = array<i32>} : memref<16x1024xf32, #tpu.memory_space<vmem>>, vector<1x16xf32>,
        %parallel_loop3A_262 = vector.shape_cast %parallel_loop3A_261 : vector<1x16xf32> to vector<16xf32>
        %parallel_loop3A_263 = arith.addf %parallel_loop3A_258, %parallel_loop3A_262 : vector<16xf32>
        %parallel_loop3A_264 = arith.constant 12 : i32
        %parallel_loop3A_265 = arith.index_cast %parallel_loop3A_264 : i32 to index
        %parallel_loop3A_266 = arith.index_cast %parallel_loop3A_248 : i32 to index
        %parallel_loop3A_267 = tpu.vector_load %arg13[%parallel_loop3A_265, %parallel_loop3A_266] {strides = array<i32>} : memref<16x1024xf32, #tpu.memory_space<vmem>>, vector<1x16xf32>,
        %parallel_loop3A_268 = vector.shape_cast %parallel_loop3A_267 : vector<1x16xf32> to vector<16xf32>
        %parallel_loop3A_269 = vector.shape_cast %parallel_loop3A_263 : vector<16xf32> to vector<1x16xf32>
        tpu.vector_store %arg13[%parallel_loop3A_265, %parallel_loop3A_266], %parallel_loop3A_269 {strides = array<i32>} : memref<16x1024xf32, #tpu.memory_space<vmem>>, vector<1x16xf32>,
      } {sc.loop_unroll_factor = 4 : i64, sc.parallel_access}
      %slice3A_216 = vector.extract_strided_slice %get3A_150 {offsets = [13], sizes = [1], strides = [1]} : vector<16xi32> to vector<1xi32>
      %squeeze3A_217 = vector.extract %slice3A_216[0] : i32 from vector<1xi32>
      %parallel_loop3A_218 = arith.constant 0 : i32
      %parallel_loop3A_219 = arith.constant 64 : i32
      %parallel_loop3A_220 = arith.constant 1 : i32
      scf.for %parallel_loop3A_246 = %parallel_loop3A_218 to %parallel_loop3A_219 step %parallel_loop3A_220  : i32 {
        %parallel_loop3A_247 = arith.constant 16 : i32
        %parallel_loop3A_248 = arith.muli %parallel_loop3A_246, %parallel_loop3A_247 : i32
        %parallel_loop3A_249 = arith.constant 13 : i32
        %parallel_loop3A_250 = arith.index_cast %parallel_loop3A_249 : i32 to index
        %parallel_loop3A_251 = arith.index_cast %parallel_loop3A_248 : i32 to index
        %parallel_loop3A_252 = tpu.vector_load %arg11[%parallel_loop3A_250, %parallel_loop3A_251] {strides = array<i32>} : memref<16x1024xf32, #tpu.memory_space<vmem>>, vector<1x16xf32>,
        %parallel_loop3A_253 = vector.shape_cast %parallel_loop3A_252 : vector<1x16xf32> to vector<16xf32>
        %parallel_loop3A_254 = arith.index_cast %squeeze3A_217 : i32 to index
        %parallel_loop3A_255 = arith.index_cast %parallel_loop3A_248 : i32 to index
        %parallel_loop3A_256 = tpu.vector_load %arg8[%parallel_loop3A_254, %parallel_loop3A_255] {strides = array<i32>} : memref<16x1024xf32, #tpu.memory_space<vmem>>, vector<1x16xf32>,
        %parallel_loop3A_257 = vector.shape_cast %parallel_loop3A_256 : vector<1x16xf32> to vector<16xf32>
        %parallel_loop3A_258 = arith.mulf %parallel_loop3A_253, %parallel_loop3A_257 : vector<16xf32>
        %parallel_loop3A_259 = arith.index_cast %squeeze3A_217 : i32 to index
        %parallel_loop3A_260 = arith.index_cast %parallel_loop3A_248 : i32 to index
        %parallel_loop3A_261 = tpu.vector_load %arg9[%parallel_loop3A_259, %parallel_loop3A_260] {strides = array<i32>} : memref<16x1024xf32, #tpu.memory_space<vmem>>, vector<1x16xf32>,
        %parallel_loop3A_262 = vector.shape_cast %parallel_loop3A_261 : vector<1x16xf32> to vector<16xf32>
        %parallel_loop3A_263 = arith.addf %parallel_loop3A_258, %parallel_loop3A_262 : vector<16xf32>
        %parallel_loop3A_264 = arith.constant 13 : i32
        %parallel_loop3A_265 = arith.index_cast %parallel_loop3A_264 : i32 to index
        %parallel_loop3A_266 = arith.index_cast %parallel_loop3A_248 : i32 to index
        %parallel_loop3A_267 = tpu.vector_load %arg13[%parallel_loop3A_265, %parallel_loop3A_266] {strides = array<i32>} : memref<16x1024xf32, #tpu.memory_space<vmem>>, vector<1x16xf32>,
        %parallel_loop3A_268 = vector.shape_cast %parallel_loop3A_267 : vector<1x16xf32> to vector<16xf32>
        %parallel_loop3A_269 = vector.shape_cast %parallel_loop3A_263 : vector<16xf32> to vector<1x16xf32>
        tpu.vector_store %arg13[%parallel_loop3A_265, %parallel_loop3A_266], %parallel_loop3A_269 {strides = array<i32>} : memref<16x1024xf32, #tpu.memory_space<vmem>>, vector<1x16xf32>,
      } {sc.loop_unroll_factor = 4 : i64, sc.parallel_access}
      %slice3A_221 = vector.extract_strided_slice %get3A_150 {offsets = [14], sizes = [1], strides = [1]} : vector<16xi32> to vector<1xi32>
      %squeeze3A_222 = vector.extract %slice3A_221[0] : i32 from vector<1xi32>
      %parallel_loop3A_223 = arith.constant 0 : i32
      %parallel_loop3A_224 = arith.constant 64 : i32
      %parallel_loop3A_225 = arith.constant 1 : i32
      scf.for %parallel_loop3A_246 = %parallel_loop3A_223 to %parallel_loop3A_224 step %parallel_loop3A_225  : i32 {
        %parallel_loop3A_247 = arith.constant 16 : i32
        %parallel_loop3A_248 = arith.muli %parallel_loop3A_246, %parallel_loop3A_247 : i32
        %parallel_loop3A_249 = arith.constant 14 : i32
        %parallel_loop3A_250 = arith.index_cast %parallel_loop3A_249 : i32 to index
        %parallel_loop3A_251 = arith.index_cast %parallel_loop3A_248 : i32 to index
        %parallel_loop3A_252 = tpu.vector_load %arg11[%parallel_loop3A_250, %parallel_loop3A_251] {strides = array<i32>} : memref<16x1024xf32, #tpu.memory_space<vmem>>, vector<1x16xf32>,
        %parallel_loop3A_253 = vector.shape_cast %parallel_loop3A_252 : vector<1x16xf32> to vector<16xf32>
        %parallel_loop3A_254 = arith.index_cast %squeeze3A_222 : i32 to index
        %parallel_loop3A_255 = arith.index_cast %parallel_loop3A_248 : i32 to index
        %parallel_loop3A_256 = tpu.vector_load %arg8[%parallel_loop3A_254, %parallel_loop3A_255] {strides = array<i32>} : memref<16x1024xf32, #tpu.memory_space<vmem>>, vector<1x16xf32>,
        %parallel_loop3A_257 = vector.shape_cast %parallel_loop3A_256 : vector<1x16xf32> to vector<16xf32>
        %parallel_loop3A_258 = arith.mulf %parallel_loop3A_253, %parallel_loop3A_257 : vector<16xf32>
        %parallel_loop3A_259 = arith.index_cast %squeeze3A_222 : i32 to index
        %parallel_loop3A_260 = arith.index_cast %parallel_loop3A_248 : i32 to index
        %parallel_loop3A_261 = tpu.vector_load %arg9[%parallel_loop3A_259, %parallel_loop3A_260] {strides = array<i32>} : memref<16x1024xf32, #tpu.memory_space<vmem>>, vector<1x16xf32>,
        %parallel_loop3A_262 = vector.shape_cast %parallel_loop3A_261 : vector<1x16xf32> to vector<16xf32>
        %parallel_loop3A_263 = arith.addf %parallel_loop3A_258, %parallel_loop3A_262 : vector<16xf32>
        %parallel_loop3A_264 = arith.constant 14 : i32
        %parallel_loop3A_265 = arith.index_cast %parallel_loop3A_264 : i32 to index
        %parallel_loop3A_266 = arith.index_cast %parallel_loop3A_248 : i32 to index
        %parallel_loop3A_267 = tpu.vector_load %arg13[%parallel_loop3A_265, %parallel_loop3A_266] {strides = array<i32>} : memref<16x1024xf32, #tpu.memory_space<vmem>>, vector<1x16xf32>,
        %parallel_loop3A_268 = vector.shape_cast %parallel_loop3A_267 : vector<1x16xf32> to vector<16xf32>
        %parallel_loop3A_269 = vector.shape_cast %parallel_loop3A_263 : vector<16xf32> to vector<1x16xf32>
        tpu.vector_store %arg13[%parallel_loop3A_265, %parallel_loop3A_266], %parallel_loop3A_269 {strides = array<i32>} : memref<16x1024xf32, #tpu.memory_space<vmem>>, vector<1x16xf32>,
      } {sc.loop_unroll_factor = 4 : i64, sc.parallel_access}
      %slice3A_226 = vector.extract_strided_slice %get3A_150 {offsets = [15], sizes = [1], strides = [1]} : vector<16xi32> to vector<1xi32>
      %squeeze3A_227 = vector.extract %slice3A_226[0] : i32 from vector<1xi32>
      %parallel_loop3A_228 = arith.constant 0 : i32
      %parallel_loop3A_229 = arith.constant 64 : i32
      %parallel_loop3A_230 = arith.constant 1 : i32
      scf.for %parallel_loop3A_246 = %parallel_loop3A_228 to %parallel_loop3A_229 step %parallel_loop3A_230  : i32 {
        %parallel_loop3A_247 = arith.constant 16 : i32
        %parallel_loop3A_248 = arith.muli %parallel_loop3A_246, %parallel_loop3A_247 : i32
        %parallel_loop3A_249 = arith.constant 15 : i32
        %parallel_loop3A_250 = arith.index_cast %parallel_loop3A_249 : i32 to index
        %parallel_loop3A_251 = arith.index_cast %parallel_loop3A_248 : i32 to index
        %parallel_loop3A_252 = tpu.vector_load %arg11[%parallel_loop3A_250, %parallel_loop3A_251] {strides = array<i32>} : memref<16x1024xf32, #tpu.memory_space<vmem>>, vector<1x16xf32>,
        %parallel_loop3A_253 = vector.shape_cast %parallel_loop3A_252 : vector<1x16xf32> to vector<16xf32>
        %parallel_loop3A_254 = arith.index_cast %squeeze3A_227 : i32 to index
        %parallel_loop3A_255 = arith.index_cast %parallel_loop3A_248 : i32 to index
        %parallel_loop3A_256 = tpu.vector_load %arg8[%parallel_loop3A_254, %parallel_loop3A_255] {strides = array<i32>} : memref<16x1024xf32, #tpu.memory_space<vmem>>, vector<1x16xf32>,
        %parallel_loop3A_257 = vector.shape_cast %parallel_loop3A_256 : vector<1x16xf32> to vector<16xf32>
        %parallel_loop3A_258 = arith.mulf %parallel_loop3A_253, %parallel_loop3A_257 : vector<16xf32>
        %parallel_loop3A_259 = arith.index_cast %squeeze3A_227 : i32 to index
        %parallel_loop3A_260 = arith.index_cast %parallel_loop3A_248 : i32 to index
        %parallel_loop3A_261 = tpu.vector_load %arg9[%parallel_loop3A_259, %parallel_loop3A_260] {strides = array<i32>} : memref<16x1024xf32, #tpu.memory_space<vmem>>, vector<1x16xf32>,
        %parallel_loop3A_262 = vector.shape_cast %parallel_loop3A_261 : vector<1x16xf32> to vector<16xf32>
        %parallel_loop3A_263 = arith.addf %parallel_loop3A_258, %parallel_loop3A_262 : vector<16xf32>
        %parallel_loop3A_264 = arith.constant 15 : i32
        %parallel_loop3A_265 = arith.index_cast %parallel_loop3A_264 : i32 to index
        %parallel_loop3A_266 = arith.index_cast %parallel_loop3A_248 : i32 to index
        %parallel_loop3A_267 = tpu.vector_load %arg13[%parallel_loop3A_265, %parallel_loop3A_266] {strides = array<i32>} : memref<16x1024xf32, #tpu.memory_space<vmem>>, vector<1x16xf32>,
        %parallel_loop3A_268 = vector.shape_cast %parallel_loop3A_267 : vector<1x16xf32> to vector<16xf32>
        %parallel_loop3A_269 = vector.shape_cast %parallel_loop3A_263 : vector<16xf32> to vector<1x16xf32>
        tpu.vector_store %arg13[%parallel_loop3A_265, %parallel_loop3A_266], %parallel_loop3A_269 {strides = array<i32>} : memref<16x1024xf32, #tpu.memory_space<vmem>>, vector<1x16xf32>,
      } {sc.loop_unroll_factor = 4 : i64, sc.parallel_access}
      %mul3A_231 = arith.constant 16 : i32
      %mul3A_232 = arith.muli %add3A_136, %mul3A_231 : i32
      %add3A_233 = arith.addi %mul3A_2, %mul3A_232 : i32
      %dma_start3A_234 = arith.constant 0 : i32
      %dma_start3A_235 = tpu.memref_slice %arg6[%add3A_233, %dma_start3A_234] : memref<8192x1024xf32, #tpu.memory_space<hbm>> -> memref<16x1024xf32, #tpu.memory_space<hbm>>
      %dma_start3A_236 = arith.constant 0 : i32
      %dma_start3A_237 = tpu.memref_slice %arg6[%add3A_233, %dma_start3A_236] : memref<8192x1024xf32, #tpu.memory_space<hbm>> -> memref<16x1024xf32, #tpu.memory_space<hbm>>
      tpu.enqueue_dma source(%arg13 : memref<16x1024xf32, #tpu.memory_space<vmem>>) target(%dma_start3A_237 : memref<16x1024xf32, #tpu.memory_space<hbm>>) target_semaphore(%arg17 : memref<!tpu.dma_semaphore, #tpu.memory_space<semaphore_mem>>)
      %add3A_238 = arith.constant 2 : i32
      %add3A_239 = arith.addi %add3A_136, %add3A_238 : i32
      %lt3A_240 = arith.constant 16 : i32
      %lt3A_241 = arith.cmpi slt, %add3A_239, %lt3A_240 : i32
      %convert_element_type3A_242 = arith.extui %lt3A_241 : i1 to i32
      %cond3A_243 = arith.constant 0 : i32
      %cond3A_244 = arith.cmpi ne, %convert_element_type3A_242, %cond3A_243 : i32
      scf.if %cond3A_244 {
        %add3A_246 = arith.constant 2 : i32
        %add3A_247 = arith.addi %add3A_136, %add3A_246 : i32
        %mul3A_248 = arith.constant 16 : i32
        %mul3A_249 = arith.muli %add3A_247, %mul3A_248 : i32
        %add3A_250 = arith.addi %mul3A_2, %mul3A_249 : i32
        %dma_start3A_251 = arith.constant 0 : i32
        %dma_start3A_252 = tpu.memref_slice %arg2[%add3A_250, %dma_start3A_251] : memref<8192x1024xf32, #tpu.memory_space<hbm>> -> memref<16x1024xf32, #tpu.memory_space<hbm>>
        %dma_start3A_253 = arith.constant 0 : i32
        %dma_start3A_254 = tpu.memref_slice %arg2[%add3A_250, %dma_start3A_253] : memref<8192x1024xf32, #tpu.memory_space<hbm>> -> memref<16x1024xf32, #tpu.memory_space<hbm>>
        tpu.enqueue_dma source(%dma_start3A_254 : memref<16x1024xf32, #tpu.memory_space<hbm>>) target(%arg11 : memref<16x1024xf32, #tpu.memory_space<vmem>>) target_semaphore(%arg15 : memref<!tpu.dma_semaphore, #tpu.memory_space<semaphore_mem>>)
      } else {
      }
      %scan3A_245 = arith.constant 0 : i32
      scf.yield %scan3A_245 : i32
    }
    %scan3A_19 = arith.constant 8 : i32
    %dma_wait3A = arith.constant 0 : i32
    %dma_wait3A_20 = tpu.memref_slice %arg6[%mul3A_2, %dma_wait3A] : memref<8192x1024xf32, #tpu.memory_space<hbm>> -> memref<16x1024xf32, #tpu.memory_space<hbm>>
    %dma_wait3A_21 = arith.constant 0 : i32
    %dma_wait3A_22 = tpu.memref_slice %arg6[%mul3A_2, %dma_wait3A_21] : memref<8192x1024xf32, #tpu.memory_space<hbm>> -> memref<16x1024xf32, #tpu.memory_space<hbm>>
    tpu.wait_dma2 semaphore(%arg16 : memref<!tpu.dma_semaphore, #tpu.memory_space<semaphore_mem>>) src(%arg12 : memref<16x1024xf32, #tpu.memory_space<vmem>>) dst(%dma_wait3A_22 : memref<16x1024xf32, #tpu.memory_space<hbm>>)
    %dma_wait3A_23 = arith.constant 0 : i32
    %dma_wait3A_24 = tpu.memref_slice %arg6[%mul3A_2, %dma_wait3A_23] : memref<8192x1024xf32, #tpu.memory_space<hbm>> -> memref<16x1024xf32, #tpu.memory_space<hbm>>
    %dma_wait3A_25 = arith.constant 0 : i32
    %dma_wait3A_26 = tpu.memref_slice %arg6[%mul3A_2, %dma_wait3A_25] : memref<8192x1024xf32, #tpu.memory_space<hbm>> -> memref<16x1024xf32, #tpu.memory_space<hbm>>
    tpu.wait_dma2 semaphore(%arg17 : memref<!tpu.dma_semaphore, #tpu.memory_space<semaphore_mem>>) src(%arg13 : memref<16x1024xf32, #tpu.memory_space<vmem>>) dst(%dma_wait3A_26 : memref<16x1024xf32, #tpu.memory_space<hbm>>)
    return
  }
}

module attributes {stable_mosaic.version = 14 : i64} {
  func.func @_prep_body(%arg0: memref<16x1008xf32, #tpu.memory_space<vmem>>, %arg1: memref<16x1008xf32, #tpu.memory_space<vmem>>, %arg2: memref<16x1024xf32, #tpu.memory_space<vmem>>, %arg3: memref<16x1024xf32, #tpu.memory_space<vmem>>) attributes {dimension_semantics = [], scalar_prefetch = 0 : i64, scratch_operands = 0 : i64, tpu.core_type = #tpu.core_type<tc>} {
    %get3A = arith.constant 0 : index
    %get3A_0 = arith.constant 0 : index
    %get3A_1 = vector.load %arg1[%get3A, %get3A_0] : memref<16x1008xf32, #tpu.memory_space<vmem>>, vector<16x1008xf32>
    %add3A = arith.constant 9.99999993E-9 : f32
    %add3A_2 = vector.broadcast %add3A : f32 to vector<16x1008xf32>
    %add3A_3 = arith.addf %get3A_1, %add3A_2 : vector<16x1008xf32>
    %rsqrt3A = math.rsqrt %add3A_3 : vector<16x1008xf32>
    %get3A_4 = arith.constant 0 : index
    %get3A_5 = arith.constant 0 : index
    %get3A_6 = vector.load %arg0[%get3A_4, %get3A_5] : memref<16x1008xf32, #tpu.memory_space<vmem>>, vector<16x1008xf32>
    %iota3A = tpu.iota {dimensions = array<i32: 1>} : vector<16x1024xi32>
    %ge3A = arith.constant 1008 : i32
    %ge3A_7 = vector.broadcast %ge3A : i32 to vector<16x1024xi32>
    %ge3A_8 = arith.cmpi sge, %iota3A, %ge3A_7 : vector<16x1024xi32>
    %jit3A = arith.constant 0 : i32
    %convert_element_type3A = arith.sitofp %jit3A : i32 to f32
    %pad3A = vector.broadcast %convert_element_type3A : f32 to vector<16x16xf32>
    %pad3A_9 = tpu.concatenate %rsqrt3A, %pad3A in 1 : vector<16x1008xf32>, vector<16x16xf32> -> vector<16x1024xf32>
    %neg3A = arith.constant 0.000000e+00 : f32
    %neg3A_10 = vector.broadcast %neg3A : f32 to vector<16x1008xf32>
    %neg3A_11 = arith.subf %neg3A_10, %get3A_6 : vector<16x1008xf32>
    %mul3A = arith.mulf %neg3A_11, %rsqrt3A : vector<16x1008xf32>
    %jit3A_12 = arith.constant 0 : i32
    %convert_element_type3A_13 = arith.sitofp %jit3A_12 : i32 to f32
    %pad3A_14 = vector.broadcast %convert_element_type3A_13 : f32 to vector<16x16xf32>
    %pad3A_15 = tpu.concatenate %mul3A, %pad3A_14 in 1 : vector<16x1008xf32>, vector<16x16xf32> -> vector<16x1024xf32>
    %jit3A_16 = arith.constant 1.000000e+00 : f32
    %broadcast_in_dim3A = vector.broadcast %jit3A_16 : f32 to vector<16x1024xf32>
    %select_n3A = arith.select %ge3A_8, %broadcast_in_dim3A, %pad3A_9 : vector<16x1024xi1>, vector<16x1024xf32>
    %swap3A = arith.constant 0 : index
    %swap3A_17 = arith.constant 0 : index
    %swap3A_18 = vector.load %arg2[%swap3A, %swap3A_17] : memref<16x1024xf32, #tpu.memory_space<vmem>>, vector<16x1024xf32>
    tpu.vector_store %arg2[%swap3A, %swap3A_17], %select_n3A {strides = array<i32>} : memref<16x1024xf32, #tpu.memory_space<vmem>>, vector<16x1024xf32>,
    %jit3A_19 = arith.constant 0.000000e+00 : f32
    %broadcast_in_dim3A_20 = vector.broadcast %jit3A_19 : f32 to vector<16x1024xf32>
    %select_n3A_21 = arith.select %ge3A_8, %broadcast_in_dim3A_20, %pad3A_15 : vector<16x1024xi1>, vector<16x1024xf32>
    %swap3A_22 = arith.constant 0 : index
    %swap3A_23 = arith.constant 0 : index
    %swap3A_24 = vector.load %arg3[%swap3A_22, %swap3A_23] : memref<16x1024xf32, #tpu.memory_space<vmem>>, vector<16x1024xf32>
    tpu.vector_store %arg3[%swap3A_22, %swap3A_23], %select_n3A_21 {strides = array<i32>} : memref<16x1024xf32, #tpu.memory_space<vmem>>, vector<16x1024xf32>,
    return
  }
}

</mosaic_0001>

<sc_bundles>
// kernel: kernel.4.cloned.1.call-start
scs
__scs_entry_jumppad:
0x0: {  	(pc) =	sbr.rel $0x88, $3  }
0x1: {  	(tag) =	ssettag $0x0;
	lr =	simm.s32 $0x1  }
0x2: {  	[smem:$0x3F9D] =	sst lr;
	_ =	strace $0xD0000000  }
0x3: {  	_ = 	snop  }
0x4: {  	_ = 	snop  }
0x5: {  	_ = 	snop  }
0x6: {  	_ = 	snop  }
0x7: {  	_ = 	snop  }
__scs_overlays_trampoline_lowered:
0x8: {  	[smem:$0x3FAC] =	sst s0  }
0x9: {  	[smem:$0x3FAD] =	sst s1  }
0xa: {  	[smem:$0x3FAE] =	sst s2  }
0xb: {  	[smem:$0x3FAF] =	sst s3  }
0xc: {  	[smem:$0x3FB0] =	sst s4  }
0xd: {  	[smem:$0x3FB1] =	sst s5  }
0xe: {  	[smem:$0x3FB2] =	sst s6  }
0xf: {  	[smem:$0x3FB3] =	sst s7  }
0x10: {  	[smem:$0x3FB4] =	sst s8  }
0x11: {  	[smem:$0x3FB5] =	sst s9;
	s0 =	simm.s32 @!p0 $0x0  }
0x12: {  	s1 =	sld [smem:$0x3F9B];
	s0 =	simm.s32 @p0 $0x1  }
0x13: {  	[smem:$0x3FB6] =	sst s0;
	s0 =	simm.s32 @!p1 $0x0  }
0x14: {  	s2 =	sld [smem:$0x3F9A];
	s0 =	simm.s32 @p1 $0x1  }
0x15: {  	[smem:$0x3FB7] =	sst s0;
	s0 =	simm.s32 @!p2 $0x0  }
0x16: {  	s3 =	sld [smem:$0x3FDB];
	s0 =	simm.s32 @p2 $0x1  }
0x17: {  	s4 =	simm.s32 $0x1BF5;
	[smem:$0x3FB9] =	sst s0  }
0x18: {  	s0 =	sld [smem:$0x3F9C];
	_ =	swait.ge [sflag:s4], $0x0  }
0x19: {  	s7 =	sld [smem:$0x3F9D]  }
0x1a: {  	s8 =	sadd.s32 $0xFFFFE003, lr  }
0x1b: {  	s9 =	sadd.s32 $0xFFFFFEF7, lr;
	s5 =	simm.s32 $0xFFFFFFFF;
	p2 =	slt.u32 s8, $0xFFFFF086  }
0x1c: {  	p1 =	slt.u32 s9, $0xF7A;
	s5 =	simm.s32 @!p2 $0x0  }
0x1d: {  	s5 =	simm.s32 @p1 $0x1;
	p0 =	seq.s32 s7, s2  }
0x1e: {  	s7 =	smul.u32 @!p0 $0xF7A, s2;
	p2 =	seq.s32 @!p0 s5, $0x0  }
0x1f: {  	s9 =	smul.u32 $0xF7A, s1;
	s8 =	simm.s32 @!p0 $0x1BF5;
	p2 =	por !p2, p0  }
0x20: {  	[sflag:s8] =	ssyncset.s32 @!p0 $0xFFFFF086;
	s6 =	sadd.s32 @!p0 s3, s7;
	s7 =	simm.s32 @!p0 $0x108  }
0x21: {  	s3 =	sadd.s32 s3, s9;
	s6 =	sadd.s32 @!p0 $0x88, s6;
	s7 =	simm.s32 @p2 $0x1082  }
0x22: {  	[simem:s7], [sflag:s8] =	dma.local @!p0 [hbm:s6], $0xF7A  }
0x23: {  	s9 =	sor.u32 $0xD0000000, s2;
	s6 =	simm.s32 $0x108;
	_ =	swait.ge @!p0 [sflag:s8], $0x0  }
0x24: {  	s3 =	sadd.s32 $0x88, s3;
	s6 =	simm.s32 @!p1 $0x1082;
	[sflag:s4] =	ssyncset.s32 $0xFFFFF086  }
0x25: {  	[simem:s6], [sflag:s4] =	dma.local [hbm:s3], $0xF7A  }
0x26: {  	[smem:$0x3F9D] =	sst s1;
	(tag) =	ssettag s2;
	_ =	strace s9  }
0x27: {  	s1 =	sld [smem:$0x3FAD]  }
0x28: {  	s2 =	sld [smem:$0x3FAE]  }
0x29: {  	s4 =	sld [smem:$0x3FB0]  }
0x2a: {  	p0 =	seq.s32 s5, $0x0;
	s5 =	sld [smem:$0x3FB1]  }
0x2b: {  	s6 =	sld [smem:$0x3FB2]  }
0x2c: {  	s7 =	sld [smem:$0x3FB3]  }
0x2d: {  	s3 =	simm.s32 $0x108;
	s8 =	sld [smem:$0x3FB4]  }
0x2e: {  	s3 =	simm.s32 @!p0 $0x1082;
	s9 =	sld [smem:$0x3FB5]  }
0x2f: {  	lr =	sadd.s32 s0, s3;
	s0 =	sld [smem:$0x3FAC]  }
0x30: {  	s3 =	sld [smem:$0x3FAF]  }
0x31: {  	[smem:$0x3FB8] =	sst s10  }
0x32: {  	s10 =	sld [smem:$0x3FB6];
	_ =	sdelay $0x3  }
0x33: {  	p0 =	seq.s32 s10, $0x1;
	s10 =	sld [smem:$0x3FB8];
	_ =	sdelay $0x3  }
0x34: {  	[smem:$0x3FB8] =	sst s10  }
0x35: {  	s10 =	sld [smem:$0x3FB7];
	_ =	sdelay $0x3  }
0x36: {  	p1 =	seq.s32 s10, $0x1;
	s10 =	sld [smem:$0x3FB8];
	_ =	sdelay $0x3  }
0x37: {  	[smem:$0x3FB8] =	sst s10  }
0x38: {  	s10 =	sld [smem:$0x3FB9]  }
0x39: {  	_ = 	snop;
	(pc) =	sbr.ind lr, $3  }
0x3a: {  	_ = 	snop  }
0x3b: {  	_ = 	snop  }
0x3c: {  	p2 =	seq.s32 s10, $0x1;
	s10 =	sld [smem:$0x3FB8]  }
0x3d: {  	_ =	shalt  }
0x3e: {  	_ =	shalt  }
0x3f: {  	_ =	shalt  }
0x40: {  	_ =	shalt  }
0x41: {  	_ =	shalt  }
0x42: {  	_ =	shalt  }
0x43: {  	_ =	shalt  }
0x44: {  	_ =	shalt  }
0x45: {  	_ =	shalt  }
0x46: {  	_ =	shalt  }
0x47: {  	_ =	shalt  }
0x48: {  	_ =	shalt  }
0x49: {  	_ =	shalt  }
0x4a: {  	_ =	shalt  }
0x4b: {  	_ =	shalt  }
0x4c: {  	_ =	shalt  }
0x4d: {  	_ =	shalt  }
0x4e: {  	_ =	shalt  }
0x4f: {  	_ =	shalt  }
0x50: {  	_ =	shalt  }
0x51: {  	_ =	shalt  }
0x52: {  	_ =	shalt  }
0x53: {  	_ =	shalt  }
0x54: {  	_ =	shalt  }
0x55: {  	_ =	shalt  }
0x56: {  	_ =	shalt  }
0x57: {  	_ =	shalt  }
0x58: {  	_ =	shalt  }
0x59: {  	_ =	shalt  }
0x5a: {  	_ =	shalt  }
0x5b: {  	_ =	shalt  }
0x5c: {  	_ =	shalt  }
0x5d: {  	_ =	shalt  }
0x5e: {  	_ =	shalt  }
0x5f: {  	_ =	shalt  }
0x60: {  	_ =	shalt  }
0x61: {  	_ =	shalt  }
0x62: {  	_ =	shalt  }
0x63: {  	_ =	shalt  }
0x64: {  	_ =	shalt  }
0x65: {  	_ =	shalt  }
0x66: {  	_ =	shalt  }
0x67: {  	_ =	shalt  }
0x68: {  	_ =	shalt  }
0x69: {  	_ =	shalt  }
0x6a: {  	_ =	shalt  }
0x6b: {  	_ =	shalt  }
0x6c: {  	_ =	shalt  }
0x6d: {  	_ =	shalt  }
0x6e: {  	_ =	shalt  }
0x6f: {  	_ =	shalt  }
0x70: {  	_ =	shalt  }
0x71: {  	_ =	shalt  }
0x72: {  	_ =	shalt  }
0x73: {  	_ =	shalt  }
0x74: {  	_ =	shalt  }
0x75: {  	_ =	shalt  }
0x76: {  	_ =	shalt  }
0x77: {  	_ =	shalt  }
0x78: {  	_ =	shalt  }
0x79: {  	_ =	shalt  }
0x7a: {  	_ =	shalt  }
0x7b: {  	_ =	shalt  }
0x7c: {  	_ =	shalt  }
0x7d: {  	_ =	shalt  }
0x7e: {  	_ =	shalt  }
0x7f: {  	_ =	shalt  }
0x80: {  	_ =	shalt  }
0x81: {  	_ =	shalt  }
0x82: {  	_ =	shalt  }
0x83: {  	_ =	shalt  }
0x84: {  	_ =	shalt  }
0x85: {  	_ =	shalt  }
0x86: {  	_ =	shalt  }
0x87: {  	_ =	shalt  }
.Lfunc_end0:
.L_simem_size_0:
called_computation_lowered:
.L_overlay_start_0:
0x88: {  	s2 =	sld [smem:$0x3FD9]  }
0x89: {  	s3 =	sld [smem:$0x3FFE];
	_ =	sdelay $0x1  }
0x8a: {  	s1 =	srdreg.scid  }
0x8b: {  	s0 =	sand.u32 $0x1, s1  }
0x8c: {  	s17 =	sshll.u32 s0, $0xA;
	s2 =	sadd.s32 s3, s2  }
0x8d: {  	s2 =	sadd.s32 s2, s17  }
0x8e: {  	[smem:$0x3FC4] =	sst s2  }
0x8f: {  	_ = 	snop  }
0x90: {  	s2 =	sld [smem:$0x3FC9]  }
0x91: {  	s18 =	sld [smem:$0x3FC8]  }
0x92: {  	s4 =	sld [smem:$0x3FD0];
	(tm) =	ssettm $0x1  }
0x93: {  	s5 =	sld [smem:$0x3FFB];
	_ =	sdelay $0x3  }
0x94: {  	_ =	strace s5  }
0x95: {  	s5 =	sld [smem:$0x3FFC];
	_ =	sdelay $0x3  }
0x96: {  	_ =	strace s5  }
0x97: {  	s5 =	sld [smem:$0x3FFD];
	_ =	sdelay $0x3  }
0x98: {  	_ =	strace s5  }
0x99: {  	_ =	strace $0x8FFFFFFF  }
0x9a: {  	s19 =	sld [smem:$0x3FDB];
	_ =	sdelay $0x1  }
0x9b: {  	s6 =	simm.s32 $_scs_section_size  }
0x9c: {  	s7 =	simm.s32 $_size__tile_overlayer_lowered;
	s8 =	simm.s32 $_tile_overlayer_lowered  }
0x9d: {  	s22 =	simm.s32 $0x1BFF;
	s21 =	sshll.u32 s8, $0x1;
	s5 =	sadd.s32 s6, s19  }
0x9e: {  	s9 =	simm.s32 $0x0;
	s20 =	sshll.u32 s7, $0x1;
	s7 =	sadd.s32 s21, s5  }
0x9f: {  	[timem:s9], [sflag:s22] =	dma.local [hbm:s7], s20  }
0xa0: {  	_ =	swait.ge [sflag:s22], s20  }
0xa1: {  	s6 =	ssub.s32 $0x0, s20;
	[sflag:s22] =	ssyncset.done $0x0  }
0xa2: {  	[sflag:s22] =	ssyncadd.s32 s6;
	_ =	sdelay $0x1  }
0xa3: {  	s23 =	simm.s32 $0x1B8B  }
0xa4: {  	_ =	swait.ge [sflag:s23], $0x1  }
0xa5: {  	[sflag:s23] =	ssyncset.done $0x0  }
0xa6: {  	s25 =	simm.s32 $0x1B8E;
	s24 =	sld [smem:$0x3FFE];
	[sflag:s23] =	ssyncadd.s32 $0xFFFFFFFF  }
0xa7: {  	s26 =	simm.s32 $execute0_lowered;
	[smem:$0x3FD2] =	sst s25  }
0xa8: {  	s7 =	sshll.u32 s26, $0x1;
	_ =	strace $0x80000046;
	[dreg:$0x1] =	wrdreg $0xFFFFFFFF  }
0xa9: {  	s28 =	simm.s32 $_size_execute0_lowered;
	s5 =	sadd.s32 s5, s7;
	[dreg:$0x0] =	wrdreg $0x0  }
0xaa: {  	s7 =	sshll.u32 s28, $0x1;
	[dreg:$0x2] =	wrdreg s5  }
0xab: {  	[dreg:$0x3] =	wrdreg s7  }
0xac: {  	[dreg:$0x4] =	wrdreg $0xC0  }
0xad: {  	_ =	task [dreg:s9], $0x5FFFF  }
0xae: {  	[dreg:$0x1] =	wrdreg $0xFFFFFFFF  }
0xaf: {  	[dreg:$0x0] =	wrdreg $0x60  }
0xb0: {  	[dreg:$0x2] =	wrdreg s2  }
0xb1: {  	[dreg:$0x3] =	wrdreg s18  }
0xb2: {  	[dreg:$0x4] =	wrdreg s24  }
0xb3: {  	[dreg:$0x5] =	wrdreg s4  }
0xb4: {  	[dreg:$0x6] =	wrdreg $0x9  }
0xb5: {  	_ =	task.clear_ibuf [dreg:s9], $0x7FFFF;
	_ =	strace $0x90000046  }
0xb6: {  	s29 =	simm.s32 $0x9;
	_ =	strace $0x80000048  }
0xb7: {  	_ =	swait.ge [sflag:s29], $0x1  }
0xb8: {  	[sflag:s29] =	ssyncadd.s32 $0xFFFFFFFF  }
0xb9: {  	_ =	strace $0x90000048  }
0xba: {  	_ =	sfence  }
0xbb: {  	s30 =	sld [smem:$0x0];
	_ =	sdelay $0x2  }
0xbc: {  	s31 =	sshll.u32 s1, $0xD;
	s1 =	sshrl.u32 s1, $0x2  }
0xbd: {  	s3 =	sand.u32 $0x4000, s31;
	s1 =	sadd.s32 s1, s30  }
0xbe: {  	s0 =	sor.u32 s3, s0;
	s1 =	sshll.u32 s1, $0x11  }
0xbf: {  	s0 =	sor.u32 s1, s0  }
0xc0: {  	s0 =	sadd.s32 $0x8F2B, s0  }
0xc1: {  	[sflag:s0] =	ssyncadd.remote.s32 $0x1  }
0xc2: {  	_ =	sfence.sel $0xFFFF  }
0xc3: {  	[dreg:$0x0] =	wrdreg $0xFFFFFFFF;
	(pc) =	sbr.abs _section_cstart, $3  }
0xc4: {  	[dreg:$0x1] =	wrdreg $0xFFFFFFFF  }
0xc5: {  	_ =	task.clear_ibuf [dreg:s9], $0x2FFFF;
	_ =	strace $0x9FFFFFFF  }
0xc6: {  	(tm) =	ssettm $0x7FFFFFFF  }
0xc7: {  	_ =	shalt  }
tec
execute0_lowered:
.L_overlay_start_1:
0x0: {  	(tag) =	ssettag $0x1  }
0x1: {  	s0 =	rddreg [dreg:$0x0]  }
0x2: {  	s1 =	rddreg [dreg:$0x1]  }
0x3: {  	s4 =	rddreg [dreg:$0x2]  }
0x4: {  	s2 =	rddreg [dreg:$0x3]  }
0x5: {  	s5 =	srdreg.scid;
	s3 =	simm.s32 $0x0;
	s7 =	stileid.u32  }
0x6: {  	s14 =	simm.s32 $0xC100;
	s18 =	simm.s32 $0x1;
	s19 =	simm.s32 $0x10100  }
0x7: {  	s20 =	simm.s32 $0x2;
	s6 =	sand.u32 $0x1, s5;
	[smem:$0x7FF] =	sst s3  }
0x8: {  	s23 =	sshll.u32 s7, $0x9;
	s8 =	sadd.s32 $0xE00, s4;
	s4 =	sadd.s32 $0x1600, s4  }
0x9: {  	s24 =	sshll.u32 s6, $0x8;
	_ =	strace $0x80000047;
	[dreg:$0x5] =	wrdreg s8  }
0xa: {  	[dreg:$0x6] =	wrdreg s4;
	s25 =	ssub.s32 $0x2, s6;
	s5 =	sor.u32 s24, s23  }
0xb: {  	s28 =	sshrl.u32 s25, $0x1;
	s26 =	sshll.u32 s5, $0x7;
	s29 =	sshrl.u32 s5, $0x3  }
.Ltmp0:
0xc: {  	s6 =	sadd.s32 s0, s26;
	s0 =	sadd.s32 s1, s29;
	(pc) =	sbr.rel .LBB2_1-.Ltmp0, $4  }
0xd: {  	s21 =	simm.s32 $0x4;
	s4 =	ssub.s32 s25, s28;
	[dreg:$0x9] =	wrdreg s0  }
0xe: {  	s22 =	simm.s32 $0x14100;
	s31 =	smax.u32 s4, $0x1;
	[dreg:$0x7] =	wrdreg s6  }
0xf: {  	s1 =	simm.s32 $0x0;
	s30 =	sadd.s32 $0x800, s6;
	[dreg:$0xa] =	wrdreg s31  }
0x10: {  	s10 =	sadd.s32 $0x1000, s6;
	s11 =	sadd.s32 $0x1800, s6;
	[dreg:$0x8] =	wrdreg s30  }
.LBB2_72:
0x11: {  	s0 =	simm.s32 $0x3  }
0x12: {  	_ =	swait.ge [sflag:s0], $0x4000  }
0x13: {  	[sflag:s0] =	ssyncset.done $0x0  }
0x14: {  	[sflag:s0] =	ssyncadd.s32 $0xFFFFC000  }
0x15: {  	_ =	swait.ge [sflag:s21], $0x4000  }
0x16: {  	s1 =	rddreg [dreg:$0xb]  }
0x17: {  	s31 =	rddreg [dreg:$0xa];
	s1 =	sadd.s32 $0x1, s1  }
0x18: {  	p0 =	sne.s32 s1, s31  }
.Ltmp1:
0x19: {  	_ = 	snop;
	(pc) =	sbr.rel @!p0 .LBB2_73-.Ltmp1, $3  }
0x1a: {  	_ =	sdelay $0x1  }
0x1b: {  	[sflag:s21] =	ssyncset.done $0x0  }
0x1c: {  	[sflag:s21] =	ssyncadd.s32 $0xFFFFC000  }
.LBB2_1:
0x1d: {  	[dreg:$0xb] =	wrdreg s1  }
0x1e: {  	s0 =	rddreg [dreg:$0x7];
	s24 =	simm.s32 $0x8100  }
0x1f: {  	[tilespmem:s24], [sflag:$0x1] =	stream.linear.gather [hbm4b:s0+s3], $0x4000, $0x38;
	[tilespmem:$0x18100] =	vst v63  }
0x20: {  	s25 =	rddreg [dreg:$0x8]  }
0x21: {  	[tilespmem:s14], [sflag:$0x2] =	stream.linear.gather [hbm4b:s25+s3], $0x4000, $0x38;
	[tilespmem:$0x18100] =	vst v63  }
0x22: {  	s26 =	rddreg [dreg:$0x9];
	s28 =	simm.s32 $0x5  }
0x23: {  	[tilespmem:s3], [sflag:$0x5] =	stream.linear.gather [hbm4b:s26+s3], $0x100, $0x38;
	[tilespmem:$0x18100] =	vst v63  }
0x24: {  	_ =	swait.ge [sflag:s28], $0x100  }
0x25: {  	[sflag:s28] =	ssyncset.done $0x0  }
0x26: {  	s4 =	simm.s32 $0x100;
	s29 =	rddreg [dreg:$0x5];
	[sflag:s28] =	ssyncadd.s32 $0xFFFFFF00  }
0x27: {  	[tilespmem:s4], [sflag:$0x5] =	stream.linear.gather [hbm4b:s29+s3], $0x4000, $0x38;
	[tilespmem:$0x18100] =	vst v63  }
0x28: {  	_ =	swait.ge [sflag:s28], $0x4000  }
0x29: {  	[sflag:s28] =	ssyncset.done $0x0  }
0x2a: {  	s31 =	simm.s32 $0x4100;
	s30 =	rddreg [dreg:$0x6];
	[sflag:s28] =	ssyncadd.s32 $0xFFFFC000  }
0x2b: {  	[tilespmem:s31], [sflag:$0x5] =	stream.linear.gather [hbm4b:s30+s3], $0x4000, $0x38;
	[tilespmem:$0x18100] =	vst v63  }
0x2c: {  	_ =	swait.ge [sflag:s28], $0x4000  }
0x2d: {  	[sflag:s28] =	ssyncset.done $0x0  }
0x2e: {  	s25 =	simm.s32 $0x0;
	[sflag:s28] =	ssyncadd.s32 $0xFFFFC000  }
.LBB2_2:
0x2f: {  	_ =	swait.ge [sflag:s18], $0x4000  }
0x30: {  	p0 =	seq.s32 s25, $0x0;
	[sflag:s18] =	ssyncset.done $0x0  }
0x31: {  	s0 =	simm.s32 @!p0 $0x3;
	[sflag:s18] =	ssyncadd.s32 $0xFFFFC000  }
0x32: {  	_ =	swait.ge @!p0 [sflag:s0], $0x4000  }
0x33: {  	[sflag:s0] =	ssyncset.done @!p0 $0x0  }
0x34: {  	s28 =	sshll.u32 s25, $0x5;
	[sflag:s0] =	ssyncadd.s32 @!p0 $0xFFFFC000  }
0x35: {  	v0 =	vld [tilespmem:s28+$0x0];
	_ =	sdelay $0x4  }
0x36: {  	(v2sf) =	vpush v0, $0x0;
	_ =	sdelay $0xe  }
0x37: {  	s17 =	spop (v2sf)  }
0x38: {  	s16 =	simm.s32 $0x0;
	s1 =	sshll.u32 s17, $0xA;
	s0 =	sshll.u32 s17, $0x7  }
0x39: {  	s4 =	sand.u32 $0x40, s16;
	s1 =	sand.u32 $0xFFFFE000, s1;
	s0 =	sand.u32 $0x380, s0  }
0x3a: {  	s8 =	sand.u32 $0x1C00, s16;
	s23 =	sor.u32 $0x30, s4;
	s29 =	sor.u32 s0, s1  }
0x3b: {  	s17 =	sor.u32 s8, s23;
	s9 =	sor.u32 s8, s29  }
0x3c: {  	s26 =	sor.u32 $0x10, s4;
	v5 =	vld [tilespmem:s17+$0x8100];
	s24 =	sor.u32 s23, s9  }
0x3d: {  	s0 =	sor.u32 s8, s26;
	v6 =	vld [tilespmem:s24+$0x100]  }
0x3e: {  	s30 =	sor.u32 $0x20, s4;
	v3 =	vld [tilespmem:s0+$0x8100]  }
0x3f: {  	s1 =	sor.u32 s8, s30;
	v7 =	vld [tilespmem:s24+$0x4100]  }
0x40: {  	v2 =	vld [tilespmem:s1+$0x8100];
	s31 =	sor.u32 s26, s9  }
0x41: {  	s6 =	sor.u32 s4, s9;
	v4 =	vld [tilespmem:s31+$0x100]  }
0x42: {  	s9 =	sor.u32 s30, s9;
	v1 =	vld [tilespmem:s6+$0x100];
	v8 =	vmul.f32 v6, v5  }
0x43: {  	s30 =	sor.u32 s4, s8;
	v5 =	vld [tilespmem:s9+$0x100]  }
0x44: {  	s26 =	sshll.u32 s25, $0xC;
	s4 =	simm.s32 $0x0;
	s8 =	simm.s32 $0x40;
	v6 =	vld [tilespmem:s30+$0x8100];
	v7 =	vadd.f32 v7, v8  }
.LBB2_3:
0x45: {  	s12 =	sand.u32 $0x40, s8;
	v8 =	vld [tilespmem:s6+$0x4100];
	s16 =	sadd.s32 $0x200, s16  }
0x46: {  	s4 =	sadd.s32 $0x4, s4;
	s7 =	sand.u32 $0x1C00, s16;
	s6 =	sor.u32 $0x30, s12;
	v3 =	vmul.f32 v4, v3;
	v4 =	vld [tilespmem:s31+$0x4100];
	[tilespmem:s17+$0x10100] =	vst v7  }
0x47: {  	p1 =	slt.u32 s4, $0x3C;
	s23 =	sor.u32 s7, s29;
	s17 =	sor.u32 s7, s6;
	v7 =	vld [tilespmem:s9+$0x4100]  }
0x48: {  	s15 =	sor.u32 $0x20, s12;
	s9 =	sor.u32 $0x10, s12;
	v9 =	vld [tilespmem:s17+$0x8100];
	s24 =	sor.u32 s6, s23;
	v2 =	vmul.f32 v5, v2  }
0x49: {  	s6 =	sor.u32 s12, s23;
	s13 =	sor.u32 s7, s9;
	s31 =	sor.u32 s9, s23;
	v5 =	vld [tilespmem:s24+$0x100];
	v6 =	vmul.f32 v1, v6  }
0x4a: {  	s12 =	sor.u32 s12, s7;
	s7 =	sor.u32 s7, s15;
	s9 =	sor.u32 s15, s23;
	v1 =	vld [tilespmem:s6+$0x100]  }
0x4b: {  	v10 =	vld [tilespmem:s24+$0x4100];
	v6 =	vadd.f32 v8, v6;
	v8 =	vadd.f32 v4, v3  }
.Ltmp2:
0x4c: {  	v3 =	vld [tilespmem:s13+$0x8100];
	v7 =	vadd.f32 v7, v2;
	(pc) =	sbr.rel @p1 .LBB2_3-.Ltmp2, $4  }
0x4d: {  	v4 =	vld [tilespmem:s31+$0x100];
	[tilespmem:s30+$0x10100] =	vst v6;
	s30 =	smov.u32 s12  }
0x4e: {  	v2 =	vld [tilespmem:s7+$0x8100];
	v9 =	vmul.f32 v5, v9;
	[tilespmem:s0+$0x10100] =	vst v8;
	s0 =	smov.u32 s13  }
0x4f: {  	v5 =	vld [tilespmem:s9+$0x100];
	[tilespmem:s1+$0x10100] =	vst v7;
	s1 =	smov.u32 s7  }
0x50: {  	s8 =	sadd.s32 $0x40, s8;
	v6 =	vld [tilespmem:s30+$0x8100];
	v7 =	vadd.f32 v10, v9  }
0x51: {  	(v2sf) =	vpush v0, $0x1;
	_ =	sdelay $0x9  }
0x52: {  	v9 =	vld [tilespmem:s31+$0x4100]  }
0x53: {  	v10 =	vld [tilespmem:s9+$0x4100]  }
0x54: {  	v8 =	vld [tilespmem:s6+$0x4100]  }
0x55: {  	v3 =	vmul.f32 v4, v3  }
0x56: {  	v2 =	vmul.f32 v5, v2  }
0x57: {  	v1 =	vmul.f32 v1, v6;
	v3 =	vadd.f32 v9, v3;
	s4 =	spop (v2sf)  }
0x58: {  	s16 =	simm.s32 $0x0;
	[tilespmem:s17+$0x10100] =	vst v7;
	v2 =	vadd.f32 v10, v2;
	s13 =	sshll.u32 s4, $0xA;
	s4 =	sshll.u32 s4, $0x7  }
0x59: {  	s7 =	sand.u32 $0x40, s16;
	v1 =	vadd.f32 v8, v1;
	[tilespmem:s0+$0x10100] =	vst v3;
	s6 =	sand.u32 $0xFFFFE000, s13;
	s4 =	sand.u32 $0x380, s4  }
0x5a: {  	s15 =	sand.u32 $0x1C00, s16;
	s17 =	sor.u32 $0x30, s7;
	[tilespmem:s1+$0x10100] =	vst v2;
	s29 =	sor.u32 s4, s6  }
0x5b: {  	s1 =	sor.u32 s17, s15;
	[tilespmem:s30+$0x10100] =	vst v1;
	s8 =	sor.u32 s15, s29  }
0x5c: {  	s12 =	sor.u32 $0x10, s7;
	v5 =	vld [tilespmem:s1+$0x8180];
	s23 =	sor.u32 s17, s8  }
0x5d: {  	s0 =	sor.u32 s12, s15;
	v6 =	vld [tilespmem:s23+$0x100]  }
0x5e: {  	v3 =	vld [tilespmem:s0+$0x8180]  }
0x5f: {  	s6 =	sor.u32 s7, s8;
	v7 =	vld [tilespmem:s23+$0x4100]  }
0x60: {  	s24 =	sor.u32 $0x20, s7;
	s31 =	sor.u32 s12, s8;
	v1 =	vld [tilespmem:s6+$0x100]  }
0x61: {  	s17 =	sor.u32 s24, s15;
	v4 =	vld [tilespmem:s31+$0x100]  }
0x62: {  	s9 =	sor.u32 s24, s8;
	v2 =	vld [tilespmem:s17+$0x8180];
	v8 =	vmul.f32 v6, v5  }
0x63: {  	s30 =	sor.u32 s7, s15;
	v5 =	vld [tilespmem:s9+$0x100]  }
0x64: {  	s4 =	simm.s32 $0x0;
	s8 =	simm.s32 $0x40;
	v6 =	vld [tilespmem:s30+$0x8180];
	v7 =	vadd.f32 v7, v8  }
.LBB2_5:
0x65: {  	s7 =	sand.u32 $0x40, s8;
	v8 =	vld [tilespmem:s6+$0x4100];
	s16 =	sadd.s32 $0x200, s16  }
0x66: {  	s4 =	sadd.s32 $0x4, s4;
	s12 =	sand.u32 $0x1C00, s16;
	s6 =	sor.u32 $0x30, s7;
	v3 =	vmul.f32 v4, v3;
	v4 =	vld [tilespmem:s31+$0x4100];
	[tilespmem:s1+$0x10180] =	vst v7  }
0x67: {  	p1 =	slt.u32 s4, $0x3C;
	s13 =	sor.u32 s12, s29;
	s1 =	sor.u32 s6, s12;
	v7 =	vld [tilespmem:s9+$0x4100]  }
0x68: {  	s15 =	sor.u32 $0x20, s7;
	s9 =	sor.u32 $0x10, s7;
	v9 =	vld [tilespmem:s1+$0x8180];
	s23 =	sor.u32 s6, s13;
	v2 =	vmul.f32 v5, v2  }
0x69: {  	s6 =	sor.u32 s7, s13;
	s24 =	sor.u32 s9, s12;
	s31 =	sor.u32 s9, s13;
	v5 =	vld [tilespmem:s23+$0x100];
	v6 =	vmul.f32 v1, v6  }
0x6a: {  	s7 =	sor.u32 s7, s12;
	s12 =	sor.u32 s15, s12;
	s9 =	sor.u32 s15, s13;
	v1 =	vld [tilespmem:s6+$0x100]  }
0x6b: {  	v10 =	vld [tilespmem:s23+$0x4100];
	v6 =	vadd.f32 v8, v6;
	v8 =	vadd.f32 v4, v3  }
.Ltmp3:
0x6c: {  	v3 =	vld [tilespmem:s24+$0x8180];
	v7 =	vadd.f32 v7, v2;
	(pc) =	sbr.rel @p1 .LBB2_5-.Ltmp3, $4  }
0x6d: {  	v4 =	vld [tilespmem:s31+$0x100];
	[tilespmem:s30+$0x10180] =	vst v6;
	s30 =	smov.u32 s7  }
0x6e: {  	v2 =	vld [tilespmem:s12+$0x8180];
	v9 =	vmul.f32 v5, v9;
	[tilespmem:s0+$0x10180] =	vst v8;
	s0 =	smov.u32 s24  }
0x6f: {  	v5 =	vld [tilespmem:s9+$0x100];
	[tilespmem:s17+$0x10180] =	vst v7;
	s17 =	smov.u32 s12  }
0x70: {  	s8 =	sadd.s32 $0x40, s8;
	v6 =	vld [tilespmem:s30+$0x8180];
	v7 =	vadd.f32 v10, v9  }
0x71: {  	(v2sf) =	vpush v0, $0x2;
	_ =	sdelay $0x9  }
0x72: {  	v9 =	vld [tilespmem:s31+$0x4100]  }
0x73: {  	v10 =	vld [tilespmem:s9+$0x4100]  }
0x74: {  	v8 =	vld [tilespmem:s6+$0x4100]  }
0x75: {  	v3 =	vmul.f32 v4, v3  }
0x76: {  	v2 =	vmul.f32 v5, v2  }
0x77: {  	v1 =	vmul.f32 v1, v6;
	v3 =	vadd.f32 v9, v3;
	s4 =	spop (v2sf)  }
0x78: {  	[tilespmem:s1+$0x10180] =	vst v7;
	s1 =	simm.s32 $0x0;
	v2 =	vadd.f32 v10, v2;
	s13 =	sshll.u32 s4, $0xA;
	s4 =	sshll.u32 s4, $0x7  }
0x79: {  	s7 =	sand.u32 $0x40, s1;
	v1 =	vadd.f32 v8, v1;
	[tilespmem:s0+$0x10180] =	vst v3;
	s6 =	sand.u32 $0xFFFFE000, s13;
	s4 =	sand.u32 $0x380, s4  }
0x7a: {  	s15 =	sand.u32 $0x1C00, s1;
	s16 =	sor.u32 $0x30, s7;
	[tilespmem:s17+$0x10180] =	vst v2;
	s29 =	sor.u32 s4, s6  }
0x7b: {  	s17 =	sor.u32 s16, s15;
	[tilespmem:s30+$0x10180] =	vst v1;
	s8 =	sor.u32 s15, s29  }
0x7c: {  	s12 =	sor.u32 $0x10, s7;
	v5 =	vld [tilespmem:s17+$0x8200];
	s23 =	sor.u32 s16, s8  }
0x7d: {  	s0 =	sor.u32 s12, s15;
	v6 =	vld [tilespmem:s23+$0x100]  }
0x7e: {  	v3 =	vld [tilespmem:s0+$0x8200]  }
0x7f: {  	s6 =	sor.u32 s7, s8;
	v7 =	vld [tilespmem:s23+$0x4100]  }
0x80: {  	s24 =	sor.u32 $0x20, s7;
	s31 =	sor.u32 s12, s8;
	v1 =	vld [tilespmem:s6+$0x100]  }
0x81: {  	s16 =	sor.u32 s24, s15;
	v4 =	vld [tilespmem:s31+$0x100]  }
0x82: {  	s9 =	sor.u32 s24, s8;
	v2 =	vld [tilespmem:s16+$0x8200];
	v8 =	vmul.f32 v6, v5  }
0x83: {  	s30 =	sor.u32 s7, s15;
	v5 =	vld [tilespmem:s9+$0x100]  }
0x84: {  	s4 =	simm.s32 $0x0;
	s8 =	simm.s32 $0x40;
	v6 =	vld [tilespmem:s30+$0x8200];
	v7 =	vadd.f32 v7, v8  }
.LBB2_7:
0x85: {  	s7 =	sand.u32 $0x40, s8;
	v8 =	vld [tilespmem:s6+$0x4100];
	s1 =	sadd.s32 $0x200, s1  }
0x86: {  	s4 =	sadd.s32 $0x4, s4;
	s12 =	sand.u32 $0x1C00, s1;
	s6 =	sor.u32 $0x30, s7;
	v3 =	vmul.f32 v4, v3;
	v4 =	vld [tilespmem:s31+$0x4100];
	[tilespmem:s17+$0x10200] =	vst v7  }
0x87: {  	p1 =	slt.u32 s4, $0x3C;
	s13 =	sor.u32 s12, s29;
	s17 =	sor.u32 s6, s12;
	v7 =	vld [tilespmem:s9+$0x4100]  }
0x88: {  	s15 =	sor.u32 $0x20, s7;
	s9 =	sor.u32 $0x10, s7;
	v9 =	vld [tilespmem:s17+$0x8200];
	s23 =	sor.u32 s6, s13;
	v2 =	vmul.f32 v5, v2  }
0x89: {  	s6 =	sor.u32 s7, s13;
	s24 =	sor.u32 s9, s12;
	s31 =	sor.u32 s9, s13;
	v5 =	vld [tilespmem:s23+$0x100];
	v6 =	vmul.f32 v1, v6  }
0x8a: {  	s7 =	sor.u32 s7, s12;
	s12 =	sor.u32 s15, s12;
	s9 =	sor.u32 s15, s13;
	v1 =	vld [tilespmem:s6+$0x100]  }
0x8b: {  	v10 =	vld [tilespmem:s23+$0x4100];
	v6 =	vadd.f32 v8, v6;
	v8 =	vadd.f32 v4, v3  }
.Ltmp4:
0x8c: {  	v3 =	vld [tilespmem:s24+$0x8200];
	v7 =	vadd.f32 v7, v2;
	(pc) =	sbr.rel @p1 .LBB2_7-.Ltmp4, $4  }
0x8d: {  	v4 =	vld [tilespmem:s31+$0x100];
	[tilespmem:s30+$0x10200] =	vst v6;
	s30 =	smov.u32 s7  }
0x8e: {  	v2 =	vld [tilespmem:s12+$0x8200];
	v9 =	vmul.f32 v5, v9;
	[tilespmem:s0+$0x10200] =	vst v8;
	s0 =	smov.u32 s24  }
0x8f: {  	v5 =	vld [tilespmem:s9+$0x100];
	[tilespmem:s16+$0x10200] =	vst v7;
	s16 =	smov.u32 s12  }
0x90: {  	s8 =	sadd.s32 $0x40, s8;
	v6 =	vld [tilespmem:s30+$0x8200];
	v7 =	vadd.f32 v10, v9  }
0x91: {  	(v2sf) =	vpush v0, $0x3;
	_ =	sdelay $0x9  }
0x92: {  	v9 =	vld [tilespmem:s31+$0x4100]  }
0x93: {  	v10 =	vld [tilespmem:s9+$0x4100]  }
0x94: {  	v8 =	vld [tilespmem:s6+$0x4100]  }
0x95: {  	v3 =	vmul.f32 v4, v3  }
0x96: {  	v2 =	vmul.f32 v5, v2  }
0x97: {  	v1 =	vmul.f32 v1, v6;
	v3 =	vadd.f32 v9, v3;
	s1 =	spop (v2sf)  }
0x98: {  	[tilespmem:s17+$0x10200] =	vst v7;
	s17 =	simm.s32 $0x0;
	v2 =	vadd.f32 v10, v2;
	s4 =	sshll.u32 s1, $0xA;
	s1 =	sshll.u32 s1, $0x7  }
0x99: {  	s7 =	sand.u32 $0x40, s17;
	v1 =	vadd.f32 v8, v1;
	[tilespmem:s0+$0x10200] =	vst v3;
	s4 =	sand.u32 $0xFFFFE000, s4;
	s1 =	sand.u32 $0x380, s1  }
0x9a: {  	s13 =	sand.u32 $0x1C00, s17;
	s15 =	sor.u32 $0x30, s7;
	[tilespmem:s16+$0x10200] =	vst v2;
	s29 =	sor.u32 s1, s4  }
0x9b: {  	s0 =	sor.u32 s15, s13;
	[tilespmem:s30+$0x10200] =	vst v1;
	s8 =	sor.u32 s13, s29  }
0x9c: {  	s24 =	sor.u32 $0x20, s7;
	v4 =	vld [tilespmem:s0+$0x8280];
	s23 =	sor.u32 s15, s8  }
0x9d: {  	s16 =	sor.u32 s24, s13;
	v6 =	vld [tilespmem:s23+$0x100]  }
0x9e: {  	s12 =	sor.u32 $0x10, s7;
	v2 =	vld [tilespmem:s16+$0x8280]  }
0x9f: {  	s1 =	sor.u32 s12, s13;
	v7 =	vld [tilespmem:s23+$0x4100]  }
0xa0: {  	v3 =	vld [tilespmem:s1+$0x8280];
	s31 =	sor.u32 s12, s8  }
0xa1: {  	s6 =	sor.u32 s7, s8;
	v5 =	vld [tilespmem:s31+$0x100]  }
0xa2: {  	s9 =	sor.u32 s24, s8;
	v1 =	vld [tilespmem:s6+$0x100];
	v8 =	vmul.f32 v6, v4  }
0xa3: {  	s30 =	sor.u32 s7, s13;
	v4 =	vld [tilespmem:s9+$0x100]  }
0xa4: {  	s4 =	simm.s32 $0x0;
	s8 =	simm.s32 $0x40;
	v6 =	vld [tilespmem:s30+$0x8280];
	v7 =	vadd.f32 v7, v8  }
.LBB2_9:
0xa5: {  	s7 =	sand.u32 $0x40, s8;
	v8 =	vld [tilespmem:s6+$0x4100];
	s17 =	sadd.s32 $0x200, s17  }
0xa6: {  	s4 =	sadd.s32 $0x4, s4;
	s12 =	sand.u32 $0x1C00, s17;
	s6 =	sor.u32 $0x30, s7;
	v3 =	vmul.f32 v5, v3;
	v5 =	vld [tilespmem:s31+$0x4100];
	[tilespmem:s0+$0x10280] =	vst v7  }
0xa7: {  	p1 =	slt.u32 s4, $0x3C;
	s13 =	sor.u32 s12, s29;
	s0 =	sor.u32 s6, s12;
	v7 =	vld [tilespmem:s9+$0x4100]  }
0xa8: {  	s15 =	sor.u32 $0x20, s7;
	s9 =	sor.u32 $0x10, s7;
	v9 =	vld [tilespmem:s0+$0x8280];
	s23 =	sor.u32 s6, s13;
	v2 =	vmul.f32 v4, v2  }
0xa9: {  	s6 =	sor.u32 s7, s13;
	s24 =	sor.u32 s9, s12;
	s31 =	sor.u32 s9, s13;
	v4 =	vld [tilespmem:s23+$0x100];
	v6 =	vmul.f32 v1, v6  }
0xaa: {  	s7 =	sor.u32 s7, s12;
	s12 =	sor.u32 s15, s12;
	s9 =	sor.u32 s15, s13;
	v1 =	vld [tilespmem:s6+$0x100]  }
0xab: {  	v10 =	vld [tilespmem:s23+$0x4100];
	v6 =	vadd.f32 v8, v6;
	v8 =	vadd.f32 v5, v3  }
.Ltmp5:
0xac: {  	v3 =	vld [tilespmem:s24+$0x8280];
	v7 =	vadd.f32 v7, v2;
	(pc) =	sbr.rel @p1 .LBB2_9-.Ltmp5, $4  }
0xad: {  	v5 =	vld [tilespmem:s31+$0x100];
	[tilespmem:s30+$0x10280] =	vst v6;
	s30 =	smov.u32 s7  }
0xae: {  	v2 =	vld [tilespmem:s12+$0x8280];
	v9 =	vmul.f32 v4, v9;
	[tilespmem:s1+$0x10280] =	vst v8;
	s1 =	smov.u32 s24  }
0xaf: {  	v4 =	vld [tilespmem:s9+$0x100];
	[tilespmem:s16+$0x10280] =	vst v7;
	s16 =	smov.u32 s12  }
0xb0: {  	s8 =	sadd.s32 $0x40, s8;
	v6 =	vld [tilespmem:s30+$0x8280];
	v7 =	vadd.f32 v10, v9  }
0xb1: {  	(v2sf) =	vpush v0, $0x4;
	_ =	sdelay $0x9  }
0xb2: {  	v9 =	vld [tilespmem:s31+$0x4100]  }
0xb3: {  	v10 =	vld [tilespmem:s9+$0x4100]  }
0xb4: {  	v8 =	vld [tilespmem:s6+$0x4100]  }
0xb5: {  	v3 =	vmul.f32 v5, v3  }
0xb6: {  	p1 =	por $0x0, $0x0;
	s7 =	simm.s32 $0x1;
	v2 =	vmul.f32 v4, v2  }
0xb7: {  	[tilespmem:s0+$0x10280] =	vst v7;
	s0 =	simm.s32 $0x0;
	s7 =	simm.s32 @!p1 $0x0;
	v1 =	vmul.f32 v1, v6;
	v3 =	vadd.f32 v9, v3;
	s4 =	spop (v2sf)  }
0xb8: {  	s12 =	sand.u32 $0x1C00, s0;
	v2 =	vadd.f32 v10, v2;
	s9 =	sshll.u32 s4, $0xA;
	s4 =	sshll.u32 s4, $0x7  }
0xb9: {  	s15 =	sshll.u32 s7, $0x6;
	v1 =	vadd.f32 v8, v1;
	[tilespmem:s1+$0x10280] =	vst v3;
	s6 =	sand.u32 $0xFFFFE000, s9;
	s4 =	sand.u32 $0x380, s4  }
0xba: {  	s13 =	sand.u32 $0x40, s0;
	[tilespmem:s16+$0x10280] =	vst v2;
	s17 =	sor.u32 s6, s4;
	s6 =	sadd.s32 $0x0, s15  }
0xbb: {  	[tilespmem:s30+$0x10280] =	vst v1;
	s4 =	sor.u32 s12, s17;
	s16 =	sadd.s32 $0x30, s6;
	s29 =	sor.u32 $0x200, s6  }
0xbc: {  	s1 =	sor.u32 s13, s4;
	s16 =	sor.u32 $0x200, s16;
	v5 =	vld [tilespmem:s29+$0x8100]  }
0xbd: {  	s23 =	sor.u32 $0x30, s1;
	v8 =	vld [tilespmem:s16+$0x8100]  }
0xbe: {  	s8 =	sadd.s32 $0x10, s6;
	v7 =	vld [tilespmem:s23+$0x100]  }
0xbf: {  	s30 =	sor.u32 $0x200, s8;
	v1 =	vld [tilespmem:s1+$0x100]  }
0xc0: {  	s24 =	sadd.s32 $0x20, s6;
	v2 =	vld [tilespmem:s30+$0x8100]  }
0xc1: {  	s31 =	sor.u32 $0x200, s24;
	v4 =	vld [tilespmem:s23+$0x4100]  }
0xc2: {  	v3 =	vld [tilespmem:s31+$0x8100];
	s8 =	sor.u32 $0x10, s1  }
0xc3: {  	s6 =	simm.s32 $0x40;
	s4 =	simm.s32 $0x0;
	s9 =	sor.u32 $0x20, s1;
	v6 =	vld [tilespmem:s8+$0x100];
	v7 =	vmul.f32 v7, v8  }
.LBB2_11:
0xc4: {  	s7 =	sand.u32 $0x40, s6  }
0xc5: {  	v8 =	vld [tilespmem:s9+$0x100];
	s0 =	sadd.s32 $0x200, s0;
	p1 =	por !p1, !p1;
	s12 =	simm.s32 $0x1  }
0xc6: {  	s4 =	sadd.s32 $0x4, s4;
	s12 =	simm.s32 @!p1 $0x0;
	s13 =	sand.u32 $0x1C00, s0;
	v9 =	vld [tilespmem:s8+$0x4100];
	v4 =	vadd.f32 v4, v7  }
0xc7: {  	p2 =	slt.u32 s4, $0x3C;
	s8 =	sshll.u32 s12, $0x6;
	s12 =	sor.u32 s13, s17;
	v7 =	vld [tilespmem:s9+$0x4100]  }
0xc8: {  	s8 =	sadd.s32 s8, s0;
	v5 =	vmul.f32 v1, v5;
	v10 =	vld [tilespmem:s1+$0x4100];
	s1 =	sor.u32 s7, s12;
	[tilespmem:s16+$0x10100] =	vst v4  }
0xc9: {  	v1 =	vld [tilespmem:s1+$0x100];
	s7 =	sadd.s32 $0x10, s8;
	s9 =	sadd.s32 $0x30, s8;
	s12 =	sor.u32 $0x30, s1;
	v2 =	vmul.f32 v6, v2  }
0xca: {  	s13 =	sadd.s32 $0x20, s8;
	s7 =	sor.u32 $0x200, s7;
	s16 =	sor.u32 $0x200, s9;
	v11 =	vld [tilespmem:s12+$0x100];
	v3 =	vmul.f32 v8, v3  }
0xcb: {  	s15 =	sor.u32 $0x200, s8;
	s8 =	sor.u32 $0x10, s1;
	s13 =	sor.u32 $0x200, s13;
	v8 =	vld [tilespmem:s16+$0x8100];
	v6 =	vadd.f32 v9, v2  }
.Ltmp6:
0xcc: {  	s9 =	sor.u32 $0x20, s1;
	v2 =	vld [tilespmem:s7+$0x8100];
	v7 =	vadd.f32 v7, v3;
	(pc) =	sbr.rel @p2 .LBB2_11-.Ltmp6, $4  }
0xcd: {  	v4 =	vld [tilespmem:s12+$0x4100];
	v9 =	vadd.f32 v10, v5;
	[tilespmem:s30+$0x10100] =	vst v6;
	s30 =	smov.u32 s7  }
0xce: {  	v3 =	vld [tilespmem:s13+$0x8100];
	[tilespmem:s31+$0x10100] =	vst v7;
	s31 =	smov.u32 s13  }
0xcf: {  	v5 =	vld [tilespmem:s15+$0x8100];
	[tilespmem:s29+$0x10100] =	vst v9;
	s29 =	smov.u32 s15  }
0xd0: {  	s6 =	sadd.s32 $0x40, s6;
	v6 =	vld [tilespmem:s8+$0x100];
	v7 =	vmul.f32 v11, v8  }
0xd1: {  	(v2sf) =	vpush v0, $0x5;
	_ =	sdelay $0x8  }
0xd2: {  	v8 =	vld [tilespmem:s9+$0x100]  }
0xd3: {  	v11 =	vld [tilespmem:s1+$0x4100]  }
0xd4: {  	v9 =	vld [tilespmem:s8+$0x4100]  }
0xd5: {  	v10 =	vld [tilespmem:s9+$0x4100];
	p1 =	por $0x0, $0x0;
	s6 =	simm.s32 $0x1  }
0xd6: {  	s6 =	simm.s32 @!p1 $0x0;
	v1 =	vmul.f32 v1, v5  }
0xd7: {  	v4 =	vadd.f32 v4, v7;
	s6 =	sshll.u32 s6, $0x6;
	v2 =	vmul.f32 v6, v2  }
0xd8: {  	s6 =	sadd.s32 $0x0, s6;
	v3 =	vmul.f32 v8, v3;
	v1 =	vadd.f32 v11, v1;
	s0 =	spop (v2sf)  }
0xd9: {  	[tilespmem:s16+$0x10100] =	vst v4;
	s17 =	sadd.s32 $0x30, s6;
	v2 =	vadd.f32 v9, v2;
	s15 =	sshll.u32 s0, $0xA;
	s0 =	sshll.u32 s0, $0x7  }
0xda: {  	v3 =	vadd.f32 v10, v3;
	[tilespmem:s29+$0x10100] =	vst v1;
	s1 =	sand.u32 $0xFFFFE000, s15;
	s4 =	sand.u32 $0x380, s0;
	s0 =	simm.s32 $0x0  }
0xdb: {  	s23 =	sadd.s32 $0x10, s6;
	[tilespmem:s30+$0x10100] =	vst v2;
	s1 =	sor.u32 s1, s4;
	s16 =	sand.u32 $0x1C00, s0  }
0xdc: {  	s17 =	sor.u32 $0x280, s17;
	[tilespmem:s31+$0x10100] =	vst v3;
	s7 =	sand.u32 $0x40, s0;
	s4 =	sor.u32 s16, s1  }
0xdd: {  	s30 =	sor.u32 $0x280, s23;
	v8 =	vld [tilespmem:s17+$0x8100];
	s16 =	sor.u32 s7, s4  }
0xde: {  	s24 =	sadd.s32 $0x20, s6;
	v2 =	vld [tilespmem:s30+$0x8100];
	s7 =	sor.u32 $0x30, s16  }
0xdf: {  	s31 =	sor.u32 $0x280, s24;
	v7 =	vld [tilespmem:s7+$0x100]  }
0xe0: {  	s29 =	sor.u32 $0x280, s6;
	v3 =	vld [tilespmem:s31+$0x8100]  }
0xe1: {  	v5 =	vld [tilespmem:s29+$0x8100]  }
0xe2: {  	v4 =	vld [tilespmem:s7+$0x4100]  }
0xe3: {  	v1 =	vld [tilespmem:s16+$0x100];
	s8 =	sor.u32 $0x10, s16  }
0xe4: {  	s6 =	simm.s32 $0x40;
	s4 =	simm.s32 $0x0;
	s9 =	sor.u32 $0x20, s16;
	v6 =	vld [tilespmem:s8+$0x100];
	v7 =	vmul.f32 v7, v8  }
.LBB2_13:
0xe5: {  	s7 =	sand.u32 $0x40, s6  }
0xe6: {  	v8 =	vld [tilespmem:s9+$0x100];
	s0 =	sadd.s32 $0x200, s0;
	p1 =	por !p1, !p1;
	s12 =	simm.s32 $0x1  }
0xe7: {  	s4 =	sadd.s32 $0x4, s4;
	s12 =	simm.s32 @!p1 $0x0;
	s13 =	sand.u32 $0x1C00, s0;
	v9 =	vld [tilespmem:s8+$0x4100];
	v4 =	vadd.f32 v4, v7  }
0xe8: {  	p2 =	slt.u32 s4, $0x3C;
	s8 =	sshll.u32 s12, $0x6;
	s12 =	sor.u32 s13, s1;
	v7 =	vld [tilespmem:s9+$0x4100]  }
0xe9: {  	s8 =	sadd.s32 s8, s0;
	v5 =	vmul.f32 v1, v5;
	v10 =	vld [tilespmem:s16+$0x4100];
	s16 =	sor.u32 s7, s12;
	[tilespmem:s17+$0x10100] =	vst v4  }
0xea: {  	v1 =	vld [tilespmem:s16+$0x100];
	s7 =	sadd.s32 $0x10, s8;
	s9 =	sadd.s32 $0x30, s8;
	s12 =	sor.u32 $0x30, s16;
	v2 =	vmul.f32 v6, v2  }
0xeb: {  	s13 =	sadd.s32 $0x20, s8;
	s7 =	sor.u32 $0x280, s7;
	s17 =	sor.u32 $0x280, s9;
	v11 =	vld [tilespmem:s12+$0x100];
	v3 =	vmul.f32 v8, v3  }
0xec: {  	s15 =	sor.u32 $0x280, s8;
	s8 =	sor.u32 $0x10, s16;
	s13 =	sor.u32 $0x280, s13;
	v8 =	vld [tilespmem:s17+$0x8100];
	v6 =	vadd.f32 v9, v2  }
.Ltmp7:
0xed: {  	s9 =	sor.u32 $0x20, s16;
	v2 =	vld [tilespmem:s7+$0x8100];
	v7 =	vadd.f32 v7, v3;
	(pc) =	sbr.rel @p2 .LBB2_13-.Ltmp7, $4  }
0xee: {  	v4 =	vld [tilespmem:s12+$0x4100];
	v9 =	vadd.f32 v10, v5;
	[tilespmem:s30+$0x10100] =	vst v6;
	s30 =	smov.u32 s7  }
0xef: {  	v3 =	vld [tilespmem:s13+$0x8100];
	[tilespmem:s31+$0x10100] =	vst v7;
	s31 =	smov.u32 s13  }
0xf0: {  	v5 =	vld [tilespmem:s15+$0x8100];
	[tilespmem:s29+$0x10100] =	vst v9;
	s29 =	smov.u32 s15  }
0xf1: {  	s6 =	sadd.s32 $0x40, s6;
	v6 =	vld [tilespmem:s8+$0x100];
	v7 =	vmul.f32 v11, v8  }
0xf2: {  	(v2sf) =	vpush v0, $0x6;
	_ =	sdelay $0x8  }
0xf3: {  	v8 =	vld [tilespmem:s9+$0x100]  }
0xf4: {  	v11 =	vld [tilespmem:s16+$0x4100]  }
0xf5: {  	v9 =	vld [tilespmem:s8+$0x4100]  }
0xf6: {  	v10 =	vld [tilespmem:s9+$0x4100];
	p1 =	por $0x0, $0x0;
	s6 =	simm.s32 $0x1  }
0xf7: {  	s6 =	simm.s32 @!p1 $0x0;
	v1 =	vmul.f32 v1, v5  }
0xf8: {  	v4 =	vadd.f32 v4, v7;
	s6 =	sshll.u32 s6, $0x6;
	v2 =	vmul.f32 v6, v2  }
0xf9: {  	s6 =	sadd.s32 $0x0, s6;
	v3 =	vmul.f32 v8, v3;
	v1 =	vadd.f32 v11, v1;
	s0 =	spop (v2sf)  }
0xfa: {  	[tilespmem:s17+$0x10100] =	vst v4;
	s23 =	sadd.s32 $0x30, s6;
	v2 =	vadd.f32 v9, v2;
	s1 =	sshll.u32 s0, $0xA;
	s0 =	sshll.u32 s0, $0x7  }
0xfb: {  	v3 =	vadd.f32 v10, v3;
	[tilespmem:s29+$0x10100] =	vst v1;
	s4 =	sand.u32 $0xFFFFE000, s1;
	s0 =	sand.u32 $0x380, s0;
	s1 =	simm.s32 $0x0  }
0xfc: {  	s7 =	sadd.s32 $0x10, s6;
	[tilespmem:s30+$0x10100] =	vst v2;
	s16 =	sor.u32 s4, s0;
	s15 =	sand.u32 $0x1C00, s1  }
0xfd: {  	s30 =	sor.u32 $0x300, s23;
	[tilespmem:s31+$0x10100] =	vst v3;
	s17 =	sand.u32 $0x40, s1;
	s0 =	sor.u32 s15, s16  }
0xfe: {  	s31 =	sor.u32 $0x300, s7;
	v8 =	vld [tilespmem:s30+$0x8100];
	s17 =	sor.u32 s17, s0  }
0xff: {  	v2 =	vld [tilespmem:s31+$0x8100];
	s4 =	sor.u32 $0x30, s17  }
0x100: {  	s29 =	sor.u32 $0x300, s6;
	v7 =	vld [tilespmem:s4+$0x100]  }
0x101: {  	v5 =	vld [tilespmem:s29+$0x8100]  }
0x102: {  	s24 =	sadd.s32 $0x20, s6;
	v1 =	vld [tilespmem:s17+$0x100]  }
0x103: {  	s0 =	sor.u32 $0x300, s24;
	v4 =	vld [tilespmem:s4+$0x4100]  }
0x104: {  	v3 =	vld [tilespmem:s0+$0x8100];
	s8 =	sor.u32 $0x10, s17  }
0x105: {  	s6 =	simm.s32 $0x40;
	s9 =	sor.u32 $0x20, s17;
	s4 =	simm.s32 $0x0;
	v6 =	vld [tilespmem:s8+$0x100];
	v7 =	vmul.f32 v7, v8  }
.LBB2_15:
0x106: {  	s7 =	sand.u32 $0x40, s6  }
0x107: {  	v8 =	vld [tilespmem:s9+$0x100];
	s1 =	sadd.s32 $0x200, s1;
	p1 =	por !p1, !p1;
	s12 =	simm.s32 $0x1  }
0x108: {  	s4 =	sadd.s32 $0x4, s4;
	s12 =	simm.s32 @!p1 $0x0;
	s13 =	sand.u32 $0x1C00, s1;
	v9 =	vld [tilespmem:s8+$0x4100];
	v4 =	vadd.f32 v4, v7  }
0x109: {  	p2 =	slt.u32 s4, $0x3C;
	s8 =	sshll.u32 s12, $0x6;
	s12 =	sor.u32 s13, s16;
	v7 =	vld [tilespmem:s9+$0x4100]  }
0x10a: {  	s8 =	sadd.s32 s8, s1;
	v5 =	vmul.f32 v1, v5;
	v10 =	vld [tilespmem:s17+$0x4100];
	s17 =	sor.u32 s7, s12;
	[tilespmem:s30+$0x10100] =	vst v4  }
0x10b: {  	v1 =	vld [tilespmem:s17+$0x100];
	s7 =	sadd.s32 $0x10, s8;
	s9 =	sadd.s32 $0x30, s8;
	s12 =	sor.u32 $0x30, s17;
	v2 =	vmul.f32 v6, v2  }
0x10c: {  	s13 =	sadd.s32 $0x20, s8;
	s7 =	sor.u32 $0x300, s7;
	s30 =	sor.u32 $0x300, s9;
	v11 =	vld [tilespmem:s12+$0x100];
	v3 =	vmul.f32 v8, v3  }
0x10d: {  	s15 =	sor.u32 $0x300, s8;
	s8 =	sor.u32 $0x10, s17;
	s13 =	sor.u32 $0x300, s13;
	v8 =	vld [tilespmem:s30+$0x8100];
	v6 =	vadd.f32 v9, v2  }
.Ltmp8:
0x10e: {  	s9 =	sor.u32 $0x20, s17;
	v2 =	vld [tilespmem:s7+$0x8100];
	v7 =	vadd.f32 v7, v3;
	(pc) =	sbr.rel @p2 .LBB2_15-.Ltmp8, $4  }
0x10f: {  	v4 =	vld [tilespmem:s12+$0x4100];
	v9 =	vadd.f32 v10, v5;
	[tilespmem:s31+$0x10100] =	vst v6;
	s31 =	smov.u32 s7  }
0x110: {  	v3 =	vld [tilespmem:s13+$0x8100];
	[tilespmem:s0+$0x10100] =	vst v7;
	s0 =	smov.u32 s13  }
0x111: {  	v5 =	vld [tilespmem:s15+$0x8100];
	[tilespmem:s29+$0x10100] =	vst v9;
	s29 =	smov.u32 s15  }
0x112: {  	s6 =	sadd.s32 $0x40, s6;
	v6 =	vld [tilespmem:s8+$0x100];
	v7 =	vmul.f32 v11, v8  }
0x113: {  	(v2sf) =	vpush v0, $0x7;
	_ =	sdelay $0x9  }
0x114: {  	v8 =	vld [tilespmem:s9+$0x100]  }
0x115: {  	v9 =	vld [tilespmem:s8+$0x4100]  }
0x116: {  	v11 =	vld [tilespmem:s17+$0x4100]  }
0x117: {  	v10 =	vld [tilespmem:s9+$0x4100]  }
0x118: {  	v2 =	vmul.f32 v6, v2  }
0x119: {  	p1 =	por $0x0, $0x0;
	s6 =	simm.s32 $0x1;
	v4 =	vadd.f32 v4, v7;
	v1 =	vmul.f32 v1, v5;
	s1 =	spop (v2sf)  }
0x11a: {  	s6 =	simm.s32 @!p1 $0x0;
	v3 =	vmul.f32 v8, v3;
	v2 =	vadd.f32 v9, v2;
	s4 =	sshll.u32 s1, $0xA;
	s1 =	sshll.u32 s1, $0x7  }
0x11b: {  	[tilespmem:s30+$0x10100] =	vst v4;
	s30 =	simm.s32 $0x0;
	v1 =	vadd.f32 v11, v1;
	s4 =	sand.u32 $0xFFFFE000, s4;
	s1 =	sand.u32 $0x380, s1  }
0x11c: {  	s12 =	sshll.u32 s6, $0x6;
	s8 =	sand.u32 $0x1C00, s30;
	v3 =	vadd.f32 v10, v3;
	[tilespmem:s31+$0x10100] =	vst v2;
	s31 =	sor.u32 s4, s1  }
0x11d: {  	s9 =	sand.u32 $0x40, s30;
	[tilespmem:s29+$0x10100] =	vst v1;
	s4 =	sadd.s32 $0x0, s12;
	s1 =	sor.u32 s8, s31  }
0x11e: {  	[tilespmem:s0+$0x10100] =	vst v3;
	s13 =	sadd.s32 $0x30, s4;
	s17 =	sor.u32 s1, s9  }
0x11f: {  	s29 =	sor.u32 $0x380, s13;
	v1 =	vld [tilespmem:s17+$0x100]  }
0x120: {  	s16 =	sadd.s32 $0x10, s4;
	s15 =	sor.u32 $0x30, s17;
	v8 =	vld [tilespmem:s29+$0x8100]  }
0x121: {  	s23 =	sadd.s32 $0x20, s4;
	s0 =	sor.u32 $0x380, s16;
	v7 =	vld [tilespmem:s15+$0x100]  }
0x122: {  	s1 =	sor.u32 $0x380, s23;
	v2 =	vld [tilespmem:s0+$0x8100]  }
0x123: {  	v3 =	vld [tilespmem:s1+$0x8100]  }
0x124: {  	s9 =	sor.u32 $0x10, s17;
	v4 =	vld [tilespmem:s15+$0x4100]  }
0x125: {  	s24 =	sor.u32 s30, s30;
	s8 =	sor.u32 $0x20, s17;
	v6 =	vld [tilespmem:s9+$0x100]  }
0x126: {  	s6 =	simm.s32 $0x40;
	s4 =	simm.s32 $0x0;
	s16 =	sor.u32 $0x380, s24;
	v5 =	vld [tilespmem:s8+$0x100];
	v7 =	vmul.f32 v7, v8  }
.LBB2_17:
0x127: {  	s7 =	sand.u32 $0x40, s6  }
0x128: {  	v8 =	vld [tilespmem:s16+$0x8100];
	s30 =	sadd.s32 $0x200, s30;
	p1 =	por !p1, !p1;
	s12 =	simm.s32 $0x1  }
0x129: {  	s4 =	sadd.s32 $0x4, s4;
	s12 =	simm.s32 @!p1 $0x0;
	s13 =	sand.u32 $0x1C00, s30;
	v9 =	vld [tilespmem:s9+$0x4100];
	v4 =	vadd.f32 v4, v7  }
0x12a: {  	p2 =	slt.u32 s4, $0x3C;
	s9 =	sshll.u32 s12, $0x6;
	s12 =	sor.u32 s13, s31;
	v7 =	vld [tilespmem:s8+$0x4100]  }
0x12b: {  	s13 =	sor.u32 s6, s30;
	s8 =	sadd.s32 s9, s30;
	v10 =	vld [tilespmem:s17+$0x4100];
	s17 =	sor.u32 s12, s7;
	v2 =	vmul.f32 v6, v2;
	[tilespmem:s29+$0x10100] =	vst v4  }
0x12c: {  	v6 =	vld [tilespmem:s17+$0x100];
	s7 =	sadd.s32 $0x10, s8;
	s9 =	sadd.s32 $0x30, s8;
	s12 =	sor.u32 $0x30, s17;
	v3 =	vmul.f32 v5, v3  }
0x12d: {  	s8 =	sadd.s32 $0x20, s8;
	s7 =	sor.u32 $0x380, s7;
	s29 =	sor.u32 $0x380, s9;
	v11 =	vld [tilespmem:s12+$0x100];
	v1 =	vmul.f32 v1, v8  }
0x12e: {  	s9 =	sor.u32 $0x10, s17;
	s15 =	sor.u32 $0x380, s8;
	s8 =	sor.u32 $0x20, s17;
	v8 =	vld [tilespmem:s29+$0x8100];
	v5 =	vadd.f32 v9, v2  }
.Ltmp9:
0x12f: {  	s13 =	sor.u32 $0x380, s13;
	v2 =	vld [tilespmem:s7+$0x8100];
	v7 =	vadd.f32 v7, v3;
	(pc) =	sbr.rel @p2 .LBB2_17-.Ltmp9, $4  }
0x130: {  	v4 =	vld [tilespmem:s12+$0x4100];
	v9 =	vadd.f32 v10, v1;
	[tilespmem:s0+$0x10100] =	vst v5;
	s0 =	smov.u32 s7  }
0x131: {  	v3 =	vld [tilespmem:s15+$0x8100];
	[tilespmem:s1+$0x10100] =	vst v7;
	v1 =	vmov v6;
	s1 =	smov.u32 s15  }
0x132: {  	v6 =	vld [tilespmem:s9+$0x100];
	[tilespmem:s16+$0x10100] =	vst v9;
	s16 =	smov.u32 s13  }
0x133: {  	s6 =	sadd.s32 $0x40, s6;
	v5 =	vld [tilespmem:s8+$0x100];
	v7 =	vmul.f32 v11, v8  }
0x134: {  	(v2sf) =	vpush v0, $0x8;
	_ =	sdelay $0x8  }
0x135: {  	v8 =	vld [tilespmem:s16+$0x8100]  }
0x136: {  	v9 =	vld [tilespmem:s9+$0x4100]  }
0x137: {  	v10 =	vld [tilespmem:s8+$0x4100]  }
0x138: {  	v11 =	vld [tilespmem:s17+$0x4100]  }
0x139: {  	v2 =	vmul.f32 v6, v2  }
0x13a: {  	v4 =	vadd.f32 v4, v7;
	v3 =	vmul.f32 v5, v3  }
0x13b: {  	v1 =	vmul.f32 v1, v8;
	v2 =	vadd.f32 v9, v2;
	s4 =	spop (v2sf)  }
0x13c: {  	s17 =	simm.s32 $0x0;
	[tilespmem:s29+$0x10100] =	vst v4;
	v3 =	vadd.f32 v10, v3;
	s6 =	sshll.u32 s4, $0xA;
	s4 =	sshll.u32 s4, $0x7  }
0x13d: {  	s7 =	sand.u32 $0x40, s17;
	v1 =	vadd.f32 v11, v1;
	[tilespmem:s0+$0x10100] =	vst v2;
	s12 =	sand.u32 $0xFFFFE000, s6;
	s4 =	sand.u32 $0x380, s4  }
0x13e: {  	s13 =	sor.u32 $0x30, s7;
	[tilespmem:s1+$0x10100] =	vst v3;
	s29 =	sor.u32 s4, s12;
	s4 =	sand.u32 $0x1C00, s17  }
0x13f: {  	[tilespmem:s16+$0x10100] =	vst v1;
	s15 =	sor.u32 s4, s29;
	s1 =	sor.u32 s13, s4  }
0x140: {  	s12 =	sor.u32 $0x10, s7;
	v5 =	vld [tilespmem:s1+$0xA100];
	s23 =	sor.u32 s13, s15  }
0x141: {  	s0 =	sor.u32 s12, s4;
	v6 =	vld [tilespmem:s23+$0x100]  }
0x142: {  	s24 =	sor.u32 $0x20, s7;
	v3 =	vld [tilespmem:s0+$0xA100]  }
0x143: {  	s16 =	sor.u32 s24, s4;
	v7 =	vld [tilespmem:s23+$0x4100]  }
0x144: {  	s31 =	sor.u32 s12, s15;
	v2 =	vld [tilespmem:s16+$0xA100]  }
0x145: {  	s6 =	sor.u32 s7, s15;
	v4 =	vld [tilespmem:s31+$0x100]  }
0x146: {  	s9 =	sor.u32 s24, s15;
	v1 =	vld [tilespmem:s6+$0x100];
	v8 =	vmul.f32 v6, v5  }
0x147: {  	s30 =	sor.u32 s7, s4;
	v5 =	vld [tilespmem:s9+$0x100]  }
0x148: {  	s8 =	simm.s32 $0x40;
	s4 =	simm.s32 $0x0;
	v6 =	vld [tilespmem:s30+$0xA100];
	v7 =	vadd.f32 v7, v8  }
.LBB2_19:
0x149: {  	s7 =	sand.u32 $0x40, s8;
	v8 =	vld [tilespmem:s6+$0x4100];
	s17 =	sadd.s32 $0x200, s17  }
0x14a: {  	s4 =	sadd.s32 $0x4, s4;
	s12 =	sand.u32 $0x1C00, s17;
	s6 =	sor.u32 $0x30, s7;
	v3 =	vmul.f32 v4, v3;
	v4 =	vld [tilespmem:s31+$0x4100];
	[tilespmem:s1+$0x12100] =	vst v7  }
0x14b: {  	p1 =	slt.u32 s4, $0x3C;
	s13 =	sor.u32 s12, s29;
	s1 =	sor.u32 s6, s12;
	v7 =	vld [tilespmem:s9+$0x4100]  }
0x14c: {  	s15 =	sor.u32 $0x20, s7;
	s9 =	sor.u32 $0x10, s7;
	v9 =	vld [tilespmem:s1+$0xA100];
	s23 =	sor.u32 s6, s13;
	v2 =	vmul.f32 v5, v2  }
0x14d: {  	s6 =	sor.u32 s7, s13;
	s24 =	sor.u32 s9, s12;
	s31 =	sor.u32 s9, s13;
	v5 =	vld [tilespmem:s23+$0x100];
	v6 =	vmul.f32 v1, v6  }
0x14e: {  	s7 =	sor.u32 s7, s12;
	s12 =	sor.u32 s15, s12;
	s9 =	sor.u32 s15, s13;
	v1 =	vld [tilespmem:s6+$0x100]  }
0x14f: {  	v10 =	vld [tilespmem:s23+$0x4100];
	v6 =	vadd.f32 v8, v6;
	v8 =	vadd.f32 v4, v3  }
.Ltmp10:
0x150: {  	v3 =	vld [tilespmem:s24+$0xA100];
	v7 =	vadd.f32 v7, v2;
	(pc) =	sbr.rel @p1 .LBB2_19-.Ltmp10, $4  }
0x151: {  	v4 =	vld [tilespmem:s31+$0x100];
	[tilespmem:s30+$0x12100] =	vst v6;
	s30 =	smov.u32 s7  }
0x152: {  	v2 =	vld [tilespmem:s12+$0xA100];
	v9 =	vmul.f32 v5, v9;
	[tilespmem:s0+$0x12100] =	vst v8;
	s0 =	smov.u32 s24  }
0x153: {  	v5 =	vld [tilespmem:s9+$0x100];
	[tilespmem:s16+$0x12100] =	vst v7;
	s16 =	smov.u32 s12  }
0x154: {  	s8 =	sadd.s32 $0x40, s8;
	v6 =	vld [tilespmem:s30+$0xA100];
	v7 =	vadd.f32 v10, v9  }
0x155: {  	(v2sf) =	vpush v0, $0x9;
	_ =	sdelay $0x9  }
0x156: {  	v9 =	vld [tilespmem:s31+$0x4100]  }
0x157: {  	v10 =	vld [tilespmem:s9+$0x4100]  }
0x158: {  	v8 =	vld [tilespmem:s6+$0x4100]  }
0x159: {  	v3 =	vmul.f32 v4, v3  }
0x15a: {  	v2 =	vmul.f32 v5, v2  }
0x15b: {  	v1 =	vmul.f32 v1, v6;
	v3 =	vadd.f32 v9, v3;
	s4 =	spop (v2sf)  }
0x15c: {  	[tilespmem:s1+$0x12100] =	vst v7;
	s1 =	simm.s32 $0x0;
	v2 =	vadd.f32 v10, v2;
	s12 =	sshll.u32 s4, $0xA;
	s4 =	sshll.u32 s4, $0x7  }
0x15d: {  	s7 =	sand.u32 $0x40, s1;
	v1 =	vadd.f32 v8, v1;
	[tilespmem:s0+$0x12100] =	vst v3;
	s6 =	sand.u32 $0xFFFFE000, s12;
	s4 =	sand.u32 $0x380, s4  }
0x15e: {  	s13 =	sand.u32 $0x1C00, s1;
	s15 =	sor.u32 $0x30, s7;
	[tilespmem:s16+$0x12100] =	vst v2;
	s29 =	sor.u32 s4, s6  }
0x15f: {  	s17 =	sor.u32 s15, s13;
	[tilespmem:s30+$0x12100] =	vst v1;
	s8 =	sor.u32 s13, s29  }
0x160: {  	s24 =	sor.u32 $0x20, s7;
	v5 =	vld [tilespmem:s17+$0xA180];
	s23 =	sor.u32 s15, s8  }
0x161: {  	s16 =	sor.u32 s24, s13;
	v6 =	vld [tilespmem:s23+$0x100]  }
0x162: {  	v2 =	vld [tilespmem:s16+$0xA180];
	s12 =	sor.u32 $0x10, s7  }
0x163: {  	s0 =	sor.u32 s12, s13;
	v7 =	vld [tilespmem:s23+$0x4100]  }
0x164: {  	v3 =	vld [tilespmem:s0+$0xA180];
	s31 =	sor.u32 s12, s8  }
0x165: {  	s6 =	sor.u32 s7, s8;
	v4 =	vld [tilespmem:s31+$0x100]  }
0x166: {  	s9 =	sor.u32 s24, s8;
	v1 =	vld [tilespmem:s6+$0x100];
	v8 =	vmul.f32 v6, v5  }
0x167: {  	s30 =	sor.u32 s7, s13;
	v5 =	vld [tilespmem:s9+$0x100]  }
0x168: {  	s4 =	simm.s32 $0x0;
	s8 =	simm.s32 $0x40;
	v6 =	vld [tilespmem:s30+$0xA180];
	v7 =	vadd.f32 v7, v8  }
.LBB2_21:
0x169: {  	s7 =	sand.u32 $0x40, s8;
	v8 =	vld [tilespmem:s6+$0x4100];
	s1 =	sadd.s32 $0x200, s1  }
0x16a: {  	s4 =	sadd.s32 $0x4, s4;
	s12 =	sand.u32 $0x1C00, s1;
	s6 =	sor.u32 $0x30, s7;
	v3 =	vmul.f32 v4, v3;
	v4 =	vld [tilespmem:s31+$0x4100];
	[tilespmem:s17+$0x12180] =	vst v7  }
0x16b: {  	p1 =	slt.u32 s4, $0x3C;
	s13 =	sor.u32 s12, s29;
	s17 =	sor.u32 s6, s12;
	v7 =	vld [tilespmem:s9+$0x4100]  }
0x16c: {  	s15 =	sor.u32 $0x20, s7;
	s9 =	sor.u32 $0x10, s7;
	v9 =	vld [tilespmem:s17+$0xA180];
	s23 =	sor.u32 s6, s13;
	v2 =	vmul.f32 v5, v2  }
0x16d: {  	s6 =	sor.u32 s7, s13;
	s24 =	sor.u32 s9, s12;
	s31 =	sor.u32 s9, s13;
	v5 =	vld [tilespmem:s23+$0x100];
	v6 =	vmul.f32 v1, v6  }
0x16e: {  	s7 =	sor.u32 s7, s12;
	s12 =	sor.u32 s15, s12;
	s9 =	sor.u32 s15, s13;
	v1 =	vld [tilespmem:s6+$0x100]  }
0x16f: {  	v10 =	vld [tilespmem:s23+$0x4100];
	v6 =	vadd.f32 v8, v6;
	v8 =	vadd.f32 v4, v3  }
.Ltmp11:
0x170: {  	v3 =	vld [tilespmem:s24+$0xA180];
	v7 =	vadd.f32 v7, v2;
	(pc) =	sbr.rel @p1 .LBB2_21-.Ltmp11, $4  }
0x171: {  	v4 =	vld [tilespmem:s31+$0x100];
	[tilespmem:s30+$0x12180] =	vst v6;
	s30 =	smov.u32 s7  }
0x172: {  	v2 =	vld [tilespmem:s12+$0xA180];
	v9 =	vmul.f32 v5, v9;
	[tilespmem:s0+$0x12180] =	vst v8;
	s0 =	smov.u32 s24  }
0x173: {  	v5 =	vld [tilespmem:s9+$0x100];
	[tilespmem:s16+$0x12180] =	vst v7;
	s16 =	smov.u32 s12  }
0x174: {  	s8 =	sadd.s32 $0x40, s8;
	v6 =	vld [tilespmem:s30+$0xA180];
	v7 =	vadd.f32 v10, v9  }
0x175: {  	(v2sf) =	vpush v0, $0xA;
	_ =	sdelay $0x9  }
0x176: {  	v9 =	vld [tilespmem:s31+$0x4100]  }
0x177: {  	v10 =	vld [tilespmem:s9+$0x4100]  }
0x178: {  	v8 =	vld [tilespmem:s6+$0x4100]  }
0x179: {  	v3 =	vmul.f32 v4, v3  }
0x17a: {  	v2 =	vmul.f32 v5, v2  }
0x17b: {  	v1 =	vmul.f32 v1, v6;
	v3 =	vadd.f32 v9, v3;
	s1 =	spop (v2sf)  }
0x17c: {  	[tilespmem:s17+$0x12180] =	vst v7;
	v2 =	vadd.f32 v10, v2;
	s4 =	sshll.u32 s1, $0xA;
	s12 =	sshll.u32 s1, $0x7;
	s1 =	simm.s32 $0x0  }
0x17d: {  	v1 =	vadd.f32 v8, v1;
	[tilespmem:s0+$0x12180] =	vst v3;
	s4 =	sand.u32 $0xFFFFE000, s4;
	s6 =	sand.u32 $0x380, s12;
	s7 =	sand.u32 $0x40, s1  }
0x17e: {  	[tilespmem:s16+$0x12180] =	vst v2;
	s13 =	sand.u32 $0x1C00, s1;
	s29 =	sor.u32 s6, s4;
	s15 =	sor.u32 $0x30, s7  }
0x17f: {  	[tilespmem:s30+$0x12180] =	vst v1;
	s8 =	sor.u32 s13, s29;
	s17 =	sor.u32 s15, s13  }
0x180: {  	s12 =	sor.u32 $0x10, s7;
	v5 =	vld [tilespmem:s17+$0xA200];
	s23 =	sor.u32 s15, s8  }
0x181: {  	s0 =	sor.u32 s12, s13;
	v6 =	vld [tilespmem:s23+$0x100]  }
0x182: {  	s24 =	sor.u32 $0x20, s7;
	v3 =	vld [tilespmem:s0+$0xA200]  }
0x183: {  	s16 =	sor.u32 s24, s13;
	v7 =	vld [tilespmem:s23+$0x4100]  }
0x184: {  	s31 =	sor.u32 s12, s8;
	v2 =	vld [tilespmem:s16+$0xA200]  }
0x185: {  	s6 =	sor.u32 s7, s8;
	v4 =	vld [tilespmem:s31+$0x100]  }
0x186: {  	s9 =	sor.u32 s24, s8;
	v1 =	vld [tilespmem:s6+$0x100];
	v8 =	vmul.f32 v6, v5  }
0x187: {  	s30 =	sor.u32 s7, s13;
	v5 =	vld [tilespmem:s9+$0x100]  }
0x188: {  	s4 =	simm.s32 $0x0;
	s8 =	simm.s32 $0x40;
	v6 =	vld [tilespmem:s30+$0xA200];
	v7 =	vadd.f32 v7, v8  }
.LBB2_23:
0x189: {  	s7 =	sand.u32 $0x40, s8;
	v8 =	vld [tilespmem:s6+$0x4100];
	s1 =	sadd.s32 $0x200, s1  }
0x18a: {  	s4 =	sadd.s32 $0x4, s4;
	s12 =	sand.u32 $0x1C00, s1;
	s6 =	sor.u32 $0x30, s7;
	v3 =	vmul.f32 v4, v3;
	v4 =	vld [tilespmem:s31+$0x4100];
	[tilespmem:s17+$0x12200] =	vst v7  }
0x18b: {  	p1 =	slt.u32 s4, $0x3C;
	s13 =	sor.u32 s12, s29;
	s17 =	sor.u32 s6, s12;
	v7 =	vld [tilespmem:s9+$0x4100]  }
0x18c: {  	s15 =	sor.u32 $0x20, s7;
	s9 =	sor.u32 $0x10, s7;
	v9 =	vld [tilespmem:s17+$0xA200];
	s23 =	sor.u32 s6, s13;
	v2 =	vmul.f32 v5, v2  }
0x18d: {  	s6 =	sor.u32 s7, s13;
	s24 =	sor.u32 s9, s12;
	s31 =	sor.u32 s9, s13;
	v5 =	vld [tilespmem:s23+$0x100];
	v6 =	vmul.f32 v1, v6  }
0x18e: {  	s7 =	sor.u32 s7, s12;
	s12 =	sor.u32 s15, s12;
	s9 =	sor.u32 s15, s13;
	v1 =	vld [tilespmem:s6+$0x100]  }
0x18f: {  	v10 =	vld [tilespmem:s23+$0x4100];
	v6 =	vadd.f32 v8, v6;
	v8 =	vadd.f32 v4, v3  }
.Ltmp12:
0x190: {  	v3 =	vld [tilespmem:s24+$0xA200];
	v7 =	vadd.f32 v7, v2;
	(pc) =	sbr.rel @p1 .LBB2_23-.Ltmp12, $4  }
0x191: {  	v4 =	vld [tilespmem:s31+$0x100];
	[tilespmem:s30+$0x12200] =	vst v6;
	s30 =	smov.u32 s7  }
0x192: {  	v2 =	vld [tilespmem:s12+$0xA200];
	v9 =	vmul.f32 v5, v9;
	[tilespmem:s0+$0x12200] =	vst v8;
	s0 =	smov.u32 s24  }
0x193: {  	v5 =	vld [tilespmem:s9+$0x100];
	[tilespmem:s16+$0x12200] =	vst v7;
	s16 =	smov.u32 s12  }
0x194: {  	s8 =	sadd.s32 $0x40, s8;
	v6 =	vld [tilespmem:s30+$0xA200];
	v7 =	vadd.f32 v10, v9  }
0x195: {  	(v2sf) =	vpush v0, $0xB;
	_ =	sdelay $0x9  }
0x196: {  	v9 =	vld [tilespmem:s31+$0x4100]  }
0x197: {  	v10 =	vld [tilespmem:s9+$0x4100]  }
0x198: {  	v8 =	vld [tilespmem:s6+$0x4100]  }
0x199: {  	v3 =	vmul.f32 v4, v3  }
0x19a: {  	v2 =	vmul.f32 v5, v2  }
0x19b: {  	v1 =	vmul.f32 v1, v6;
	v3 =	vadd.f32 v9, v3;
	s1 =	spop (v2sf)  }
0x19c: {  	[tilespmem:s17+$0x12200] =	vst v7;
	v2 =	vadd.f32 v10, v2;
	s4 =	sshll.u32 s1, $0xA;
	s12 =	sshll.u32 s1, $0x7;
	s1 =	simm.s32 $0x0  }
0x19d: {  	v1 =	vadd.f32 v8, v1;
	[tilespmem:s0+$0x12200] =	vst v3;
	s4 =	sand.u32 $0xFFFFE000, s4;
	s6 =	sand.u32 $0x380, s12;
	s7 =	sand.u32 $0x40, s1  }
0x19e: {  	[tilespmem:s16+$0x12200] =	vst v2;
	s13 =	sand.u32 $0x1C00, s1;
	s29 =	sor.u32 s6, s4;
	s15 =	sor.u32 $0x30, s7  }
0x19f: {  	[tilespmem:s30+$0x12200] =	vst v1;
	s8 =	sor.u32 s13, s29;
	s17 =	sor.u32 s15, s13  }
0x1a0: {  	s12 =	sor.u32 $0x10, s7;
	v4 =	vld [tilespmem:s17+$0xA280];
	s23 =	sor.u32 s15, s8  }
0x1a1: {  	s0 =	sor.u32 s12, s13;
	v6 =	vld [tilespmem:s23+$0x100]  }
0x1a2: {  	s24 =	sor.u32 $0x20, s7;
	v3 =	vld [tilespmem:s0+$0xA280]  }
0x1a3: {  	s16 =	sor.u32 s24, s13;
	v7 =	vld [tilespmem:s23+$0x4100]  }
0x1a4: {  	s31 =	sor.u32 s12, s8;
	v2 =	vld [tilespmem:s16+$0xA280]  }
0x1a5: {  	s6 =	sor.u32 s7, s8;
	v5 =	vld [tilespmem:s31+$0x100]  }
0x1a6: {  	s9 =	sor.u32 s24, s8;
	v1 =	vld [tilespmem:s6+$0x100];
	v8 =	vmul.f32 v6, v4  }
0x1a7: {  	s30 =	sor.u32 s7, s13;
	v4 =	vld [tilespmem:s9+$0x100]  }
0x1a8: {  	s4 =	simm.s32 $0x0;
	s8 =	simm.s32 $0x40;
	v6 =	vld [tilespmem:s30+$0xA280];
	v7 =	vadd.f32 v7, v8  }
.LBB2_25:
0x1a9: {  	s7 =	sand.u32 $0x40, s8;
	v8 =	vld [tilespmem:s6+$0x4100];
	s1 =	sadd.s32 $0x200, s1  }
0x1aa: {  	s4 =	sadd.s32 $0x4, s4;
	s12 =	sand.u32 $0x1C00, s1;
	s6 =	sor.u32 $0x30, s7;
	v3 =	vmul.f32 v5, v3;
	v5 =	vld [tilespmem:s31+$0x4100];
	[tilespmem:s17+$0x12280] =	vst v7  }
0x1ab: {  	p1 =	slt.u32 s4, $0x3C;
	s13 =	sor.u32 s12, s29;
	s17 =	sor.u32 s6, s12;
	v7 =	vld [tilespmem:s9+$0x4100]  }
0x1ac: {  	s15 =	sor.u32 $0x20, s7;
	s9 =	sor.u32 $0x10, s7;
	v9 =	vld [tilespmem:s17+$0xA280];
	s23 =	sor.u32 s6, s13;
	v2 =	vmul.f32 v4, v2  }
0x1ad: {  	s6 =	sor.u32 s7, s13;
	s24 =	sor.u32 s9, s12;
	s31 =	sor.u32 s9, s13;
	v4 =	vld [tilespmem:s23+$0x100];
	v6 =	vmul.f32 v1, v6  }
0x1ae: {  	s7 =	sor.u32 s7, s12;
	s12 =	sor.u32 s15, s12;
	s9 =	sor.u32 s15, s13;
	v1 =	vld [tilespmem:s6+$0x100]  }
0x1af: {  	v10 =	vld [tilespmem:s23+$0x4100];
	v6 =	vadd.f32 v8, v6;
	v8 =	vadd.f32 v5, v3  }
.Ltmp13:
0x1b0: {  	v3 =	vld [tilespmem:s24+$0xA280];
	v7 =	vadd.f32 v7, v2;
	(pc) =	sbr.rel @p1 .LBB2_25-.Ltmp13, $4  }
0x1b1: {  	v5 =	vld [tilespmem:s31+$0x100];
	[tilespmem:s30+$0x12280] =	vst v6;
	s30 =	smov.u32 s7  }
0x1b2: {  	v2 =	vld [tilespmem:s12+$0xA280];
	v9 =	vmul.f32 v4, v9;
	[tilespmem:s0+$0x12280] =	vst v8;
	s0 =	smov.u32 s24  }
0x1b3: {  	v4 =	vld [tilespmem:s9+$0x100];
	[tilespmem:s16+$0x12280] =	vst v7;
	s16 =	smov.u32 s12  }
0x1b4: {  	s8 =	sadd.s32 $0x40, s8;
	v6 =	vld [tilespmem:s30+$0xA280];
	v7 =	vadd.f32 v10, v9  }
0x1b5: {  	(v2sf) =	vpush v0, $0xC;
	_ =	sdelay $0x9  }
0x1b6: {  	v9 =	vld [tilespmem:s31+$0x4100]  }
0x1b7: {  	v10 =	vld [tilespmem:s9+$0x4100]  }
0x1b8: {  	v8 =	vld [tilespmem:s6+$0x4100];
	p1 =	por $0x0, $0x0;
	s7 =	simm.s32 $0x1  }
0x1b9: {  	v3 =	vmul.f32 v5, v3;
	s7 =	simm.s32 @!p1 $0x0  }
0x1ba: {  	s13 =	sshll.u32 s7, $0x6;
	v2 =	vmul.f32 v4, v2  }
0x1bb: {  	s6 =	sadd.s32 $0x0, s13;
	v1 =	vmul.f32 v1, v6;
	v3 =	vadd.f32 v9, v3;
	s1 =	spop (v2sf)  }
0x1bc: {  	[tilespmem:s17+$0x12280] =	vst v7;
	s15 =	sadd.s32 $0x30, s6;
	v2 =	vadd.f32 v10, v2;
	s4 =	sshll.u32 s1, $0xA;
	s1 =	sshll.u32 s1, $0x7  }
0x1bd: {  	v1 =	vadd.f32 v8, v1;
	[tilespmem:s0+$0x12280] =	vst v3;
	s4 =	sand.u32 $0xFFFFE000, s4;
	s8 =	sand.u32 $0x380, s1;
	s1 =	simm.s32 $0x0  }
0x1be: {  	s23 =	sadd.s32 $0x10, s6;
	[tilespmem:s16+$0x12280] =	vst v2;
	s17 =	sor.u32 s4, s8;
	s9 =	sand.u32 $0x1C00, s1  }
0x1bf: {  	s31 =	sor.u32 $0x2200, s15;
	[tilespmem:s30+$0x12280] =	vst v1;
	s12 =	sand.u32 $0x40, s1;
	s4 =	sor.u32 s9, s17  }
0x1c0: {  	s0 =	sor.u32 $0x2200, s23;
	v8 =	vld [tilespmem:s31+$0x8100];
	s16 =	sor.u32 s12, s4  }
0x1c1: {  	s24 =	sadd.s32 $0x20, s6;
	v2 =	vld [tilespmem:s0+$0x8100];
	s4 =	sor.u32 $0x30, s16  }
0x1c2: {  	s30 =	sor.u32 $0x2200, s24;
	v7 =	vld [tilespmem:s4+$0x100]  }
0x1c3: {  	s29 =	sor.u32 $0x2200, s6;
	v3 =	vld [tilespmem:s30+$0x8100]  }
0x1c4: {  	v5 =	vld [tilespmem:s29+$0x8100]  }
0x1c5: {  	v4 =	vld [tilespmem:s4+$0x4100]  }
0x1c6: {  	v1 =	vld [tilespmem:s16+$0x100];
	s8 =	sor.u32 $0x10, s16  }
0x1c7: {  	s6 =	simm.s32 $0x40;
	s9 =	sor.u32 $0x20, s16;
	s4 =	simm.s32 $0x0;
	v6 =	vld [tilespmem:s8+$0x100];
	v7 =	vmul.f32 v7, v8  }
.LBB2_27:
0x1c8: {  	s7 =	sand.u32 $0x40, s6  }
0x1c9: {  	v8 =	vld [tilespmem:s9+$0x100];
	s1 =	sadd.s32 $0x200, s1;
	p1 =	por !p1, !p1;
	s12 =	simm.s32 $0x1  }
0x1ca: {  	s4 =	sadd.s32 $0x4, s4;
	s12 =	simm.s32 @!p1 $0x0;
	s13 =	sand.u32 $0x1C00, s1;
	v9 =	vld [tilespmem:s8+$0x4100];
	v4 =	vadd.f32 v4, v7  }
0x1cb: {  	p2 =	slt.u32 s4, $0x3C;
	s8 =	sshll.u32 s12, $0x6;
	s12 =	sor.u32 s13, s17;
	v7 =	vld [tilespmem:s9+$0x4100]  }
0x1cc: {  	s8 =	sadd.s32 s8, s1;
	v5 =	vmul.f32 v1, v5;
	v10 =	vld [tilespmem:s16+$0x4100];
	s16 =	sor.u32 s7, s12;
	[tilespmem:s31+$0x10100] =	vst v4  }
0x1cd: {  	v1 =	vld [tilespmem:s16+$0x100];
	s7 =	sadd.s32 $0x10, s8;
	s9 =	sadd.s32 $0x30, s8;
	s12 =	sor.u32 $0x30, s16;
	v2 =	vmul.f32 v6, v2  }
0x1ce: {  	s13 =	sadd.s32 $0x20, s8;
	s7 =	sor.u32 $0x2200, s7;
	s31 =	sor.u32 $0x2200, s9;
	v11 =	vld [tilespmem:s12+$0x100];
	v3 =	vmul.f32 v8, v3  }
0x1cf: {  	s15 =	sor.u32 $0x2200, s8;
	s8 =	sor.u32 $0x10, s16;
	s13 =	sor.u32 $0x2200, s13;
	v8 =	vld [tilespmem:s31+$0x8100];
	v6 =	vadd.f32 v9, v2  }
.Ltmp14:
0x1d0: {  	s9 =	sor.u32 $0x20, s16;
	v2 =	vld [tilespmem:s7+$0x8100];
	v7 =	vadd.f32 v7, v3;
	(pc) =	sbr.rel @p2 .LBB2_27-.Ltmp14, $4  }
0x1d1: {  	v4 =	vld [tilespmem:s12+$0x4100];
	v9 =	vadd.f32 v10, v5;
	[tilespmem:s0+$0x10100] =	vst v6;
	s0 =	smov.u32 s7  }
0x1d2: {  	v3 =	vld [tilespmem:s13+$0x8100];
	[tilespmem:s30+$0x10100] =	vst v7;
	s30 =	smov.u32 s13  }
0x1d3: {  	v5 =	vld [tilespmem:s15+$0x8100];
	[tilespmem:s29+$0x10100] =	vst v9;
	s29 =	smov.u32 s15  }
0x1d4: {  	s6 =	sadd.s32 $0x40, s6;
	v6 =	vld [tilespmem:s8+$0x100];
	v7 =	vmul.f32 v11, v8  }
0x1d5: {  	(v2sf) =	vpush v0, $0xD;
	_ =	sdelay $0x9  }
0x1d6: {  	v8 =	vld [tilespmem:s9+$0x100]  }
0x1d7: {  	v11 =	vld [tilespmem:s16+$0x4100]  }
0x1d8: {  	v9 =	vld [tilespmem:s8+$0x4100]  }
0x1d9: {  	v10 =	vld [tilespmem:s9+$0x4100]  }
0x1da: {  	v1 =	vmul.f32 v1, v5  }
0x1db: {  	p1 =	por $0x0, $0x0;
	v4 =	vadd.f32 v4, v7;
	v2 =	vmul.f32 v6, v2;
	s1 =	spop (v2sf)  }
0x1dc: {  	s7 =	simm.s32 $0x1;
	v3 =	vmul.f32 v8, v3;
	v1 =	vadd.f32 v11, v1;
	s4 =	sshll.u32 s1, $0xA;
	s1 =	sshll.u32 s1, $0x7  }
0x1dd: {  	s7 =	simm.s32 @!p1 $0x0;
	[tilespmem:s31+$0x10100] =	vst v4;
	v2 =	vadd.f32 v9, v2;
	s4 =	sand.u32 $0xFFFFE000, s4;
	s6 =	sand.u32 $0x380, s1  }
0x1de: {  	s13 =	sshll.u32 s7, $0x6;
	v3 =	vadd.f32 v10, v3;
	[tilespmem:s29+$0x10100] =	vst v1;
	s1 =	simm.s32 $0x0;
	s16 =	sor.u32 s4, s6  }
0x1df: {  	[tilespmem:s0+$0x10100] =	vst v2;
	s9 =	sand.u32 $0x1C00, s1;
	s12 =	sand.u32 $0x40, s1;
	s6 =	sadd.s32 $0x0, s13  }
0x1e0: {  	[tilespmem:s30+$0x10100] =	vst v3;
	s0 =	sor.u32 s9, s16;
	s15 =	sadd.s32 $0x30, s6;
	s29 =	sor.u32 $0x2280, s6  }
0x1e1: {  	s17 =	sor.u32 s12, s0;
	s31 =	sor.u32 $0x2280, s15;
	v5 =	vld [tilespmem:s29+$0x8100]  }
0x1e2: {  	s4 =	sor.u32 $0x30, s17;
	v8 =	vld [tilespmem:s31+$0x8100]  }
0x1e3: {  	s23 =	sadd.s32 $0x10, s6;
	v7 =	vld [tilespmem:s4+$0x100]  }
0x1e4: {  	s0 =	sor.u32 $0x2280, s23;
	v1 =	vld [tilespmem:s17+$0x100]  }
0x1e5: {  	s24 =	sadd.s32 $0x20, s6;
	v2 =	vld [tilespmem:s0+$0x8100]  }
0x1e6: {  	s30 =	sor.u32 $0x2280, s24;
	v4 =	vld [tilespmem:s4+$0x4100]  }
0x1e7: {  	v3 =	vld [tilespmem:s30+$0x8100];
	s8 =	sor.u32 $0x10, s17  }
0x1e8: {  	s6 =	simm.s32 $0x40;
	s9 =	sor.u32 $0x20, s17;
	s4 =	simm.s32 $0x0;
	v6 =	vld [tilespmem:s8+$0x100];
	v7 =	vmul.f32 v7, v8  }
.LBB2_29:
0x1e9: {  	s7 =	sand.u32 $0x40, s6  }
0x1ea: {  	v8 =	vld [tilespmem:s9+$0x100];
	s1 =	sadd.s32 $0x200, s1;
	p1 =	por !p1, !p1;
	s12 =	simm.s32 $0x1  }
0x1eb: {  	s4 =	sadd.s32 $0x4, s4;
	s12 =	simm.s32 @!p1 $0x0;
	s13 =	sand.u32 $0x1C00, s1;
	v9 =	vld [tilespmem:s8+$0x4100];
	v4 =	vadd.f32 v4, v7  }
0x1ec: {  	p2 =	slt.u32 s4, $0x3C;
	s8 =	sshll.u32 s12, $0x6;
	s12 =	sor.u32 s13, s16;
	v7 =	vld [tilespmem:s9+$0x4100]  }
0x1ed: {  	s8 =	sadd.s32 s8, s1;
	v5 =	vmul.f32 v1, v5;
	v10 =	vld [tilespmem:s17+$0x4100];
	s17 =	sor.u32 s7, s12;
	[tilespmem:s31+$0x10100] =	vst v4  }
0x1ee: {  	v1 =	vld [tilespmem:s17+$0x100];
	s7 =	sadd.s32 $0x10, s8;
	s9 =	sadd.s32 $0x30, s8;
	s12 =	sor.u32 $0x30, s17;
	v2 =	vmul.f32 v6, v2  }
0x1ef: {  	s13 =	sadd.s32 $0x20, s8;
	s7 =	sor.u32 $0x2280, s7;
	s31 =	sor.u32 $0x2280, s9;
	v11 =	vld [tilespmem:s12+$0x100];
	v3 =	vmul.f32 v8, v3  }
0x1f0: {  	s15 =	sor.u32 $0x2280, s8;
	s8 =	sor.u32 $0x10, s17;
	s13 =	sor.u32 $0x2280, s13;
	v8 =	vld [tilespmem:s31+$0x8100];
	v6 =	vadd.f32 v9, v2  }
.Ltmp15:
0x1f1: {  	s9 =	sor.u32 $0x20, s17;
	v2 =	vld [tilespmem:s7+$0x8100];
	v7 =	vadd.f32 v7, v3;
	(pc) =	sbr.rel @p2 .LBB2_29-.Ltmp15, $4  }
0x1f2: {  	v4 =	vld [tilespmem:s12+$0x4100];
	v9 =	vadd.f32 v10, v5;
	[tilespmem:s0+$0x10100] =	vst v6;
	s0 =	smov.u32 s7  }
0x1f3: {  	v3 =	vld [tilespmem:s13+$0x8100];
	[tilespmem:s30+$0x10100] =	vst v7;
	s30 =	smov.u32 s13  }
0x1f4: {  	v5 =	vld [tilespmem:s15+$0x8100];
	[tilespmem:s29+$0x10100] =	vst v9;
	s29 =	smov.u32 s15  }
0x1f5: {  	s6 =	sadd.s32 $0x40, s6;
	v6 =	vld [tilespmem:s8+$0x100];
	v7 =	vmul.f32 v11, v8  }
0x1f6: {  	(v2sf) =	vpush v0, $0xE;
	_ =	sdelay $0x9  }
0x1f7: {  	v8 =	vld [tilespmem:s9+$0x100]  }
0x1f8: {  	v11 =	vld [tilespmem:s17+$0x4100]  }
0x1f9: {  	v9 =	vld [tilespmem:s8+$0x4100]  }
0x1fa: {  	v10 =	vld [tilespmem:s9+$0x4100]  }
0x1fb: {  	v1 =	vmul.f32 v1, v5  }
0x1fc: {  	p1 =	por $0x0, $0x0;
	v4 =	vadd.f32 v4, v7;
	v2 =	vmul.f32 v6, v2;
	s1 =	spop (v2sf)  }
0x1fd: {  	s7 =	simm.s32 $0x1;
	v3 =	vmul.f32 v8, v3;
	v1 =	vadd.f32 v11, v1;
	s4 =	sshll.u32 s1, $0xA;
	s1 =	sshll.u32 s1, $0x7  }
0x1fe: {  	s7 =	simm.s32 @!p1 $0x0;
	[tilespmem:s31+$0x10100] =	vst v4;
	v2 =	vadd.f32 v9, v2;
	s4 =	sand.u32 $0xFFFFE000, s4;
	s6 =	sand.u32 $0x380, s1  }
0x1ff: {  	s13 =	sshll.u32 s7, $0x6;
	v3 =	vadd.f32 v10, v3;
	[tilespmem:s29+$0x10100] =	vst v1;
	s1 =	simm.s32 $0x0;
	s16 =	sor.u32 s4, s6  }
0x200: {  	[tilespmem:s0+$0x10100] =	vst v2;
	s9 =	sand.u32 $0x1C00, s1;
	s12 =	sand.u32 $0x40, s1;
	s6 =	sadd.s32 $0x0, s13  }
0x201: {  	[tilespmem:s30+$0x10100] =	vst v3;
	s0 =	sor.u32 s9, s16;
	s15 =	sadd.s32 $0x30, s6;
	s29 =	sor.u32 $0x2300, s6  }
0x202: {  	s17 =	sor.u32 s12, s0;
	s30 =	sor.u32 $0x2300, s15;
	v5 =	vld [tilespmem:s29+$0x8100]  }
0x203: {  	s4 =	sor.u32 $0x30, s17;
	v8 =	vld [tilespmem:s30+$0x8100]  }
0x204: {  	s23 =	sadd.s32 $0x10, s6;
	v7 =	vld [tilespmem:s4+$0x100]  }
0x205: {  	s0 =	sor.u32 $0x2300, s23;
	v1 =	vld [tilespmem:s17+$0x100]  }
0x206: {  	s24 =	sadd.s32 $0x20, s6;
	v2 =	vld [tilespmem:s0+$0x8100]  }
0x207: {  	s31 =	sor.u32 $0x2300, s24;
	v4 =	vld [tilespmem:s4+$0x4100]  }
0x208: {  	v3 =	vld [tilespmem:s31+$0x8100];
	s8 =	sor.u32 $0x10, s17  }
0x209: {  	s6 =	simm.s32 $0x40;
	s9 =	sor.u32 $0x20, s17;
	s4 =	simm.s32 $0x0;
	v6 =	vld [tilespmem:s8+$0x100];
	v7 =	vmul.f32 v7, v8  }
.LBB2_31:
0x20a: {  	s7 =	sand.u32 $0x40, s6  }
0x20b: {  	v8 =	vld [tilespmem:s9+$0x100];
	s1 =	sadd.s32 $0x200, s1;
	p1 =	por !p1, !p1;
	s12 =	simm.s32 $0x1  }
0x20c: {  	s4 =	sadd.s32 $0x4, s4;
	s12 =	simm.s32 @!p1 $0x0;
	s13 =	sand.u32 $0x1C00, s1;
	v9 =	vld [tilespmem:s8+$0x4100];
	v4 =	vadd.f32 v4, v7  }
0x20d: {  	p2 =	slt.u32 s4, $0x3C;
	s8 =	sshll.u32 s12, $0x6;
	s12 =	sor.u32 s13, s16;
	v7 =	vld [tilespmem:s9+$0x4100]  }
0x20e: {  	s8 =	sadd.s32 s8, s1;
	v5 =	vmul.f32 v1, v5;
	v10 =	vld [tilespmem:s17+$0x4100];
	s17 =	sor.u32 s7, s12;
	[tilespmem:s30+$0x10100] =	vst v4  }
0x20f: {  	v1 =	vld [tilespmem:s17+$0x100];
	s7 =	sadd.s32 $0x10, s8;
	s9 =	sadd.s32 $0x30, s8;
	s12 =	sor.u32 $0x30, s17;
	v2 =	vmul.f32 v6, v2  }
0x210: {  	s13 =	sadd.s32 $0x20, s8;
	s7 =	sor.u32 $0x2300, s7;
	s30 =	sor.u32 $0x2300, s9;
	v11 =	vld [tilespmem:s12+$0x100];
	v3 =	vmul.f32 v8, v3  }
0x211: {  	s15 =	sor.u32 $0x2300, s8;
	s8 =	sor.u32 $0x10, s17;
	s13 =	sor.u32 $0x2300, s13;
	v8 =	vld [tilespmem:s30+$0x8100];
	v6 =	vadd.f32 v9, v2  }
.Ltmp16:
0x212: {  	s9 =	sor.u32 $0x20, s17;
	v2 =	vld [tilespmem:s7+$0x8100];
	v7 =	vadd.f32 v7, v3;
	(pc) =	sbr.rel @p2 .LBB2_31-.Ltmp16, $4  }
0x213: {  	v4 =	vld [tilespmem:s12+$0x4100];
	v9 =	vadd.f32 v10, v5;
	[tilespmem:s0+$0x10100] =	vst v6;
	s0 =	smov.u32 s7  }
0x214: {  	v3 =	vld [tilespmem:s13+$0x8100];
	[tilespmem:s31+$0x10100] =	vst v7;
	s31 =	smov.u32 s13  }
0x215: {  	v5 =	vld [tilespmem:s15+$0x8100];
	[tilespmem:s29+$0x10100] =	vst v9;
	s29 =	smov.u32 s15  }
0x216: {  	s6 =	sadd.s32 $0x40, s6;
	v6 =	vld [tilespmem:s8+$0x100];
	v7 =	vmul.f32 v11, v8  }
0x217: {  	(v2sf) =	vpush v0, $0xF;
	_ =	sdelay $0x8  }
0x218: {  	v0 =	vld [tilespmem:s9+$0x100]  }
0x219: {  	v10 =	vld [tilespmem:s17+$0x4100]  }
0x21a: {  	v8 =	vld [tilespmem:s8+$0x4100]  }
0x21b: {  	v9 =	vld [tilespmem:s9+$0x4100]  }
0x21c: {  	p1 =	por $0x0, $0x0;
	s6 =	simm.s32 $0x1;
	v1 =	vmul.f32 v1, v5  }
0x21d: {  	v4 =	vadd.f32 v4, v7;
	s6 =	simm.s32 @!p1 $0x0;
	v2 =	vmul.f32 v6, v2  }
0x21e: {  	s6 =	sshll.u32 s6, $0x6;
	v0 =	vmul.f32 v0, v3;
	v1 =	vadd.f32 v10, v1;
	s1 =	spop (v2sf)  }
0x21f: {  	[tilespmem:s30+$0x10100] =	vst v4;
	s30 =	simm.s32 $0x0;
	v2 =	vadd.f32 v8, v2;
	s4 =	sshll.u32 s1, $0xA;
	s1 =	sshll.u32 s1, $0x7  }
0x220: {  	s6 =	sadd.s32 $0x0, s6;
	v0 =	vadd.f32 v9, v0;
	[tilespmem:s29+$0x10100] =	vst v1;
	s4 =	sand.u32 $0xFFFFE000, s4;
	s1 =	sand.u32 $0x380, s1  }
0x221: {  	s16 =	sand.u32 $0x1C00, s30;
	s23 =	sadd.s32 $0x30, s6;
	[tilespmem:s0+$0x10100] =	vst v2;
	s0 =	sor.u32 s4, s1  }
0x222: {  	s17 =	sand.u32 $0x40, s30;
	[tilespmem:s31+$0x10100] =	vst v0;
	s31 =	sor.u32 $0x2380, s23;
	s1 =	sor.u32 s16, s0  }
0x223: {  	v7 =	vld [tilespmem:s31+$0x8100];
	s16 =	sor.u32 s1, s17  }
0x224: {  	s7 =	sadd.s32 $0x10, s6;
	v0 =	vld [tilespmem:s16+$0x100];
	s4 =	sor.u32 $0x30, s16  }
0x225: {  	s6 =	sadd.s32 $0x20, s6;
	s1 =	sor.u32 $0x2380, s7;
	v6 =	vld [tilespmem:s4+$0x100]  }
0x226: {  	s17 =	sor.u32 $0x2380, s6;
	v1 =	vld [tilespmem:s1+$0x8100]  }
0x227: {  	v2 =	vld [tilespmem:s17+$0x8100]  }
0x228: {  	s9 =	sor.u32 $0x10, s16;
	v3 =	vld [tilespmem:s4+$0x4100]  }
0x229: {  	s24 =	sor.u32 s30, s30;
	s8 =	sor.u32 $0x20, s16;
	v5 =	vld [tilespmem:s9+$0x100]  }
0x22a: {  	s29 =	sor.u32 $0x2380, s24;
	s6 =	simm.s32 $0x40;
	s4 =	simm.s32 $0x0;
	v4 =	vld [tilespmem:s8+$0x100];
	v6 =	vmul.f32 v6, v7  }
.LBB2_33:
0x22b: {  	s7 =	sand.u32 $0x40, s6  }
0x22c: {  	v7 =	vld [tilespmem:s29+$0x8100];
	s30 =	sadd.s32 $0x200, s30;
	p1 =	por !p1, !p1;
	s12 =	simm.s32 $0x1  }
0x22d: {  	s4 =	sadd.s32 $0x4, s4;
	s12 =	simm.s32 @!p1 $0x0;
	s13 =	sand.u32 $0x1C00, s30;
	v8 =	vld [tilespmem:s9+$0x4100];
	v3 =	vadd.f32 v3, v6  }
0x22e: {  	p2 =	slt.u32 s4, $0x3C;
	s9 =	sshll.u32 s12, $0x6;
	s12 =	sor.u32 s13, s0;
	v6 =	vld [tilespmem:s8+$0x4100]  }
0x22f: {  	s13 =	sor.u32 s6, s30;
	s8 =	sadd.s32 s9, s30;
	v9 =	vld [tilespmem:s16+$0x4100];
	s16 =	sor.u32 s12, s7;
	v1 =	vmul.f32 v5, v1;
	[tilespmem:s31+$0x10100] =	vst v3  }
0x230: {  	v5 =	vld [tilespmem:s16+$0x100];
	s7 =	sadd.s32 $0x10, s8;
	s9 =	sadd.s32 $0x30, s8;
	s12 =	sor.u32 $0x30, s16;
	v2 =	vmul.f32 v4, v2  }
0x231: {  	s8 =	sadd.s32 $0x20, s8;
	s7 =	sor.u32 $0x2380, s7;
	s31 =	sor.u32 $0x2380, s9;
	v10 =	vld [tilespmem:s12+$0x100];
	v0 =	vmul.f32 v0, v7  }
0x232: {  	s9 =	sor.u32 $0x10, s16;
	s15 =	sor.u32 $0x2380, s8;
	s8 =	sor.u32 $0x20, s16;
	v7 =	vld [tilespmem:s31+$0x8100];
	v4 =	vadd.f32 v8, v1  }
.Ltmp17:
0x233: {  	s13 =	sor.u32 $0x2380, s13;
	v1 =	vld [tilespmem:s7+$0x8100];
	v6 =	vadd.f32 v6, v2;
	(pc) =	sbr.rel @p2 .LBB2_33-.Ltmp17, $4  }
0x234: {  	v3 =	vld [tilespmem:s12+$0x4100];
	v8 =	vadd.f32 v9, v0;
	[tilespmem:s1+$0x10100] =	vst v4;
	s1 =	smov.u32 s7  }
0x235: {  	v2 =	vld [tilespmem:s15+$0x8100];
	[tilespmem:s17+$0x10100] =	vst v6;
	v0 =	vmov v5;
	s17 =	smov.u32 s15  }
0x236: {  	v5 =	vld [tilespmem:s9+$0x100];
	[tilespmem:s29+$0x10100] =	vst v8;
	s29 =	smov.u32 s13  }
0x237: {  	s6 =	sadd.s32 $0x40, s6;
	v4 =	vld [tilespmem:s8+$0x100];
	v6 =	vmul.f32 v10, v7  }
0x238: {  	v7 =	vld [tilespmem:s29+$0x8100]  }
0x239: {  	v8 =	vld [tilespmem:s9+$0x4100]  }
0x23a: {  	v9 =	vld [tilespmem:s8+$0x4100]  }
0x23b: {  	v10 =	vld [tilespmem:s16+$0x4100]  }
0x23c: {  	v1 =	vmul.f32 v5, v1  }
0x23d: {  	v3 =	vadd.f32 v3, v6;
	v2 =	vmul.f32 v4, v2  }
0x23e: {  	p1 =	sne.s32 s25, $0x7;
	v0 =	vmul.f32 v0, v7;
	v1 =	vadd.f32 v8, v1  }
.Ltmp18:
0x23f: {  	[tilespmem:s31+$0x10100] =	vst v3;
	v2 =	vadd.f32 v9, v2;
	(pc) =	sbr.rel @p1 .LBB2_36-.Ltmp18, $4  }
0x240: {  	s0 =	sadd.s32 s5, s28;
	v0 =	vadd.f32 v10, v0;
	[tilespmem:s1+$0x10100] =	vst v1  }
0x241: {  	s0 =	sshll.u32 s0, $0x7;
	[tilespmem:s17+$0x10100] =	vst v2  }
0x242: {  	s0 =	sadd.s32 s2, s0;
	[tilespmem:s29+$0x10100] =	vst v0  }
0x243: {  	[hbm4b:s0+s3] =	stream.linear.scatter [tilespmem:s19], [sflag:$0x3], $0x4000, $0x38;
	[tilespmem:$0x18100] =	vst v63  }
.Ltmp19:
0x244: {  	(pc) =	sbr.rel .LBB2_37-.Ltmp19, $4  }
0x245: {  	_ = 	snop  }
0x246: {  	_ =	swait.ge [sflag:s20], $0x4000  }
0x247: {  	[sflag:s20] =	ssyncset.done $0x0  }
0x248: {  	[sflag:s20] =	ssyncadd.s32 $0xFFFFC000  }
.LBB2_36:
.Ltmp20:
0x249: {  	s0 =	sadd.s32 s26, s10;
	s1 =	simm.s32 $0x8100;
	(pc) =	sbr.rel @p0 .LBB2_38-.Ltmp20, $4  }
0x24a: {  	[tilespmem:s1], [sflag:$0x1] =	stream.linear.gather [hbm4b:s0+s3], $0x4000, $0x38;
	[tilespmem:$0x18100] =	vst v63  }
0x24b: {  	_ =	swait.ge [sflag:s20], $0x4000  }
0x24c: {  	[sflag:s20] =	ssyncset.done $0x0  }
0x24d: {  	[sflag:s20] =	ssyncadd.s32 $0xFFFFC000  }
.LBB2_37:
0x24e: {  	_ =	swait.ge [sflag:s21], $0x4000  }
0x24f: {  	[sflag:s21] =	ssyncset.done $0x0  }
0x250: {  	[sflag:s21] =	ssyncadd.s32 $0xFFFFC000  }
.LBB2_38:
0x251: {  	s28 =	sor.u32 $0x10, s28  }
0x252: {  	v0 =	vld [tilespmem:s28+$0x0];
	_ =	sdelay $0x4  }
0x253: {  	(v2sf) =	vpush v0, $0x0;
	_ =	sdelay $0xe  }
0x254: {  	s0 =	spop (v2sf)  }
0x255: {  	s1 =	simm.s32 $0x0;
	s4 =	sshll.u32 s0, $0xA;
	s0 =	sshll.u32 s0, $0x7  }
0x256: {  	s7 =	sand.u32 $0x40, s1;
	s4 =	sand.u32 $0xFFFFE000, s4;
	s0 =	sand.u32 $0x380, s0  }
0x257: {  	s15 =	sand.u32 $0x1C00, s1;
	s23 =	sor.u32 $0x30, s7;
	s29 =	sor.u32 s0, s4  }
0x258: {  	s17 =	sor.u32 s15, s23;
	s8 =	sor.u32 s15, s29  }
0x259: {  	s24 =	sor.u32 $0x20, s7;
	v5 =	vld [tilespmem:s17+$0xC100];
	s9 =	sor.u32 s23, s8  }
0x25a: {  	s16 =	sor.u32 s15, s24;
	v6 =	vld [tilespmem:s9+$0x100]  }
0x25b: {  	s12 =	sor.u32 $0x10, s7;
	v2 =	vld [tilespmem:s16+$0xC100]  }
0x25c: {  	s0 =	sor.u32 s15, s12;
	v7 =	vld [tilespmem:s9+$0x4100]  }
0x25d: {  	v3 =	vld [tilespmem:s0+$0xC100];
	s31 =	sor.u32 s12, s8  }
0x25e: {  	s6 =	sor.u32 s7, s8;
	v4 =	vld [tilespmem:s31+$0x100]  }
0x25f: {  	v1 =	vld [tilespmem:s6+$0x100];
	s9 =	sor.u32 s24, s8;
	v8 =	vmul.f32 v6, v5  }
0x260: {  	s30 =	sor.u32 s7, s15;
	v5 =	vld [tilespmem:s9+$0x100]  }
0x261: {  	s4 =	simm.s32 $0x0;
	s8 =	simm.s32 $0x40;
	v6 =	vld [tilespmem:s30+$0xC100];
	v7 =	vadd.f32 v7, v8  }
.LBB2_39:
0x262: {  	s7 =	sand.u32 $0x40, s8;
	v8 =	vld [tilespmem:s6+$0x4100];
	s1 =	sadd.s32 $0x200, s1  }
0x263: {  	s4 =	sadd.s32 $0x4, s4;
	s12 =	sand.u32 $0x1C00, s1;
	s6 =	sor.u32 $0x30, s7;
	v3 =	vmul.f32 v4, v3;
	v4 =	vld [tilespmem:s31+$0x4100];
	[tilespmem:s17+$0x14100] =	vst v7  }
0x264: {  	p0 =	slt.u32 s4, $0x3C;
	s13 =	sor.u32 s12, s29;
	s17 =	sor.u32 s12, s6;
	v7 =	vld [tilespmem:s9+$0x4100]  }
0x265: {  	s15 =	sor.u32 $0x20, s7;
	s9 =	sor.u32 $0x10, s7;
	v9 =	vld [tilespmem:s17+$0xC100];
	s23 =	sor.u32 s6, s13;
	v2 =	vmul.f32 v5, v2  }
0x266: {  	s6 =	sor.u32 s7, s13;
	s24 =	sor.u32 s12, s9;
	s31 =	sor.u32 s9, s13;
	v5 =	vld [tilespmem:s23+$0x100];
	v6 =	vmul.f32 v1, v6  }
0x267: {  	s7 =	sor.u32 s7, s12;
	s12 =	sor.u32 s12, s15;
	s9 =	sor.u32 s15, s13;
	v1 =	vld [tilespmem:s6+$0x100]  }
0x268: {  	v10 =	vld [tilespmem:s23+$0x4100];
	v6 =	vadd.f32 v8, v6;
	v8 =	vadd.f32 v4, v3  }
.Ltmp21:
0x269: {  	v3 =	vld [tilespmem:s24+$0xC100];
	v7 =	vadd.f32 v7, v2;
	(pc) =	sbr.rel @p0 .LBB2_39-.Ltmp21, $4  }
0x26a: {  	v4 =	vld [tilespmem:s31+$0x100];
	[tilespmem:s30+$0x14100] =	vst v6;
	s30 =	smov.u32 s7  }
0x26b: {  	v2 =	vld [tilespmem:s12+$0xC100];
	v9 =	vmul.f32 v5, v9;
	[tilespmem:s0+$0x14100] =	vst v8;
	s0 =	smov.u32 s24  }
0x26c: {  	v5 =	vld [tilespmem:s9+$0x100];
	[tilespmem:s16+$0x14100] =	vst v7;
	s16 =	smov.u32 s12  }
0x26d: {  	s8 =	sadd.s32 $0x40, s8;
	v6 =	vld [tilespmem:s30+$0xC100];
	v7 =	vadd.f32 v10, v9  }
0x26e: {  	(v2sf) =	vpush v0, $0x1;
	_ =	sdelay $0x9  }
0x26f: {  	v9 =	vld [tilespmem:s31+$0x4100]  }
0x270: {  	v10 =	vld [tilespmem:s9+$0x4100]  }
0x271: {  	v8 =	vld [tilespmem:s6+$0x4100]  }
0x272: {  	v3 =	vmul.f32 v4, v3  }
0x273: {  	v2 =	vmul.f32 v5, v2  }
0x274: {  	v1 =	vmul.f32 v1, v6;
	v3 =	vadd.f32 v9, v3;
	s1 =	spop (v2sf)  }
0x275: {  	[tilespmem:s17+$0x14100] =	vst v7;
	v2 =	vadd.f32 v10, v2;
	s4 =	sshll.u32 s1, $0xA;
	s12 =	sshll.u32 s1, $0x7;
	s1 =	simm.s32 $0x0  }
0x276: {  	v1 =	vadd.f32 v8, v1;
	[tilespmem:s0+$0x14100] =	vst v3;
	s4 =	sand.u32 $0xFFFFE000, s4;
	s6 =	sand.u32 $0x380, s12;
	s7 =	sand.u32 $0x40, s1  }
0x277: {  	[tilespmem:s16+$0x14100] =	vst v2;
	s13 =	sand.u32 $0x1C00, s1;
	s29 =	sor.u32 s6, s4;
	s15 =	sor.u32 $0x30, s7  }
0x278: {  	[tilespmem:s30+$0x14100] =	vst v1;
	s8 =	sor.u32 s13, s29;
	s17 =	sor.u32 s15, s13  }
0x279: {  	s12 =	sor.u32 $0x10, s7;
	v5 =	vld [tilespmem:s17+$0xC180];
	s23 =	sor.u32 s15, s8  }
0x27a: {  	s0 =	sor.u32 s12, s13;
	v6 =	vld [tilespmem:s23+$0x100]  }
0x27b: {  	s24 =	sor.u32 $0x20, s7;
	v3 =	vld [tilespmem:s0+$0xC180]  }
0x27c: {  	s16 =	sor.u32 s24, s13;
	v7 =	vld [tilespmem:s23+$0x4100]  }
0x27d: {  	s31 =	sor.u32 s12, s8;
	v2 =	vld [tilespmem:s16+$0xC180]  }
0x27e: {  	s6 =	sor.u32 s7, s8;
	v4 =	vld [tilespmem:s31+$0x100]  }
0x27f: {  	s9 =	sor.u32 s24, s8;
	v1 =	vld [tilespmem:s6+$0x100];
	v8 =	vmul.f32 v6, v5  }
0x280: {  	s30 =	sor.u32 s7, s13;
	v5 =	vld [tilespmem:s9+$0x100]  }
0x281: {  	s4 =	simm.s32 $0x0;
	s8 =	simm.s32 $0x40;
	v6 =	vld [tilespmem:s30+$0xC180];
	v7 =	vadd.f32 v7, v8  }
.LBB2_41:
0x282: {  	s7 =	sand.u32 $0x40, s8;
	v8 =	vld [tilespmem:s6+$0x4100];
	s1 =	sadd.s32 $0x200, s1  }
0x283: {  	s4 =	sadd.s32 $0x4, s4;
	s12 =	sand.u32 $0x1C00, s1;
	s6 =	sor.u32 $0x30, s7;
	v3 =	vmul.f32 v4, v3;
	v4 =	vld [tilespmem:s31+$0x4100];
	[tilespmem:s17+$0x14180] =	vst v7  }
0x284: {  	p0 =	slt.u32 s4, $0x3C;
	s13 =	sor.u32 s12, s29;
	s17 =	sor.u32 s6, s12;
	v7 =	vld [tilespmem:s9+$0x4100]  }
0x285: {  	s15 =	sor.u32 $0x20, s7;
	s9 =	sor.u32 $0x10, s7;
	v9 =	vld [tilespmem:s17+$0xC180];
	s23 =	sor.u32 s6, s13;
	v2 =	vmul.f32 v5, v2  }
0x286: {  	s6 =	sor.u32 s7, s13;
	s24 =	sor.u32 s9, s12;
	s31 =	sor.u32 s9, s13;
	v5 =	vld [tilespmem:s23+$0x100];
	v6 =	vmul.f32 v1, v6  }
0x287: {  	s7 =	sor.u32 s7, s12;
	s12 =	sor.u32 s15, s12;
	s9 =	sor.u32 s15, s13;
	v1 =	vld [tilespmem:s6+$0x100]  }
0x288: {  	v10 =	vld [tilespmem:s23+$0x4100];
	v6 =	vadd.f32 v8, v6;
	v8 =	vadd.f32 v4, v3  }
.Ltmp22:
0x289: {  	v3 =	vld [tilespmem:s24+$0xC180];
	v7 =	vadd.f32 v7, v2;
	(pc) =	sbr.rel @p0 .LBB2_41-.Ltmp22, $4  }
0x28a: {  	v4 =	vld [tilespmem:s31+$0x100];
	[tilespmem:s30+$0x14180] =	vst v6;
	s30 =	smov.u32 s7  }
0x28b: {  	v2 =	vld [tilespmem:s12+$0xC180];
	v9 =	vmul.f32 v5, v9;
	[tilespmem:s0+$0x14180] =	vst v8;
	s0 =	smov.u32 s24  }
0x28c: {  	v5 =	vld [tilespmem:s9+$0x100];
	[tilespmem:s16+$0x14180] =	vst v7;
	s16 =	smov.u32 s12  }
0x28d: {  	s8 =	sadd.s32 $0x40, s8;
	v6 =	vld [tilespmem:s30+$0xC180];
	v7 =	vadd.f32 v10, v9  }
0x28e: {  	(v2sf) =	vpush v0, $0x2;
	_ =	sdelay $0x9  }
0x28f: {  	v9 =	vld [tilespmem:s31+$0x4100]  }
0x290: {  	v10 =	vld [tilespmem:s9+$0x4100]  }
0x291: {  	v8 =	vld [tilespmem:s6+$0x4100]  }
0x292: {  	v3 =	vmul.f32 v4, v3  }
0x293: {  	v2 =	vmul.f32 v5, v2  }
0x294: {  	v1 =	vmul.f32 v1, v6;
	v3 =	vadd.f32 v9, v3;
	s1 =	spop (v2sf)  }
0x295: {  	[tilespmem:s17+$0x14180] =	vst v7;
	v2 =	vadd.f32 v10, v2;
	s4 =	sshll.u32 s1, $0xA;
	s12 =	sshll.u32 s1, $0x7;
	s1 =	simm.s32 $0x0  }
0x296: {  	v1 =	vadd.f32 v8, v1;
	[tilespmem:s0+$0x14180] =	vst v3;
	s4 =	sand.u32 $0xFFFFE000, s4;
	s6 =	sand.u32 $0x380, s12;
	s7 =	sand.u32 $0x40, s1  }
0x297: {  	[tilespmem:s16+$0x14180] =	vst v2;
	s13 =	sand.u32 $0x1C00, s1;
	s29 =	sor.u32 s6, s4;
	s15 =	sor.u32 $0x30, s7  }
0x298: {  	[tilespmem:s30+$0x14180] =	vst v1;
	s8 =	sor.u32 s13, s29;
	s17 =	sor.u32 s15, s13  }
0x299: {  	s12 =	sor.u32 $0x10, s7;
	v5 =	vld [tilespmem:s17+$0xC200];
	s23 =	sor.u32 s15, s8  }
0x29a: {  	s0 =	sor.u32 s12, s13;
	v6 =	vld [tilespmem:s23+$0x100]  }
0x29b: {  	s24 =	sor.u32 $0x20, s7;
	v3 =	vld [tilespmem:s0+$0xC200]  }
0x29c: {  	s16 =	sor.u32 s24, s13;
	v7 =	vld [tilespmem:s23+$0x4100]  }
0x29d: {  	s31 =	sor.u32 s12, s8;
	v2 =	vld [tilespmem:s16+$0xC200]  }
0x29e: {  	s6 =	sor.u32 s7, s8;
	v4 =	vld [tilespmem:s31+$0x100]  }
0x29f: {  	s9 =	sor.u32 s24, s8;
	v1 =	vld [tilespmem:s6+$0x100];
	v8 =	vmul.f32 v6, v5  }
0x2a0: {  	s30 =	sor.u32 s7, s13;
	v5 =	vld [tilespmem:s9+$0x100]  }
0x2a1: {  	s4 =	simm.s32 $0x0;
	s8 =	simm.s32 $0x40;
	v6 =	vld [tilespmem:s30+$0xC200];
	v7 =	vadd.f32 v7, v8  }
.LBB2_43:
0x2a2: {  	s7 =	sand.u32 $0x40, s8;
	v8 =	vld [tilespmem:s6+$0x4100];
	s1 =	sadd.s32 $0x200, s1  }
0x2a3: {  	s4 =	sadd.s32 $0x4, s4;
	s12 =	sand.u32 $0x1C00, s1;
	s6 =	sor.u32 $0x30, s7;
	v3 =	vmul.f32 v4, v3;
	v4 =	vld [tilespmem:s31+$0x4100];
	[tilespmem:s17+$0x14200] =	vst v7  }
0x2a4: {  	p0 =	slt.u32 s4, $0x3C;
	s13 =	sor.u32 s12, s29;
	s17 =	sor.u32 s6, s12;
	v7 =	vld [tilespmem:s9+$0x4100]  }
0x2a5: {  	s15 =	sor.u32 $0x20, s7;
	s9 =	sor.u32 $0x10, s7;
	v9 =	vld [tilespmem:s17+$0xC200];
	s23 =	sor.u32 s6, s13;
	v2 =	vmul.f32 v5, v2  }
0x2a6: {  	s6 =	sor.u32 s7, s13;
	s24 =	sor.u32 s9, s12;
	s31 =	sor.u32 s9, s13;
	v5 =	vld [tilespmem:s23+$0x100];
	v6 =	vmul.f32 v1, v6  }
0x2a7: {  	s7 =	sor.u32 s7, s12;
	s12 =	sor.u32 s15, s12;
	s9 =	sor.u32 s15, s13;
	v1 =	vld [tilespmem:s6+$0x100]  }
0x2a8: {  	v10 =	vld [tilespmem:s23+$0x4100];
	v6 =	vadd.f32 v8, v6;
	v8 =	vadd.f32 v4, v3  }
.Ltmp23:
0x2a9: {  	v3 =	vld [tilespmem:s24+$0xC200];
	v7 =	vadd.f32 v7, v2;
	(pc) =	sbr.rel @p0 .LBB2_43-.Ltmp23, $4  }
0x2aa: {  	v4 =	vld [tilespmem:s31+$0x100];
	[tilespmem:s30+$0x14200] =	vst v6;
	s30 =	smov.u32 s7  }
0x2ab: {  	v2 =	vld [tilespmem:s12+$0xC200];
	v9 =	vmul.f32 v5, v9;
	[tilespmem:s0+$0x14200] =	vst v8;
	s0 =	smov.u32 s24  }
0x2ac: {  	v5 =	vld [tilespmem:s9+$0x100];
	[tilespmem:s16+$0x14200] =	vst v7;
	s16 =	smov.u32 s12  }
0x2ad: {  	s8 =	sadd.s32 $0x40, s8;
	v6 =	vld [tilespmem:s30+$0xC200];
	v7 =	vadd.f32 v10, v9  }
0x2ae: {  	(v2sf) =	vpush v0, $0x3;
	_ =	sdelay $0x9  }
0x2af: {  	v9 =	vld [tilespmem:s31+$0x4100]  }
0x2b0: {  	v10 =	vld [tilespmem:s9+$0x4100]  }
0x2b1: {  	v8 =	vld [tilespmem:s6+$0x4100]  }
0x2b2: {  	v3 =	vmul.f32 v4, v3  }
0x2b3: {  	v2 =	vmul.f32 v5, v2  }
0x2b4: {  	v1 =	vmul.f32 v1, v6;
	v3 =	vadd.f32 v9, v3;
	s1 =	spop (v2sf)  }
0x2b5: {  	[tilespmem:s17+$0x14200] =	vst v7;
	v2 =	vadd.f32 v10, v2;
	s4 =	sshll.u32 s1, $0xA;
	s12 =	sshll.u32 s1, $0x7;
	s1 =	simm.s32 $0x0  }
0x2b6: {  	v1 =	vadd.f32 v8, v1;
	[tilespmem:s0+$0x14200] =	vst v3;
	s4 =	sand.u32 $0xFFFFE000, s4;
	s6 =	sand.u32 $0x380, s12;
	s7 =	sand.u32 $0x40, s1  }
0x2b7: {  	[tilespmem:s16+$0x14200] =	vst v2;
	s13 =	sand.u32 $0x1C00, s1;
	s29 =	sor.u32 s6, s4;
	s15 =	sor.u32 $0x30, s7  }
0x2b8: {  	[tilespmem:s30+$0x14200] =	vst v1;
	s8 =	sor.u32 s13, s29;
	s17 =	sor.u32 s15, s13  }
0x2b9: {  	s12 =	sor.u32 $0x10, s7;
	v4 =	vld [tilespmem:s17+$0xC280];
	s23 =	sor.u32 s15, s8  }
0x2ba: {  	s0 =	sor.u32 s12, s13;
	v6 =	vld [tilespmem:s23+$0x100]  }
0x2bb: {  	s24 =	sor.u32 $0x20, s7;
	v3 =	vld [tilespmem:s0+$0xC280]  }
0x2bc: {  	s16 =	sor.u32 s24, s13;
	v7 =	vld [tilespmem:s23+$0x4100]  }
0x2bd: {  	s31 =	sor.u32 s12, s8;
	v2 =	vld [tilespmem:s16+$0xC280]  }
0x2be: {  	s6 =	sor.u32 s7, s8;
	v5 =	vld [tilespmem:s31+$0x100]  }
0x2bf: {  	s9 =	sor.u32 s24, s8;
	v1 =	vld [tilespmem:s6+$0x100];
	v8 =	vmul.f32 v6, v4  }
0x2c0: {  	s30 =	sor.u32 s7, s13;
	v4 =	vld [tilespmem:s9+$0x100]  }
0x2c1: {  	s4 =	simm.s32 $0x0;
	s8 =	simm.s32 $0x40;
	v6 =	vld [tilespmem:s30+$0xC280];
	v7 =	vadd.f32 v7, v8  }
.LBB2_45:
0x2c2: {  	s7 =	sand.u32 $0x40, s8;
	v8 =	vld [tilespmem:s6+$0x4100];
	s1 =	sadd.s32 $0x200, s1  }
0x2c3: {  	s4 =	sadd.s32 $0x4, s4;
	s12 =	sand.u32 $0x1C00, s1;
	s6 =	sor.u32 $0x30, s7;
	v3 =	vmul.f32 v5, v3;
	v5 =	vld [tilespmem:s31+$0x4100];
	[tilespmem:s17+$0x14280] =	vst v7  }
0x2c4: {  	p0 =	slt.u32 s4, $0x3C;
	s13 =	sor.u32 s12, s29;
	s17 =	sor.u32 s6, s12;
	v7 =	vld [tilespmem:s9+$0x4100]  }
0x2c5: {  	s15 =	sor.u32 $0x20, s7;
	s9 =	sor.u32 $0x10, s7;
	v9 =	vld [tilespmem:s17+$0xC280];
	s23 =	sor.u32 s6, s13;
	v2 =	vmul.f32 v4, v2  }
0x2c6: {  	s6 =	sor.u32 s7, s13;
	s24 =	sor.u32 s9, s12;
	s31 =	sor.u32 s9, s13;
	v4 =	vld [tilespmem:s23+$0x100];
	v6 =	vmul.f32 v1, v6  }
0x2c7: {  	s7 =	sor.u32 s7, s12;
	s12 =	sor.u32 s15, s12;
	s9 =	sor.u32 s15, s13;
	v1 =	vld [tilespmem:s6+$0x100]  }
0x2c8: {  	v10 =	vld [tilespmem:s23+$0x4100];
	v6 =	vadd.f32 v8, v6;
	v8 =	vadd.f32 v5, v3  }
.Ltmp24:
0x2c9: {  	v3 =	vld [tilespmem:s24+$0xC280];
	v7 =	vadd.f32 v7, v2;
	(pc) =	sbr.rel @p0 .LBB2_45-.Ltmp24, $4  }
0x2ca: {  	v5 =	vld [tilespmem:s31+$0x100];
	[tilespmem:s30+$0x14280] =	vst v6;
	s30 =	smov.u32 s7  }
0x2cb: {  	v2 =	vld [tilespmem:s12+$0xC280];
	v9 =	vmul.f32 v4, v9;
	[tilespmem:s0+$0x14280] =	vst v8;
	s0 =	smov.u32 s24  }
0x2cc: {  	v4 =	vld [tilespmem:s9+$0x100];
	[tilespmem:s16+$0x14280] =	vst v7;
	s16 =	smov.u32 s12  }
0x2cd: {  	s8 =	sadd.s32 $0x40, s8;
	v6 =	vld [tilespmem:s30+$0xC280];
	v7 =	vadd.f32 v10, v9  }
0x2ce: {  	(v2sf) =	vpush v0, $0x4;
	_ =	sdelay $0x9  }
0x2cf: {  	v9 =	vld [tilespmem:s31+$0x4100]  }
0x2d0: {  	v10 =	vld [tilespmem:s9+$0x4100]  }
0x2d1: {  	v8 =	vld [tilespmem:s6+$0x4100];
	p0 =	por $0x0, $0x0;
	s7 =	simm.s32 $0x1  }
0x2d2: {  	v3 =	vmul.f32 v5, v3;
	s7 =	simm.s32 @!p0 $0x0  }
0x2d3: {  	s13 =	sshll.u32 s7, $0x6;
	v2 =	vmul.f32 v4, v2  }
0x2d4: {  	s6 =	sadd.s32 $0x0, s13;
	v1 =	vmul.f32 v1, v6;
	v3 =	vadd.f32 v9, v3;
	s1 =	spop (v2sf)  }
0x2d5: {  	[tilespmem:s17+$0x14280] =	vst v7;
	s15 =	sadd.s32 $0x30, s6;
	v2 =	vadd.f32 v10, v2;
	s4 =	sshll.u32 s1, $0xA;
	s1 =	sshll.u32 s1, $0x7  }
0x2d6: {  	v1 =	vadd.f32 v8, v1;
	[tilespmem:s0+$0x14280] =	vst v3;
	s4 =	sand.u32 $0xFFFFE000, s4;
	s8 =	sand.u32 $0x380, s1;
	s1 =	simm.s32 $0x0  }
0x2d7: {  	s23 =	sadd.s32 $0x10, s6;
	[tilespmem:s16+$0x14280] =	vst v2;
	s17 =	sor.u32 s4, s8;
	s9 =	sand.u32 $0x1C00, s1  }
0x2d8: {  	s31 =	sor.u32 $0x200, s15;
	[tilespmem:s30+$0x14280] =	vst v1;
	s12 =	sand.u32 $0x40, s1;
	s4 =	sor.u32 s9, s17  }
0x2d9: {  	s0 =	sor.u32 $0x200, s23;
	v8 =	vld [tilespmem:s31+$0xC100];
	s16 =	sor.u32 s12, s4  }
0x2da: {  	s24 =	sadd.s32 $0x20, s6;
	v2 =	vld [tilespmem:s0+$0xC100];
	s4 =	sor.u32 $0x30, s16  }
0x2db: {  	s30 =	sor.u32 $0x200, s24;
	v7 =	vld [tilespmem:s4+$0x100]  }
0x2dc: {  	s29 =	sor.u32 $0x200, s6;
	v3 =	vld [tilespmem:s30+$0xC100]  }
0x2dd: {  	v5 =	vld [tilespmem:s29+$0xC100]  }
0x2de: {  	v4 =	vld [tilespmem:s4+$0x4100]  }
0x2df: {  	v1 =	vld [tilespmem:s16+$0x100];
	s8 =	sor.u32 $0x10, s16  }
0x2e0: {  	s6 =	simm.s32 $0x40;
	s9 =	sor.u32 $0x20, s16;
	s4 =	simm.s32 $0x0;
	v6 =	vld [tilespmem:s8+$0x100];
	v7 =	vmul.f32 v7, v8  }
.LBB2_47:
0x2e1: {  	s7 =	sand.u32 $0x40, s6  }
0x2e2: {  	v8 =	vld [tilespmem:s9+$0x100];
	s1 =	sadd.s32 $0x200, s1;
	p0 =	por !p0, !p0;
	s12 =	simm.s32 $0x1  }
0x2e3: {  	s4 =	sadd.s32 $0x4, s4;
	s12 =	simm.s32 @!p0 $0x0;
	s13 =	sand.u32 $0x1C00, s1;
	v9 =	vld [tilespmem:s8+$0x4100];
	v4 =	vadd.f32 v4, v7  }
0x2e4: {  	p1 =	slt.u32 s4, $0x3C;
	s8 =	sshll.u32 s12, $0x6;
	s12 =	sor.u32 s13, s17;
	v7 =	vld [tilespmem:s9+$0x4100]  }
0x2e5: {  	s8 =	sadd.s32 s8, s1;
	v5 =	vmul.f32 v1, v5;
	v10 =	vld [tilespmem:s16+$0x4100];
	s16 =	sor.u32 s7, s12;
	[tilespmem:s31+$0x14100] =	vst v4  }
0x2e6: {  	v1 =	vld [tilespmem:s16+$0x100];
	s7 =	sadd.s32 $0x10, s8;
	s9 =	sadd.s32 $0x30, s8;
	s12 =	sor.u32 $0x30, s16;
	v2 =	vmul.f32 v6, v2  }
0x2e7: {  	s13 =	sadd.s32 $0x20, s8;
	s7 =	sor.u32 $0x200, s7;
	s31 =	sor.u32 $0x200, s9;
	v11 =	vld [tilespmem:s12+$0x100];
	v3 =	vmul.f32 v8, v3  }
0x2e8: {  	s15 =	sor.u32 $0x200, s8;
	s8 =	sor.u32 $0x10, s16;
	s13 =	sor.u32 $0x200, s13;
	v8 =	vld [tilespmem:s31+$0xC100];
	v6 =	vadd.f32 v9, v2  }
.Ltmp25:
0x2e9: {  	s9 =	sor.u32 $0x20, s16;
	v2 =	vld [tilespmem:s7+$0xC100];
	v7 =	vadd.f32 v7, v3;
	(pc) =	sbr.rel @p1 .LBB2_47-.Ltmp25, $4  }
0x2ea: {  	v4 =	vld [tilespmem:s12+$0x4100];
	v9 =	vadd.f32 v10, v5;
	[tilespmem:s0+$0x14100] =	vst v6;
	s0 =	smov.u32 s7  }
0x2eb: {  	v3 =	vld [tilespmem:s13+$0xC100];
	[tilespmem:s30+$0x14100] =	vst v7;
	s30 =	smov.u32 s13  }
0x2ec: {  	v5 =	vld [tilespmem:s15+$0xC100];
	[tilespmem:s29+$0x14100] =	vst v9;
	s29 =	smov.u32 s15  }
0x2ed: {  	s6 =	sadd.s32 $0x40, s6;
	v6 =	vld [tilespmem:s8+$0x100];
	v7 =	vmul.f32 v11, v8  }
0x2ee: {  	(v2sf) =	vpush v0, $0x5;
	_ =	sdelay $0x9  }
0x2ef: {  	v8 =	vld [tilespmem:s9+$0x100]  }
0x2f0: {  	v11 =	vld [tilespmem:s16+$0x4100]  }
0x2f1: {  	v9 =	vld [tilespmem:s8+$0x4100]  }
0x2f2: {  	v10 =	vld [tilespmem:s9+$0x4100]  }
0x2f3: {  	v1 =	vmul.f32 v1, v5  }
0x2f4: {  	p0 =	por $0x0, $0x0;
	v4 =	vadd.f32 v4, v7;
	v2 =	vmul.f32 v6, v2;
	s1 =	spop (v2sf)  }
0x2f5: {  	s7 =	simm.s32 $0x1;
	v3 =	vmul.f32 v8, v3;
	v1 =	vadd.f32 v11, v1;
	s4 =	sshll.u32 s1, $0xA;
	s1 =	sshll.u32 s1, $0x7  }
0x2f6: {  	s7 =	simm.s32 @!p0 $0x0;
	[tilespmem:s31+$0x14100] =	vst v4;
	v2 =	vadd.f32 v9, v2;
	s4 =	sand.u32 $0xFFFFE000, s4;
	s6 =	sand.u32 $0x380, s1  }
0x2f7: {  	s13 =	sshll.u32 s7, $0x6;
	v3 =	vadd.f32 v10, v3;
	[tilespmem:s29+$0x14100] =	vst v1;
	s1 =	simm.s32 $0x0;
	s16 =	sor.u32 s4, s6  }
0x2f8: {  	[tilespmem:s0+$0x14100] =	vst v2;
	s9 =	sand.u32 $0x1C00, s1;
	s12 =	sand.u32 $0x40, s1;
	s6 =	sadd.s32 $0x0, s13  }
0x2f9: {  	[tilespmem:s30+$0x14100] =	vst v3;
	s0 =	sor.u32 s9, s16;
	s15 =	sadd.s32 $0x30, s6;
	s29 =	sor.u32 $0x280, s6  }
0x2fa: {  	s17 =	sor.u32 s12, s0;
	s31 =	sor.u32 $0x280, s15;
	v5 =	vld [tilespmem:s29+$0xC100]  }
0x2fb: {  	s4 =	sor.u32 $0x30, s17;
	v8 =	vld [tilespmem:s31+$0xC100]  }
0x2fc: {  	s23 =	sadd.s32 $0x10, s6;
	v7 =	vld [tilespmem:s4+$0x100]  }
0x2fd: {  	s0 =	sor.u32 $0x280, s23;
	v1 =	vld [tilespmem:s17+$0x100]  }
0x2fe: {  	s24 =	sadd.s32 $0x20, s6;
	v2 =	vld [tilespmem:s0+$0xC100]  }
0x2ff: {  	s30 =	sor.u32 $0x280, s24;
	v4 =	vld [tilespmem:s4+$0x4100]  }
0x300: {  	v3 =	vld [tilespmem:s30+$0xC100];
	s8 =	sor.u32 $0x10, s17  }
0x301: {  	s6 =	simm.s32 $0x40;
	s9 =	sor.u32 $0x20, s17;
	s4 =	simm.s32 $0x0;
	v6 =	vld [tilespmem:s8+$0x100];
	v7 =	vmul.f32 v7, v8  }
.LBB2_49:
0x302: {  	s7 =	sand.u32 $0x40, s6  }
0x303: {  	v8 =	vld [tilespmem:s9+$0x100];
	s1 =	sadd.s32 $0x200, s1;
	p0 =	por !p0, !p0;
	s12 =	simm.s32 $0x1  }
0x304: {  	s4 =	sadd.s32 $0x4, s4;
	s12 =	simm.s32 @!p0 $0x0;
	s13 =	sand.u32 $0x1C00, s1;
	v9 =	vld [tilespmem:s8+$0x4100];
	v4 =	vadd.f32 v4, v7  }
0x305: {  	p1 =	slt.u32 s4, $0x3C;
	s8 =	sshll.u32 s12, $0x6;
	s12 =	sor.u32 s13, s16;
	v7 =	vld [tilespmem:s9+$0x4100]  }
0x306: {  	s8 =	sadd.s32 s8, s1;
	v5 =	vmul.f32 v1, v5;
	v10 =	vld [tilespmem:s17+$0x4100];
	s17 =	sor.u32 s7, s12;
	[tilespmem:s31+$0x14100] =	vst v4  }
0x307: {  	v1 =	vld [tilespmem:s17+$0x100];
	s7 =	sadd.s32 $0x10, s8;
	s9 =	sadd.s32 $0x30, s8;
	s12 =	sor.u32 $0x30, s17;
	v2 =	vmul.f32 v6, v2  }
0x308: {  	s13 =	sadd.s32 $0x20, s8;
	s7 =	sor.u32 $0x280, s7;
	s31 =	sor.u32 $0x280, s9;
	v11 =	vld [tilespmem:s12+$0x100];
	v3 =	vmul.f32 v8, v3  }
0x309: {  	s15 =	sor.u32 $0x280, s8;
	s8 =	sor.u32 $0x10, s17;
	s13 =	sor.u32 $0x280, s13;
	v8 =	vld [tilespmem:s31+$0xC100];
	v6 =	vadd.f32 v9, v2  }
.Ltmp26:
0x30a: {  	s9 =	sor.u32 $0x20, s17;
	v2 =	vld [tilespmem:s7+$0xC100];
	v7 =	vadd.f32 v7, v3;
	(pc) =	sbr.rel @p1 .LBB2_49-.Ltmp26, $4  }
0x30b: {  	v4 =	vld [tilespmem:s12+$0x4100];
	v9 =	vadd.f32 v10, v5;
	[tilespmem:s0+$0x14100] =	vst v6;
	s0 =	smov.u32 s7  }
0x30c: {  	v3 =	vld [tilespmem:s13+$0xC100];
	[tilespmem:s30+$0x14100] =	vst v7;
	s30 =	smov.u32 s13  }
0x30d: {  	v5 =	vld [tilespmem:s15+$0xC100];
	[tilespmem:s29+$0x14100] =	vst v9;
	s29 =	smov.u32 s15  }
0x30e: {  	s6 =	sadd.s32 $0x40, s6;
	v6 =	vld [tilespmem:s8+$0x100];
	v7 =	vmul.f32 v11, v8  }
0x30f: {  	(v2sf) =	vpush v0, $0x6;
	_ =	sdelay $0x9  }
0x310: {  	v8 =	vld [tilespmem:s9+$0x100]  }
0x311: {  	v11 =	vld [tilespmem:s17+$0x4100]  }
0x312: {  	v9 =	vld [tilespmem:s8+$0x4100]  }
0x313: {  	v10 =	vld [tilespmem:s9+$0x4100]  }
0x314: {  	v1 =	vmul.f32 v1, v5  }
0x315: {  	p0 =	por $0x0, $0x0;
	v4 =	vadd.f32 v4, v7;
	v2 =	vmul.f32 v6, v2;
	s1 =	spop (v2sf)  }
0x316: {  	s7 =	simm.s32 $0x1;
	v3 =	vmul.f32 v8, v3;
	v1 =	vadd.f32 v11, v1;
	s4 =	sshll.u32 s1, $0xA;
	s1 =	sshll.u32 s1, $0x7  }
0x317: {  	s7 =	simm.s32 @!p0 $0x0;
	[tilespmem:s31+$0x14100] =	vst v4;
	v2 =	vadd.f32 v9, v2;
	s4 =	sand.u32 $0xFFFFE000, s4;
	s6 =	sand.u32 $0x380, s1  }
0x318: {  	s13 =	sshll.u32 s7, $0x6;
	v3 =	vadd.f32 v10, v3;
	[tilespmem:s29+$0x14100] =	vst v1;
	s1 =	simm.s32 $0x0;
	s16 =	sor.u32 s4, s6  }
0x319: {  	[tilespmem:s0+$0x14100] =	vst v2;
	s9 =	sand.u32 $0x1C00, s1;
	s12 =	sand.u32 $0x40, s1;
	s6 =	sadd.s32 $0x0, s13  }
0x31a: {  	[tilespmem:s30+$0x14100] =	vst v3;
	s0 =	sor.u32 s9, s16;
	s15 =	sadd.s32 $0x30, s6;
	s29 =	sor.u32 $0x300, s6  }
0x31b: {  	s17 =	sor.u32 s12, s0;
	s30 =	sor.u32 $0x300, s15;
	v5 =	vld [tilespmem:s29+$0xC100]  }
0x31c: {  	s4 =	sor.u32 $0x30, s17;
	v8 =	vld [tilespmem:s30+$0xC100]  }
0x31d: {  	s23 =	sadd.s32 $0x10, s6;
	v7 =	vld [tilespmem:s4+$0x100]  }
0x31e: {  	s0 =	sor.u32 $0x300, s23;
	v1 =	vld [tilespmem:s17+$0x100]  }
0x31f: {  	s24 =	sadd.s32 $0x20, s6;
	v2 =	vld [tilespmem:s0+$0xC100]  }
0x320: {  	s31 =	sor.u32 $0x300, s24;
	v4 =	vld [tilespmem:s4+$0x4100]  }
0x321: {  	v3 =	vld [tilespmem:s31+$0xC100];
	s8 =	sor.u32 $0x10, s17  }
0x322: {  	s6 =	simm.s32 $0x40;
	s9 =	sor.u32 $0x20, s17;
	s4 =	simm.s32 $0x0;
	v6 =	vld [tilespmem:s8+$0x100];
	v7 =	vmul.f32 v7, v8  }
.LBB2_51:
0x323: {  	s7 =	sand.u32 $0x40, s6  }
0x324: {  	v8 =	vld [tilespmem:s9+$0x100];
	s1 =	sadd.s32 $0x200, s1;
	p0 =	por !p0, !p0;
	s12 =	simm.s32 $0x1  }
0x325: {  	s4 =	sadd.s32 $0x4, s4;
	s12 =	simm.s32 @!p0 $0x0;
	s13 =	sand.u32 $0x1C00, s1;
	v9 =	vld [tilespmem:s8+$0x4100];
	v4 =	vadd.f32 v4, v7  }
0x326: {  	p1 =	slt.u32 s4, $0x3C;
	s8 =	sshll.u32 s12, $0x6;
	s12 =	sor.u32 s13, s16;
	v7 =	vld [tilespmem:s9+$0x4100]  }
0x327: {  	s8 =	sadd.s32 s8, s1;
	v5 =	vmul.f32 v1, v5;
	v10 =	vld [tilespmem:s17+$0x4100];
	s17 =	sor.u32 s7, s12;
	[tilespmem:s30+$0x14100] =	vst v4  }
0x328: {  	v1 =	vld [tilespmem:s17+$0x100];
	s7 =	sadd.s32 $0x10, s8;
	s9 =	sadd.s32 $0x30, s8;
	s12 =	sor.u32 $0x30, s17;
	v2 =	vmul.f32 v6, v2  }
0x329: {  	s13 =	sadd.s32 $0x20, s8;
	s7 =	sor.u32 $0x300, s7;
	s30 =	sor.u32 $0x300, s9;
	v11 =	vld [tilespmem:s12+$0x100];
	v3 =	vmul.f32 v8, v3  }
0x32a: {  	s15 =	sor.u32 $0x300, s8;
	s8 =	sor.u32 $0x10, s17;
	s13 =	sor.u32 $0x300, s13;
	v8 =	vld [tilespmem:s30+$0xC100];
	v6 =	vadd.f32 v9, v2  }
.Ltmp27:
0x32b: {  	s9 =	sor.u32 $0x20, s17;
	v2 =	vld [tilespmem:s7+$0xC100];
	v7 =	vadd.f32 v7, v3;
	(pc) =	sbr.rel @p1 .LBB2_51-.Ltmp27, $4  }
0x32c: {  	v4 =	vld [tilespmem:s12+$0x4100];
	v9 =	vadd.f32 v10, v5;
	[tilespmem:s0+$0x14100] =	vst v6;
	s0 =	smov.u32 s7  }
0x32d: {  	v3 =	vld [tilespmem:s13+$0xC100];
	[tilespmem:s31+$0x14100] =	vst v7;
	s31 =	smov.u32 s13  }
0x32e: {  	v5 =	vld [tilespmem:s15+$0xC100];
	[tilespmem:s29+$0x14100] =	vst v9;
	s29 =	smov.u32 s15  }
0x32f: {  	s6 =	sadd.s32 $0x40, s6;
	v6 =	vld [tilespmem:s8+$0x100];
	v7 =	vmul.f32 v11, v8  }
0x330: {  	(v2sf) =	vpush v0, $0x7;
	_ =	sdelay $0x9  }
0x331: {  	v8 =	vld [tilespmem:s9+$0x100]  }
0x332: {  	v11 =	vld [tilespmem:s17+$0x4100]  }
0x333: {  	v9 =	vld [tilespmem:s8+$0x4100]  }
0x334: {  	v10 =	vld [tilespmem:s9+$0x4100]  }
0x335: {  	v1 =	vmul.f32 v1, v5  }
0x336: {  	p0 =	por $0x0, $0x0;
	s6 =	simm.s32 $0x1;
	v4 =	vadd.f32 v4, v7;
	v2 =	vmul.f32 v6, v2;
	s1 =	spop (v2sf)  }
0x337: {  	s6 =	simm.s32 @!p0 $0x0;
	v3 =	vmul.f32 v8, v3;
	v1 =	vadd.f32 v11, v1;
	s4 =	sshll.u32 s1, $0xA;
	s1 =	sshll.u32 s1, $0x7  }
0x338: {  	[tilespmem:s30+$0x14100] =	vst v4;
	s30 =	simm.s32 $0x0;
	v2 =	vadd.f32 v9, v2;
	s4 =	sand.u32 $0xFFFFE000, s4;
	s1 =	sand.u32 $0x380, s1  }
0x339: {  	s9 =	sshll.u32 s6, $0x6;
	s7 =	sand.u32 $0x1C00, s30;
	v3 =	vadd.f32 v10, v3;
	[tilespmem:s29+$0x14100] =	vst v1;
	s16 =	sor.u32 s4, s1  }
0x33a: {  	s8 =	sand.u32 $0x40, s30;
	[tilespmem:s0+$0x14100] =	vst v2;
	s4 =	sadd.s32 $0x0, s9;
	s0 =	sor.u32 s7, s16  }
0x33b: {  	[tilespmem:s31+$0x14100] =	vst v3;
	s12 =	sadd.s32 $0x30, s4;
	s17 =	sor.u32 s0, s8  }
0x33c: {  	s31 =	sor.u32 $0x380, s12;
	v1 =	vld [tilespmem:s17+$0x100]  }
0x33d: {  	s15 =	sadd.s32 $0x10, s4;
	s13 =	sor.u32 $0x30, s17;
	v8 =	vld [tilespmem:s31+$0xC100]  }
0x33e: {  	s23 =	sadd.s32 $0x20, s4;
	s0 =	sor.u32 $0x380, s15;
	v7 =	vld [tilespmem:s13+$0x100]  }
0x33f: {  	s1 =	sor.u32 $0x380, s23;
	v2 =	vld [tilespmem:s0+$0xC100]  }
0x340: {  	v3 =	vld [tilespmem:s1+$0xC100]  }
0x341: {  	s9 =	sor.u32 $0x10, s17;
	v4 =	vld [tilespmem:s13+$0x4100]  }
0x342: {  	s24 =	sor.u32 s30, s30;
	s8 =	sor.u32 $0x20, s17;
	v6 =	vld [tilespmem:s9+$0x100]  }
0x343: {  	s6 =	simm.s32 $0x40;
	s29 =	sor.u32 $0x380, s24;
	s4 =	simm.s32 $0x0;
	v5 =	vld [tilespmem:s8+$0x100];
	v7 =	vmul.f32 v7, v8  }
.LBB2_53:
0x344: {  	s7 =	sand.u32 $0x40, s6  }
0x345: {  	v8 =	vld [tilespmem:s29+$0xC100];
	s30 =	sadd.s32 $0x200, s30;
	p0 =	por !p0, !p0;
	s12 =	simm.s32 $0x1  }
0x346: {  	s4 =	sadd.s32 $0x4, s4;
	s12 =	simm.s32 @!p0 $0x0;
	s13 =	sand.u32 $0x1C00, s30;
	v9 =	vld [tilespmem:s9+$0x4100];
	v4 =	vadd.f32 v4, v7  }
0x347: {  	p1 =	slt.u32 s4, $0x3C;
	s9 =	sshll.u32 s12, $0x6;
	s12 =	sor.u32 s13, s16;
	v7 =	vld [tilespmem:s8+$0x4100]  }
0x348: {  	s13 =	sor.u32 s6, s30;
	s8 =	sadd.s32 s9, s30;
	v10 =	vld [tilespmem:s17+$0x4100];
	s17 =	sor.u32 s12, s7;
	v2 =	vmul.f32 v6, v2;
	[tilespmem:s31+$0x14100] =	vst v4  }
0x349: {  	v6 =	vld [tilespmem:s17+$0x100];
	s7 =	sadd.s32 $0x10, s8;
	s9 =	sadd.s32 $0x30, s8;
	s12 =	sor.u32 $0x30, s17;
	v3 =	vmul.f32 v5, v3  }
0x34a: {  	s8 =	sadd.s32 $0x20, s8;
	s7 =	sor.u32 $0x380, s7;
	s31 =	sor.u32 $0x380, s9;
	v11 =	vld [tilespmem:s12+$0x100];
	v1 =	vmul.f32 v1, v8  }
0x34b: {  	s9 =	sor.u32 $0x10, s17;
	s15 =	sor.u32 $0x380, s8;
	s8 =	sor.u32 $0x20, s17;
	v8 =	vld [tilespmem:s31+$0xC100];
	v5 =	vadd.f32 v9, v2  }
.Ltmp28:
0x34c: {  	s13 =	sor.u32 $0x380, s13;
	v2 =	vld [tilespmem:s7+$0xC100];
	v7 =	vadd.f32 v7, v3;
	(pc) =	sbr.rel @p1 .LBB2_53-.Ltmp28, $4  }
0x34d: {  	v4 =	vld [tilespmem:s12+$0x4100];
	v9 =	vadd.f32 v10, v1;
	[tilespmem:s0+$0x14100] =	vst v5;
	s0 =	smov.u32 s7  }
0x34e: {  	v3 =	vld [tilespmem:s15+$0xC100];
	[tilespmem:s1+$0x14100] =	vst v7;
	v1 =	vmov v6;
	s1 =	smov.u32 s15  }
0x34f: {  	v6 =	vld [tilespmem:s9+$0x100];
	[tilespmem:s29+$0x14100] =	vst v9;
	s29 =	smov.u32 s13  }
0x350: {  	s6 =	sadd.s32 $0x40, s6;
	v5 =	vld [tilespmem:s8+$0x100];
	v7 =	vmul.f32 v11, v8  }
0x351: {  	(v2sf) =	vpush v0, $0x8;
	_ =	sdelay $0x8  }
0x352: {  	v8 =	vld [tilespmem:s29+$0xC100]  }
0x353: {  	v9 =	vld [tilespmem:s9+$0x4100]  }
0x354: {  	v10 =	vld [tilespmem:s8+$0x4100]  }
0x355: {  	v11 =	vld [tilespmem:s17+$0x4100]  }
0x356: {  	v2 =	vmul.f32 v6, v2  }
0x357: {  	v4 =	vadd.f32 v4, v7;
	v3 =	vmul.f32 v5, v3  }
0x358: {  	v1 =	vmul.f32 v1, v8;
	v2 =	vadd.f32 v9, v2;
	s4 =	spop (v2sf)  }
0x359: {  	s16 =	simm.s32 $0x0;
	[tilespmem:s31+$0x14100] =	vst v4;
	v3 =	vadd.f32 v10, v3;
	s6 =	sshll.u32 s4, $0xA;
	s4 =	sshll.u32 s4, $0x7  }
0x35a: {  	s7 =	sand.u32 $0x40, s16;
	v1 =	vadd.f32 v11, v1;
	[tilespmem:s0+$0x14100] =	vst v2;
	s12 =	sand.u32 $0xFFFFE000, s6;
	s4 =	sand.u32 $0x380, s4  }
0x35b: {  	s13 =	sor.u32 $0x30, s7;
	[tilespmem:s1+$0x14100] =	vst v3;
	s30 =	sor.u32 s4, s12;
	s4 =	sand.u32 $0x1C00, s16  }
0x35c: {  	[tilespmem:s29+$0x14100] =	vst v1;
	s15 =	sor.u32 s4, s30;
	s1 =	sor.u32 s13, s4  }
0x35d: {  	s12 =	sor.u32 $0x10, s7;
	v5 =	vld [tilespmem:s1+$0xE100];
	s23 =	sor.u32 s13, s15  }
0x35e: {  	s0 =	sor.u32 s12, s4;
	v6 =	vld [tilespmem:s23+$0x100]  }
0x35f: {  	s24 =	sor.u32 $0x20, s7;
	v3 =	vld [tilespmem:s0+$0xE100]  }
0x360: {  	s17 =	sor.u32 s24, s4;
	v7 =	vld [tilespmem:s23+$0x4100]  }
0x361: {  	s31 =	sor.u32 s12, s15;
	v2 =	vld [tilespmem:s17+$0xE100]  }
0x362: {  	s6 =	sor.u32 s7, s15;
	v4 =	vld [tilespmem:s31+$0x100]  }
0x363: {  	s9 =	sor.u32 s24, s15;
	v1 =	vld [tilespmem:s6+$0x100];
	v8 =	vmul.f32 v6, v5  }
0x364: {  	s29 =	sor.u32 s7, s4;
	v5 =	vld [tilespmem:s9+$0x100]  }
0x365: {  	s8 =	simm.s32 $0x40;
	s4 =	simm.s32 $0x0;
	v6 =	vld [tilespmem:s29+$0xE100];
	v7 =	vadd.f32 v7, v8  }
.LBB2_55:
0x366: {  	s7 =	sand.u32 $0x40, s8;
	v8 =	vld [tilespmem:s6+$0x4100];
	s16 =	sadd.s32 $0x200, s16  }
0x367: {  	s4 =	sadd.s32 $0x4, s4;
	s12 =	sand.u32 $0x1C00, s16;
	s6 =	sor.u32 $0x30, s7;
	v3 =	vmul.f32 v4, v3;
	v4 =	vld [tilespmem:s31+$0x4100];
	[tilespmem:s1+$0x16100] =	vst v7  }
0x368: {  	p0 =	slt.u32 s4, $0x3C;
	s13 =	sor.u32 s12, s30;
	s1 =	sor.u32 s6, s12;
	v7 =	vld [tilespmem:s9+$0x4100]  }
0x369: {  	s15 =	sor.u32 $0x20, s7;
	s9 =	sor.u32 $0x10, s7;
	v9 =	vld [tilespmem:s1+$0xE100];
	s23 =	sor.u32 s6, s13;
	v2 =	vmul.f32 v5, v2  }
0x36a: {  	s6 =	sor.u32 s7, s13;
	s24 =	sor.u32 s9, s12;
	s31 =	sor.u32 s9, s13;
	v5 =	vld [tilespmem:s23+$0x100];
	v6 =	vmul.f32 v1, v6  }
0x36b: {  	s7 =	sor.u32 s7, s12;
	s12 =	sor.u32 s15, s12;
	s9 =	sor.u32 s15, s13;
	v1 =	vld [tilespmem:s6+$0x100]  }
0x36c: {  	v10 =	vld [tilespmem:s23+$0x4100];
	v6 =	vadd.f32 v8, v6;
	v8 =	vadd.f32 v4, v3  }
.Ltmp29:
0x36d: {  	v3 =	vld [tilespmem:s24+$0xE100];
	v7 =	vadd.f32 v7, v2;
	(pc) =	sbr.rel @p0 .LBB2_55-.Ltmp29, $4  }
0x36e: {  	v4 =	vld [tilespmem:s31+$0x100];
	[tilespmem:s29+$0x16100] =	vst v6;
	s29 =	smov.u32 s7  }
0x36f: {  	v2 =	vld [tilespmem:s12+$0xE100];
	v9 =	vmul.f32 v5, v9;
	[tilespmem:s0+$0x16100] =	vst v8;
	s0 =	smov.u32 s24  }
0x370: {  	v5 =	vld [tilespmem:s9+$0x100];
	[tilespmem:s17+$0x16100] =	vst v7;
	s17 =	smov.u32 s12  }
0x371: {  	s8 =	sadd.s32 $0x40, s8;
	v6 =	vld [tilespmem:s29+$0xE100];
	v7 =	vadd.f32 v10, v9  }
0x372: {  	(v2sf) =	vpush v0, $0x9;
	_ =	sdelay $0x9  }
0x373: {  	v9 =	vld [tilespmem:s31+$0x4100]  }
0x374: {  	v8 =	vld [tilespmem:s6+$0x4100]  }
0x375: {  	v10 =	vld [tilespmem:s9+$0x4100]  }
0x376: {  	v3 =	vmul.f32 v4, v3  }
0x377: {  	v1 =	vmul.f32 v1, v6  }
0x378: {  	v2 =	vmul.f32 v5, v2;
	v3 =	vadd.f32 v9, v3;
	s4 =	spop (v2sf)  }
0x379: {  	[tilespmem:s1+$0x16100] =	vst v7;
	s1 =	simm.s32 $0x0;
	v1 =	vadd.f32 v8, v1;
	s13 =	sshll.u32 s4, $0xA;
	s4 =	sshll.u32 s4, $0x7  }
0x37a: {  	s7 =	sand.u32 $0x40, s1;
	v2 =	vadd.f32 v10, v2;
	[tilespmem:s0+$0x16100] =	vst v3;
	s6 =	sand.u32 $0xFFFFE000, s13;
	s4 =	sand.u32 $0x380, s4  }
0x37b: {  	s15 =	sand.u32 $0x1C00, s1;
	s16 =	sor.u32 $0x30, s7;
	[tilespmem:s29+$0x16100] =	vst v1;
	s29 =	sor.u32 s4, s6  }
0x37c: {  	[tilespmem:s17+$0x16100] =	vst v2;
	s17 =	sor.u32 s16, s15;
	s8 =	sor.u32 s15, s29  }
0x37d: {  	s12 =	sor.u32 $0x10, s7;
	v5 =	vld [tilespmem:s17+$0xE180];
	s23 =	sor.u32 s16, s8  }
0x37e: {  	s0 =	sor.u32 s12, s15;
	v6 =	vld [tilespmem:s23+$0x100]  }
0x37f: {  	v3 =	vld [tilespmem:s0+$0xE180]  }
0x380: {  	s6 =	sor.u32 s7, s8;
	v7 =	vld [tilespmem:s23+$0x4100]  }
0x381: {  	s24 =	sor.u32 $0x20, s7;
	s31 =	sor.u32 s12, s8;
	v1 =	vld [tilespmem:s6+$0x100]  }
0x382: {  	s16 =	sor.u32 s24, s15;
	v4 =	vld [tilespmem:s31+$0x100]  }
0x383: {  	s9 =	sor.u32 s24, s8;
	v2 =	vld [tilespmem:s16+$0xE180];
	v8 =	vmul.f32 v6, v5  }
0x384: {  	s30 =	sor.u32 s7, s15;
	v5 =	vld [tilespmem:s9+$0x100]  }
0x385: {  	s4 =	simm.s32 $0x0;
	s8 =	simm.s32 $0x40;
	v6 =	vld [tilespmem:s30+$0xE180];
	v7 =	vadd.f32 v7, v8  }
.LBB2_57:
0x386: {  	s7 =	sand.u32 $0x40, s8;
	v8 =	vld [tilespmem:s6+$0x4100];
	s1 =	sadd.s32 $0x200, s1  }
0x387: {  	s4 =	sadd.s32 $0x4, s4;
	s12 =	sand.u32 $0x1C00, s1;
	s6 =	sor.u32 $0x30, s7;
	v3 =	vmul.f32 v4, v3;
	v4 =	vld [tilespmem:s31+$0x4100];
	[tilespmem:s17+$0x16180] =	vst v7  }
0x388: {  	p0 =	slt.u32 s4, $0x3C;
	s13 =	sor.u32 s12, s29;
	s17 =	sor.u32 s6, s12;
	v7 =	vld [tilespmem:s9+$0x4100]  }
0x389: {  	s15 =	sor.u32 $0x20, s7;
	s9 =	sor.u32 $0x10, s7;
	v9 =	vld [tilespmem:s17+$0xE180];
	s23 =	sor.u32 s6, s13;
	v2 =	vmul.f32 v5, v2  }
0x38a: {  	s6 =	sor.u32 s7, s13;
	s24 =	sor.u32 s9, s12;
	s31 =	sor.u32 s9, s13;
	v5 =	vld [tilespmem:s23+$0x100];
	v6 =	vmul.f32 v1, v6  }
0x38b: {  	s7 =	sor.u32 s7, s12;
	s12 =	sor.u32 s15, s12;
	s9 =	sor.u32 s15, s13;
	v1 =	vld [tilespmem:s6+$0x100]  }
0x38c: {  	v10 =	vld [tilespmem:s23+$0x4100];
	v6 =	vadd.f32 v8, v6;
	v8 =	vadd.f32 v4, v3  }
.Ltmp30:
0x38d: {  	v3 =	vld [tilespmem:s24+$0xE180];
	v7 =	vadd.f32 v7, v2;
	(pc) =	sbr.rel @p0 .LBB2_57-.Ltmp30, $4  }
0x38e: {  	v4 =	vld [tilespmem:s31+$0x100];
	[tilespmem:s30+$0x16180] =	vst v6;
	s30 =	smov.u32 s7  }
0x38f: {  	v2 =	vld [tilespmem:s12+$0xE180];
	v9 =	vmul.f32 v5, v9;
	[tilespmem:s0+$0x16180] =	vst v8;
	s0 =	smov.u32 s24  }
0x390: {  	v5 =	vld [tilespmem:s9+$0x100];
	[tilespmem:s16+$0x16180] =	vst v7;
	s16 =	smov.u32 s12  }
0x391: {  	s8 =	sadd.s32 $0x40, s8;
	v6 =	vld [tilespmem:s30+$0xE180];
	v7 =	vadd.f32 v10, v9  }
0x392: {  	(v2sf) =	vpush v0, $0xA;
	_ =	sdelay $0x9  }
0x393: {  	v9 =	vld [tilespmem:s31+$0x4100]  }
0x394: {  	v10 =	vld [tilespmem:s9+$0x4100]  }
0x395: {  	v8 =	vld [tilespmem:s6+$0x4100]  }
0x396: {  	v3 =	vmul.f32 v4, v3  }
0x397: {  	v2 =	vmul.f32 v5, v2  }
0x398: {  	v1 =	vmul.f32 v1, v6;
	v3 =	vadd.f32 v9, v3;
	s1 =	spop (v2sf)  }
0x399: {  	[tilespmem:s17+$0x16180] =	vst v7;
	v2 =	vadd.f32 v10, v2;
	s4 =	sshll.u32 s1, $0xA;
	s12 =	sshll.u32 s1, $0x7;
	s1 =	simm.s32 $0x0  }
0x39a: {  	v1 =	vadd.f32 v8, v1;
	[tilespmem:s0+$0x16180] =	vst v3;
	s4 =	sand.u32 $0xFFFFE000, s4;
	s6 =	sand.u32 $0x380, s12;
	s7 =	sand.u32 $0x40, s1  }
0x39b: {  	[tilespmem:s16+$0x16180] =	vst v2;
	s13 =	sand.u32 $0x1C00, s1;
	s29 =	sor.u32 s6, s4;
	s15 =	sor.u32 $0x30, s7  }
0x39c: {  	[tilespmem:s30+$0x16180] =	vst v1;
	s8 =	sor.u32 s13, s29;
	s17 =	sor.u32 s15, s13  }
0x39d: {  	s12 =	sor.u32 $0x10, s7;
	v5 =	vld [tilespmem:s17+$0xE200];
	s23 =	sor.u32 s15, s8  }
0x39e: {  	s0 =	sor.u32 s12, s13;
	v6 =	vld [tilespmem:s23+$0x100]  }
0x39f: {  	s24 =	sor.u32 $0x20, s7;
	v3 =	vld [tilespmem:s0+$0xE200]  }
0x3a0: {  	s16 =	sor.u32 s24, s13;
	v7 =	vld [tilespmem:s23+$0x4100]  }
0x3a1: {  	s31 =	sor.u32 s12, s8;
	v2 =	vld [tilespmem:s16+$0xE200]  }
0x3a2: {  	s6 =	sor.u32 s7, s8;
	v4 =	vld [tilespmem:s31+$0x100]  }
0x3a3: {  	s9 =	sor.u32 s24, s8;
	v1 =	vld [tilespmem:s6+$0x100];
	v8 =	vmul.f32 v6, v5  }
0x3a4: {  	s30 =	sor.u32 s7, s13;
	v5 =	vld [tilespmem:s9+$0x100]  }
0x3a5: {  	s4 =	simm.s32 $0x0;
	s8 =	simm.s32 $0x40;
	v6 =	vld [tilespmem:s30+$0xE200];
	v7 =	vadd.f32 v7, v8  }
.LBB2_59:
0x3a6: {  	s7 =	sand.u32 $0x40, s8;
	v8 =	vld [tilespmem:s6+$0x4100];
	s1 =	sadd.s32 $0x200, s1  }
0x3a7: {  	s4 =	sadd.s32 $0x4, s4;
	s12 =	sand.u32 $0x1C00, s1;
	s6 =	sor.u32 $0x30, s7;
	v3 =	vmul.f32 v4, v3;
	v4 =	vld [tilespmem:s31+$0x4100];
	[tilespmem:s17+$0x16200] =	vst v7  }
0x3a8: {  	p0 =	slt.u32 s4, $0x3C;
	s13 =	sor.u32 s12, s29;
	s17 =	sor.u32 s6, s12;
	v7 =	vld [tilespmem:s9+$0x4100]  }
0x3a9: {  	s15 =	sor.u32 $0x20, s7;
	s9 =	sor.u32 $0x10, s7;
	v9 =	vld [tilespmem:s17+$0xE200];
	s23 =	sor.u32 s6, s13;
	v2 =	vmul.f32 v5, v2  }
0x3aa: {  	s6 =	sor.u32 s7, s13;
	s24 =	sor.u32 s9, s12;
	s31 =	sor.u32 s9, s13;
	v5 =	vld [tilespmem:s23+$0x100];
	v6 =	vmul.f32 v1, v6  }
0x3ab: {  	s7 =	sor.u32 s7, s12;
	s12 =	sor.u32 s15, s12;
	s9 =	sor.u32 s15, s13;
	v1 =	vld [tilespmem:s6+$0x100]  }
0x3ac: {  	v10 =	vld [tilespmem:s23+$0x4100];
	v6 =	vadd.f32 v8, v6;
	v8 =	vadd.f32 v4, v3  }
.Ltmp31:
0x3ad: {  	v3 =	vld [tilespmem:s24+$0xE200];
	v7 =	vadd.f32 v7, v2;
	(pc) =	sbr.rel @p0 .LBB2_59-.Ltmp31, $4  }
0x3ae: {  	v4 =	vld [tilespmem:s31+$0x100];
	[tilespmem:s30+$0x16200] =	vst v6;
	s30 =	smov.u32 s7  }
0x3af: {  	v2 =	vld [tilespmem:s12+$0xE200];
	v9 =	vmul.f32 v5, v9;
	[tilespmem:s0+$0x16200] =	vst v8;
	s0 =	smov.u32 s24  }
0x3b0: {  	v5 =	vld [tilespmem:s9+$0x100];
	[tilespmem:s16+$0x16200] =	vst v7;
	s16 =	smov.u32 s12  }
0x3b1: {  	s8 =	sadd.s32 $0x40, s8;
	v6 =	vld [tilespmem:s30+$0xE200];
	v7 =	vadd.f32 v10, v9  }
0x3b2: {  	(v2sf) =	vpush v0, $0xB;
	_ =	sdelay $0x9  }
0x3b3: {  	v9 =	vld [tilespmem:s31+$0x4100]  }
0x3b4: {  	v10 =	vld [tilespmem:s9+$0x4100]  }
0x3b5: {  	v8 =	vld [tilespmem:s6+$0x4100]  }
0x3b6: {  	v3 =	vmul.f32 v4, v3  }
0x3b7: {  	v2 =	vmul.f32 v5, v2  }
0x3b8: {  	v1 =	vmul.f32 v1, v6;
	v3 =	vadd.f32 v9, v3;
	s1 =	spop (v2sf)  }
0x3b9: {  	[tilespmem:s17+$0x16200] =	vst v7;
	v2 =	vadd.f32 v10, v2;
	s4 =	sshll.u32 s1, $0xA;
	s12 =	sshll.u32 s1, $0x7;
	s1 =	simm.s32 $0x0  }
0x3ba: {  	v1 =	vadd.f32 v8, v1;
	[tilespmem:s0+$0x16200] =	vst v3;
	s4 =	sand.u32 $0xFFFFE000, s4;
	s6 =	sand.u32 $0x380, s12;
	s7 =	sand.u32 $0x40, s1  }
0x3bb: {  	[tilespmem:s16+$0x16200] =	vst v2;
	s13 =	sand.u32 $0x1C00, s1;
	s29 =	sor.u32 s6, s4;
	s15 =	sor.u32 $0x30, s7  }
0x3bc: {  	[tilespmem:s30+$0x16200] =	vst v1;
	s8 =	sor.u32 s13, s29;
	s17 =	sor.u32 s15, s13  }
0x3bd: {  	s12 =	sor.u32 $0x10, s7;
	v4 =	vld [tilespmem:s17+$0xE280];
	s23 =	sor.u32 s15, s8  }
0x3be: {  	s0 =	sor.u32 s12, s13;
	v6 =	vld [tilespmem:s23+$0x100]  }
0x3bf: {  	s24 =	sor.u32 $0x20, s7;
	v3 =	vld [tilespmem:s0+$0xE280]  }
0x3c0: {  	s16 =	sor.u32 s24, s13;
	v7 =	vld [tilespmem:s23+$0x4100]  }
0x3c1: {  	s31 =	sor.u32 s12, s8;
	v2 =	vld [tilespmem:s16+$0xE280]  }
0x3c2: {  	s6 =	sor.u32 s7, s8;
	v5 =	vld [tilespmem:s31+$0x100]  }
0x3c3: {  	s9 =	sor.u32 s24, s8;
	v1 =	vld [tilespmem:s6+$0x100];
	v8 =	vmul.f32 v6, v4  }
0x3c4: {  	s30 =	sor.u32 s7, s13;
	v4 =	vld [tilespmem:s9+$0x100]  }
0x3c5: {  	s4 =	simm.s32 $0x0;
	s8 =	simm.s32 $0x40;
	v6 =	vld [tilespmem:s30+$0xE280];
	v7 =	vadd.f32 v7, v8  }
.LBB2_61:
0x3c6: {  	s7 =	sand.u32 $0x40, s8;
	v8 =	vld [tilespmem:s6+$0x4100];
	s1 =	sadd.s32 $0x200, s1  }
0x3c7: {  	s4 =	sadd.s32 $0x4, s4;
	s12 =	sand.u32 $0x1C00, s1;
	s6 =	sor.u32 $0x30, s7;
	v3 =	vmul.f32 v5, v3;
	v5 =	vld [tilespmem:s31+$0x4100];
	[tilespmem:s17+$0x16280] =	vst v7  }
0x3c8: {  	p0 =	slt.u32 s4, $0x3C;
	s13 =	sor.u32 s12, s29;
	s17 =	sor.u32 s6, s12;
	v7 =	vld [tilespmem:s9+$0x4100]  }
0x3c9: {  	s15 =	sor.u32 $0x20, s7;
	s9 =	sor.u32 $0x10, s7;
	v9 =	vld [tilespmem:s17+$0xE280];
	s23 =	sor.u32 s6, s13;
	v2 =	vmul.f32 v4, v2  }
0x3ca: {  	s6 =	sor.u32 s7, s13;
	s24 =	sor.u32 s9, s12;
	s31 =	sor.u32 s9, s13;
	v4 =	vld [tilespmem:s23+$0x100];
	v6 =	vmul.f32 v1, v6  }
0x3cb: {  	s7 =	sor.u32 s7, s12;
	s12 =	sor.u32 s15, s12;
	s9 =	sor.u32 s15, s13;
	v1 =	vld [tilespmem:s6+$0x100]  }
0x3cc: {  	v10 =	vld [tilespmem:s23+$0x4100];
	v6 =	vadd.f32 v8, v6;
	v8 =	vadd.f32 v5, v3  }
.Ltmp32:
0x3cd: {  	v3 =	vld [tilespmem:s24+$0xE280];
	v7 =	vadd.f32 v7, v2;
	(pc) =	sbr.rel @p0 .LBB2_61-.Ltmp32, $4  }
0x3ce: {  	v5 =	vld [tilespmem:s31+$0x100];
	[tilespmem:s30+$0x16280] =	vst v6;
	s30 =	smov.u32 s7  }
0x3cf: {  	v2 =	vld [tilespmem:s12+$0xE280];
	v9 =	vmul.f32 v4, v9;
	[tilespmem:s0+$0x16280] =	vst v8;
	s0 =	smov.u32 s24  }
0x3d0: {  	v4 =	vld [tilespmem:s9+$0x100];
	[tilespmem:s16+$0x16280] =	vst v7;
	s16 =	smov.u32 s12  }
0x3d1: {  	s8 =	sadd.s32 $0x40, s8;
	v6 =	vld [tilespmem:s30+$0xE280];
	v7 =	vadd.f32 v10, v9  }
0x3d2: {  	(v2sf) =	vpush v0, $0xC;
	_ =	sdelay $0x9  }
0x3d3: {  	v9 =	vld [tilespmem:s31+$0x4100]  }
0x3d4: {  	v10 =	vld [tilespmem:s9+$0x4100]  }
0x3d5: {  	v8 =	vld [tilespmem:s6+$0x4100];
	p0 =	por $0x0, $0x0;
	s7 =	simm.s32 $0x1  }
0x3d6: {  	v3 =	vmul.f32 v5, v3;
	s7 =	simm.s32 @!p0 $0x0  }
0x3d7: {  	s13 =	sshll.u32 s7, $0x6;
	v2 =	vmul.f32 v4, v2  }
0x3d8: {  	s6 =	sadd.s32 $0x0, s13;
	v1 =	vmul.f32 v1, v6;
	v3 =	vadd.f32 v9, v3;
	s1 =	spop (v2sf)  }
0x3d9: {  	[tilespmem:s17+$0x16280] =	vst v7;
	s15 =	sadd.s32 $0x30, s6;
	v2 =	vadd.f32 v10, v2;
	s4 =	sshll.u32 s1, $0xA;
	s1 =	sshll.u32 s1, $0x7  }
0x3da: {  	v1 =	vadd.f32 v8, v1;
	[tilespmem:s0+$0x16280] =	vst v3;
	s4 =	sand.u32 $0xFFFFE000, s4;
	s8 =	sand.u32 $0x380, s1;
	s1 =	simm.s32 $0x0  }
0x3db: {  	s23 =	sadd.s32 $0x10, s6;
	[tilespmem:s16+$0x16280] =	vst v2;
	s17 =	sor.u32 s4, s8;
	s9 =	sand.u32 $0x1C00, s1  }
0x3dc: {  	s31 =	sor.u32 $0x2200, s15;
	[tilespmem:s30+$0x16280] =	vst v1;
	s12 =	sand.u32 $0x40, s1;
	s4 =	sor.u32 s9, s17  }
0x3dd: {  	s0 =	sor.u32 $0x2200, s23;
	v8 =	vld [tilespmem:s31+$0xC100];
	s16 =	sor.u32 s12, s4  }
0x3de: {  	s24 =	sadd.s32 $0x20, s6;
	v2 =	vld [tilespmem:s0+$0xC100];
	s4 =	sor.u32 $0x30, s16  }
0x3df: {  	s30 =	sor.u32 $0x2200, s24;
	v7 =	vld [tilespmem:s4+$0x100]  }
0x3e0: {  	s29 =	sor.u32 $0x2200, s6;
	v3 =	vld [tilespmem:s30+$0xC100]  }
0x3e1: {  	v5 =	vld [tilespmem:s29+$0xC100]  }
0x3e2: {  	v4 =	vld [tilespmem:s4+$0x4100]  }
0x3e3: {  	v1 =	vld [tilespmem:s16+$0x100];
	s8 =	sor.u32 $0x10, s16  }
0x3e4: {  	s6 =	simm.s32 $0x40;
	s9 =	sor.u32 $0x20, s16;
	s4 =	simm.s32 $0x0;
	v6 =	vld [tilespmem:s8+$0x100];
	v7 =	vmul.f32 v7, v8  }
.LBB2_63:
0x3e5: {  	s7 =	sand.u32 $0x40, s6  }
0x3e6: {  	v8 =	vld [tilespmem:s9+$0x100];
	s1 =	sadd.s32 $0x200, s1;
	p0 =	por !p0, !p0;
	s12 =	simm.s32 $0x1  }
0x3e7: {  	s4 =	sadd.s32 $0x4, s4;
	s12 =	simm.s32 @!p0 $0x0;
	s13 =	sand.u32 $0x1C00, s1;
	v9 =	vld [tilespmem:s8+$0x4100];
	v4 =	vadd.f32 v4, v7  }
0x3e8: {  	p1 =	slt.u32 s4, $0x3C;
	s8 =	sshll.u32 s12, $0x6;
	s12 =	sor.u32 s13, s17;
	v7 =	vld [tilespmem:s9+$0x4100]  }
0x3e9: {  	s8 =	sadd.s32 s8, s1;
	v5 =	vmul.f32 v1, v5;
	v10 =	vld [tilespmem:s16+$0x4100];
	s16 =	sor.u32 s7, s12;
	[tilespmem:s31+$0x14100] =	vst v4  }
0x3ea: {  	v1 =	vld [tilespmem:s16+$0x100];
	s7 =	sadd.s32 $0x10, s8;
	s9 =	sadd.s32 $0x30, s8;
	s12 =	sor.u32 $0x30, s16;
	v2 =	vmul.f32 v6, v2  }
0x3eb: {  	s13 =	sadd.s32 $0x20, s8;
	s7 =	sor.u32 $0x2200, s7;
	s31 =	sor.u32 $0x2200, s9;
	v11 =	vld [tilespmem:s12+$0x100];
	v3 =	vmul.f32 v8, v3  }
0x3ec: {  	s15 =	sor.u32 $0x2200, s8;
	s8 =	sor.u32 $0x10, s16;
	s13 =	sor.u32 $0x2200, s13;
	v8 =	vld [tilespmem:s31+$0xC100];
	v6 =	vadd.f32 v9, v2  }
.Ltmp33:
0x3ed: {  	s9 =	sor.u32 $0x20, s16;
	v2 =	vld [tilespmem:s7+$0xC100];
	v7 =	vadd.f32 v7, v3;
	(pc) =	sbr.rel @p1 .LBB2_63-.Ltmp33, $4  }
0x3ee: {  	v4 =	vld [tilespmem:s12+$0x4100];
	v9 =	vadd.f32 v10, v5;
	[tilespmem:s0+$0x14100] =	vst v6;
	s0 =	smov.u32 s7  }
0x3ef: {  	v3 =	vld [tilespmem:s13+$0xC100];
	[tilespmem:s30+$0x14100] =	vst v7;
	s30 =	smov.u32 s13  }
0x3f0: {  	v5 =	vld [tilespmem:s15+$0xC100];
	[tilespmem:s29+$0x14100] =	vst v9;
	s29 =	smov.u32 s15  }
0x3f1: {  	s6 =	sadd.s32 $0x40, s6;
	v6 =	vld [tilespmem:s8+$0x100];
	v7 =	vmul.f32 v11, v8  }
0x3f2: {  	(v2sf) =	vpush v0, $0xD;
	_ =	sdelay $0x9  }
0x3f3: {  	v8 =	vld [tilespmem:s9+$0x100]  }
0x3f4: {  	v11 =	vld [tilespmem:s16+$0x4100]  }
0x3f5: {  	v9 =	vld [tilespmem:s8+$0x4100]  }
0x3f6: {  	v10 =	vld [tilespmem:s9+$0x4100]  }
0x3f7: {  	v1 =	vmul.f32 v1, v5  }
0x3f8: {  	p0 =	por $0x0, $0x0;
	v4 =	vadd.f32 v4, v7;
	v2 =	vmul.f32 v6, v2;
	s1 =	spop (v2sf)  }
0x3f9: {  	s7 =	simm.s32 $0x1;
	v3 =	vmul.f32 v8, v3;
	v1 =	vadd.f32 v11, v1;
	s4 =	sshll.u32 s1, $0xA;
	s1 =	sshll.u32 s1, $0x7  }
0x3fa: {  	s7 =	simm.s32 @!p0 $0x0;
	[tilespmem:s31+$0x14100] =	vst v4;
	v2 =	vadd.f32 v9, v2;
	s4 =	sand.u32 $0xFFFFE000, s4;
	s6 =	sand.u32 $0x380, s1  }
0x3fb: {  	s13 =	sshll.u32 s7, $0x6;
	v3 =	vadd.f32 v10, v3;
	[tilespmem:s29+$0x14100] =	vst v1;
	s1 =	simm.s32 $0x0;
	s16 =	sor.u32 s4, s6  }
0x3fc: {  	[tilespmem:s0+$0x14100] =	vst v2;
	s9 =	sand.u32 $0x1C00, s1;
	s12 =	sand.u32 $0x40, s1;
	s6 =	sadd.s32 $0x0, s13  }
0x3fd: {  	[tilespmem:s30+$0x14100] =	vst v3;
	s0 =	sor.u32 s9, s16;
	s15 =	sadd.s32 $0x30, s6;
	s29 =	sor.u32 $0x2280, s6  }
0x3fe: {  	s17 =	sor.u32 s12, s0;
	s31 =	sor.u32 $0x2280, s15;
	v5 =	vld [tilespmem:s29+$0xC100]  }
0x3ff: {  	s4 =	sor.u32 $0x30, s17;
	v8 =	vld [tilespmem:s31+$0xC100]  }
0x400: {  	s23 =	sadd.s32 $0x10, s6;
	v7 =	vld [tilespmem:s4+$0x100]  }
0x401: {  	s0 =	sor.u32 $0x2280, s23;
	v1 =	vld [tilespmem:s17+$0x100]  }
0x402: {  	s24 =	sadd.s32 $0x20, s6;
	v2 =	vld [tilespmem:s0+$0xC100]  }
0x403: {  	s30 =	sor.u32 $0x2280, s24;
	v4 =	vld [tilespmem:s4+$0x4100]  }
0x404: {  	v3 =	vld [tilespmem:s30+$0xC100];
	s8 =	sor.u32 $0x10, s17  }
0x405: {  	s6 =	simm.s32 $0x40;
	s9 =	sor.u32 $0x20, s17;
	s4 =	simm.s32 $0x0;
	v6 =	vld [tilespmem:s8+$0x100];
	v7 =	vmul.f32 v7, v8  }
.LBB2_65:
0x406: {  	s7 =	sand.u32 $0x40, s6  }
0x407: {  	v8 =	vld [tilespmem:s9+$0x100];
	s1 =	sadd.s32 $0x200, s1;
	p0 =	por !p0, !p0;
	s12 =	simm.s32 $0x1  }
0x408: {  	s4 =	sadd.s32 $0x4, s4;
	s12 =	simm.s32 @!p0 $0x0;
	s13 =	sand.u32 $0x1C00, s1;
	v9 =	vld [tilespmem:s8+$0x4100];
	v4 =	vadd.f32 v4, v7  }
0x409: {  	p1 =	slt.u32 s4, $0x3C;
	s8 =	sshll.u32 s12, $0x6;
	s12 =	sor.u32 s13, s16;
	v7 =	vld [tilespmem:s9+$0x4100]  }
0x40a: {  	s8 =	sadd.s32 s8, s1;
	v5 =	vmul.f32 v1, v5;
	v10 =	vld [tilespmem:s17+$0x4100];
	s17 =	sor.u32 s7, s12;
	[tilespmem:s31+$0x14100] =	vst v4  }
0x40b: {  	v1 =	vld [tilespmem:s17+$0x100];
	s7 =	sadd.s32 $0x10, s8;
	s9 =	sadd.s32 $0x30, s8;
	s12 =	sor.u32 $0x30, s17;
	v2 =	vmul.f32 v6, v2  }
0x40c: {  	s13 =	sadd.s32 $0x20, s8;
	s7 =	sor.u32 $0x2280, s7;
	s31 =	sor.u32 $0x2280, s9;
	v11 =	vld [tilespmem:s12+$0x100];
	v3 =	vmul.f32 v8, v3  }
0x40d: {  	s15 =	sor.u32 $0x2280, s8;
	s8 =	sor.u32 $0x10, s17;
	s13 =	sor.u32 $0x2280, s13;
	v8 =	vld [tilespmem:s31+$0xC100];
	v6 =	vadd.f32 v9, v2  }
.Ltmp34:
0x40e: {  	s9 =	sor.u32 $0x20, s17;
	v2 =	vld [tilespmem:s7+$0xC100];
	v7 =	vadd.f32 v7, v3;
	(pc) =	sbr.rel @p1 .LBB2_65-.Ltmp34, $4  }
0x40f: {  	v4 =	vld [tilespmem:s12+$0x4100];
	v9 =	vadd.f32 v10, v5;
	[tilespmem:s0+$0x14100] =	vst v6;
	s0 =	smov.u32 s7  }
0x410: {  	v3 =	vld [tilespmem:s13+$0xC100];
	[tilespmem:s30+$0x14100] =	vst v7;
	s30 =	smov.u32 s13  }
0x411: {  	v5 =	vld [tilespmem:s15+$0xC100];
	[tilespmem:s29+$0x14100] =	vst v9;
	s29 =	smov.u32 s15  }
0x412: {  	s6 =	sadd.s32 $0x40, s6;
	v6 =	vld [tilespmem:s8+$0x100];
	v7 =	vmul.f32 v11, v8  }
0x413: {  	(v2sf) =	vpush v0, $0xE;
	_ =	sdelay $0x9  }
0x414: {  	v8 =	vld [tilespmem:s9+$0x100]  }
0x415: {  	v11 =	vld [tilespmem:s17+$0x4100]  }
0x416: {  	v9 =	vld [tilespmem:s8+$0x4100]  }
0x417: {  	v10 =	vld [tilespmem:s9+$0x4100]  }
0x418: {  	v1 =	vmul.f32 v1, v5  }
0x419: {  	p0 =	por $0x0, $0x0;
	v4 =	vadd.f32 v4, v7;
	v2 =	vmul.f32 v6, v2;
	s1 =	spop (v2sf)  }
0x41a: {  	s7 =	simm.s32 $0x1;
	v3 =	vmul.f32 v8, v3;
	v1 =	vadd.f32 v11, v1;
	s4 =	sshll.u32 s1, $0xA;
	s1 =	sshll.u32 s1, $0x7  }
0x41b: {  	s7 =	simm.s32 @!p0 $0x0;
	[tilespmem:s31+$0x14100] =	vst v4;
	v2 =	vadd.f32 v9, v2;
	s4 =	sand.u32 $0xFFFFE000, s4;
	s6 =	sand.u32 $0x380, s1  }
0x41c: {  	s13 =	sshll.u32 s7, $0x6;
	v3 =	vadd.f32 v10, v3;
	[tilespmem:s29+$0x14100] =	vst v1;
	s1 =	simm.s32 $0x0;
	s16 =	sor.u32 s4, s6  }
0x41d: {  	[tilespmem:s0+$0x14100] =	vst v2;
	s9 =	sand.u32 $0x1C00, s1;
	s12 =	sand.u32 $0x40, s1;
	s6 =	sadd.s32 $0x0, s13  }
0x41e: {  	[tilespmem:s30+$0x14100] =	vst v3;
	s0 =	sor.u32 s9, s16;
	s15 =	sadd.s32 $0x30, s6;
	s29 =	sor.u32 $0x2300, s6  }
0x41f: {  	s17 =	sor.u32 s12, s0;
	s30 =	sor.u32 $0x2300, s15;
	v5 =	vld [tilespmem:s29+$0xC100]  }
0x420: {  	s4 =	sor.u32 $0x30, s17;
	v8 =	vld [tilespmem:s30+$0xC100]  }
0x421: {  	s23 =	sadd.s32 $0x10, s6;
	v7 =	vld [tilespmem:s4+$0x100]  }
0x422: {  	s0 =	sor.u32 $0x2300, s23;
	v1 =	vld [tilespmem:s17+$0x100]  }
0x423: {  	s24 =	sadd.s32 $0x20, s6;
	v2 =	vld [tilespmem:s0+$0xC100]  }
0x424: {  	s31 =	sor.u32 $0x2300, s24;
	v4 =	vld [tilespmem:s4+$0x4100]  }
0x425: {  	v3 =	vld [tilespmem:s31+$0xC100];
	s8 =	sor.u32 $0x10, s17  }
0x426: {  	s6 =	simm.s32 $0x40;
	s9 =	sor.u32 $0x20, s17;
	s4 =	simm.s32 $0x0;
	v6 =	vld [tilespmem:s8+$0x100];
	v7 =	vmul.f32 v7, v8  }
.LBB2_67:
0x427: {  	s7 =	sand.u32 $0x40, s6  }
0x428: {  	v8 =	vld [tilespmem:s9+$0x100];
	s1 =	sadd.s32 $0x200, s1;
	p0 =	por !p0, !p0;
	s12 =	simm.s32 $0x1  }
0x429: {  	s4 =	sadd.s32 $0x4, s4;
	s12 =	simm.s32 @!p0 $0x0;
	s13 =	sand.u32 $0x1C00, s1;
	v9 =	vld [tilespmem:s8+$0x4100];
	v4 =	vadd.f32 v4, v7  }
0x42a: {  	p1 =	slt.u32 s4, $0x3C;
	s8 =	sshll.u32 s12, $0x6;
	s12 =	sor.u32 s13, s16;
	v7 =	vld [tilespmem:s9+$0x4100]  }
0x42b: {  	s8 =	sadd.s32 s8, s1;
	v5 =	vmul.f32 v1, v5;
	v10 =	vld [tilespmem:s17+$0x4100];
	s17 =	sor.u32 s7, s12;
	[tilespmem:s30+$0x14100] =	vst v4  }
0x42c: {  	v1 =	vld [tilespmem:s17+$0x100];
	s7 =	sadd.s32 $0x10, s8;
	s9 =	sadd.s32 $0x30, s8;
	s12 =	sor.u32 $0x30, s17;
	v2 =	vmul.f32 v6, v2  }
0x42d: {  	s13 =	sadd.s32 $0x20, s8;
	s7 =	sor.u32 $0x2300, s7;
	s30 =	sor.u32 $0x2300, s9;
	v11 =	vld [tilespmem:s12+$0x100];
	v3 =	vmul.f32 v8, v3  }
0x42e: {  	s15 =	sor.u32 $0x2300, s8;
	s8 =	sor.u32 $0x10, s17;
	s13 =	sor.u32 $0x2300, s13;
	v8 =	vld [tilespmem:s30+$0xC100];
	v6 =	vadd.f32 v9, v2  }
.Ltmp35:
0x42f: {  	s9 =	sor.u32 $0x20, s17;
	v2 =	vld [tilespmem:s7+$0xC100];
	v7 =	vadd.f32 v7, v3;
	(pc) =	sbr.rel @p1 .LBB2_67-.Ltmp35, $4  }
0x430: {  	v4 =	vld [tilespmem:s12+$0x4100];
	v9 =	vadd.f32 v10, v5;
	[tilespmem:s0+$0x14100] =	vst v6;
	s0 =	smov.u32 s7  }
0x431: {  	v3 =	vld [tilespmem:s13+$0xC100];
	[tilespmem:s31+$0x14100] =	vst v7;
	s31 =	smov.u32 s13  }
0x432: {  	v5 =	vld [tilespmem:s15+$0xC100];
	[tilespmem:s29+$0x14100] =	vst v9;
	s29 =	smov.u32 s15  }
0x433: {  	s6 =	sadd.s32 $0x40, s6;
	v6 =	vld [tilespmem:s8+$0x100];
	v7 =	vmul.f32 v11, v8  }
0x434: {  	(v2sf) =	vpush v0, $0xF;
	_ =	sdelay $0x8  }
0x435: {  	v0 =	vld [tilespmem:s9+$0x100]  }
0x436: {  	v10 =	vld [tilespmem:s17+$0x4100]  }
0x437: {  	v8 =	vld [tilespmem:s8+$0x4100]  }
0x438: {  	v9 =	vld [tilespmem:s9+$0x4100]  }
0x439: {  	p0 =	por $0x0, $0x0;
	s6 =	simm.s32 $0x1;
	v1 =	vmul.f32 v1, v5  }
0x43a: {  	v4 =	vadd.f32 v4, v7;
	s6 =	simm.s32 @!p0 $0x0;
	v2 =	vmul.f32 v6, v2  }
0x43b: {  	s6 =	sshll.u32 s6, $0x6;
	v0 =	vmul.f32 v0, v3;
	v1 =	vadd.f32 v10, v1;
	s1 =	spop (v2sf)  }
0x43c: {  	[tilespmem:s30+$0x14100] =	vst v4;
	s30 =	simm.s32 $0x0;
	v2 =	vadd.f32 v8, v2;
	s4 =	sshll.u32 s1, $0xA;
	s1 =	sshll.u32 s1, $0x7  }
0x43d: {  	s6 =	sadd.s32 $0x0, s6;
	v0 =	vadd.f32 v9, v0;
	[tilespmem:s29+$0x14100] =	vst v1;
	s4 =	sand.u32 $0xFFFFE000, s4;
	s1 =	sand.u32 $0x380, s1  }
0x43e: {  	s16 =	sand.u32 $0x1C00, s30;
	s23 =	sadd.s32 $0x30, s6;
	[tilespmem:s0+$0x14100] =	vst v2;
	s0 =	sor.u32 s4, s1  }
0x43f: {  	s17 =	sand.u32 $0x40, s30;
	[tilespmem:s31+$0x14100] =	vst v0;
	s31 =	sor.u32 $0x2380, s23;
	s1 =	sor.u32 s16, s0  }
0x440: {  	v7 =	vld [tilespmem:s31+$0xC100];
	s16 =	sor.u32 s1, s17  }
0x441: {  	s7 =	sadd.s32 $0x10, s6;
	v0 =	vld [tilespmem:s16+$0x100];
	s4 =	sor.u32 $0x30, s16  }
0x442: {  	s6 =	sadd.s32 $0x20, s6;
	s1 =	sor.u32 $0x2380, s7;
	v6 =	vld [tilespmem:s4+$0x100]  }
0x443: {  	s17 =	sor.u32 $0x2380, s6;
	v1 =	vld [tilespmem:s1+$0xC100]  }
0x444: {  	v2 =	vld [tilespmem:s17+$0xC100]  }
0x445: {  	s9 =	sor.u32 $0x10, s16;
	v3 =	vld [tilespmem:s4+$0x4100]  }
0x446: {  	s24 =	sor.u32 s30, s30;
	s8 =	sor.u32 $0x20, s16;
	v5 =	vld [tilespmem:s9+$0x100]  }
0x447: {  	s29 =	sor.u32 $0x2380, s24;
	s6 =	simm.s32 $0x40;
	s4 =	simm.s32 $0x0;
	v4 =	vld [tilespmem:s8+$0x100];
	v6 =	vmul.f32 v6, v7  }
.LBB2_69:
0x448: {  	s7 =	sand.u32 $0x40, s6  }
0x449: {  	v7 =	vld [tilespmem:s29+$0xC100];
	s30 =	sadd.s32 $0x200, s30;
	p0 =	por !p0, !p0;
	s12 =	simm.s32 $0x1  }
0x44a: {  	s4 =	sadd.s32 $0x4, s4;
	s12 =	simm.s32 @!p0 $0x0;
	s13 =	sand.u32 $0x1C00, s30;
	v8 =	vld [tilespmem:s9+$0x4100];
	v3 =	vadd.f32 v3, v6  }
0x44b: {  	p1 =	slt.u32 s4, $0x3C;
	s9 =	sshll.u32 s12, $0x6;
	s12 =	sor.u32 s13, s0;
	v6 =	vld [tilespmem:s8+$0x4100]  }
0x44c: {  	s13 =	sor.u32 s6, s30;
	s8 =	sadd.s32 s9, s30;
	v9 =	vld [tilespmem:s16+$0x4100];
	s16 =	sor.u32 s12, s7;
	v1 =	vmul.f32 v5, v1;
	[tilespmem:s31+$0x14100] =	vst v3  }
0x44d: {  	v5 =	vld [tilespmem:s16+$0x100];
	s7 =	sadd.s32 $0x10, s8;
	s9 =	sadd.s32 $0x30, s8;
	s12 =	sor.u32 $0x30, s16;
	v2 =	vmul.f32 v4, v2  }
0x44e: {  	s8 =	sadd.s32 $0x20, s8;
	s7 =	sor.u32 $0x2380, s7;
	s31 =	sor.u32 $0x2380, s9;
	v10 =	vld [tilespmem:s12+$0x100];
	v0 =	vmul.f32 v0, v7  }
0x44f: {  	s9 =	sor.u32 $0x10, s16;
	s15 =	sor.u32 $0x2380, s8;
	s8 =	sor.u32 $0x20, s16;
	v7 =	vld [tilespmem:s31+$0xC100];
	v4 =	vadd.f32 v8, v1  }
.Ltmp36:
0x450: {  	s13 =	sor.u32 $0x2380, s13;
	v1 =	vld [tilespmem:s7+$0xC100];
	v6 =	vadd.f32 v6, v2;
	(pc) =	sbr.rel @p1 .LBB2_69-.Ltmp36, $4  }
0x451: {  	v3 =	vld [tilespmem:s12+$0x4100];
	v8 =	vadd.f32 v9, v0;
	[tilespmem:s1+$0x14100] =	vst v4;
	s1 =	smov.u32 s7  }
0x452: {  	v2 =	vld [tilespmem:s15+$0xC100];
	[tilespmem:s17+$0x14100] =	vst v6;
	v0 =	vmov v5;
	s17 =	smov.u32 s15  }
0x453: {  	v5 =	vld [tilespmem:s9+$0x100];
	[tilespmem:s29+$0x14100] =	vst v8;
	s29 =	smov.u32 s13  }
0x454: {  	s6 =	sadd.s32 $0x40, s6;
	v4 =	vld [tilespmem:s8+$0x100];
	v6 =	vmul.f32 v10, v7  }
0x455: {  	v7 =	vld [tilespmem:s29+$0xC100]  }
0x456: {  	v8 =	vld [tilespmem:s9+$0x4100]  }
0x457: {  	v9 =	vld [tilespmem:s8+$0x4100]  }
0x458: {  	v10 =	vld [tilespmem:s16+$0x4100]  }
0x459: {  	v1 =	vmul.f32 v5, v1  }
0x45a: {  	v3 =	vadd.f32 v3, v6;
	v2 =	vmul.f32 v4, v2  }
0x45b: {  	p0 =	seq.s32 s25, $0x7;
	v0 =	vmul.f32 v0, v7;
	v1 =	vadd.f32 v8, v1  }
.Ltmp37:
0x45c: {  	[tilespmem:s31+$0x14100] =	vst v3;
	v2 =	vadd.f32 v9, v2;
	(pc) =	sbr.rel @p0 .LBB2_72-.Ltmp37, $4  }
0x45d: {  	s0 =	sadd.s32 s5, s28;
	v0 =	vadd.f32 v10, v0;
	[tilespmem:s1+$0x14100] =	vst v1  }
0x45e: {  	s0 =	sshll.u32 s0, $0x7;
	[tilespmem:s17+$0x14100] =	vst v2  }
0x45f: {  	s0 =	sadd.s32 s2, s0;
	[tilespmem:s29+$0x14100] =	vst v0  }
0x460: {  	[hbm4b:s0+s3] =	stream.linear.scatter [tilespmem:s22], [sflag:$0x4], $0x4000, $0x38;
	[tilespmem:$0x18100] =	vst v63  }
.Ltmp38:
0x461: {  	(pc) =	sbr.rel .LBB2_2-.Ltmp38, $3  }
0x462: {  	_ =	sdelay $0x1  }
0x463: {  	s0 =	sadd.s32 s26, s11;
	s25 =	sadd.s32 $0x1, s25  }
0x464: {  	[tilespmem:s14], [sflag:$0x2] =	stream.linear.gather [hbm4b:s0+s3], $0x4000, $0x38;
	[tilespmem:$0x18100] =	vst v63  }
.LBB2_73:
0x465: {  	_ =	sfence.sel $0x180000  }
0x466: {  	[bflag:$0x0] =	sbarrier.arrive $0xFFFF  }
0x467: {  	_ =	strace $0x90000047  }
0x468: {  	s0 =	stileid.u32;
	[bflag:$0x2] =	sbarrier.arrive $0xFFFF  }
0x469: {  	p0 =	sne.s32 s0, $0x0;
	s0 =	rddreg [dreg:$0x4]  }
0x46a: {  	s0 =	sadd.s32 @!p0 $0x100000, s0  }
0x46b: {  	[sflag:s0] =	ssyncadd.tile.s32 @!p0 $0x1;
	_ =	shalt  }
.Lfunc_end2:
_tile_overlayer_lowered:
.L_overlay_start_2:
0x46c: {  	(tag) =	ssettag $0x2  }
0x46d: {  	s0 =	rddreg [dreg:$0x0];
	s2 =	stileid.u32  }
0x46e: {  	s1 =	rddreg [dreg:$0x1];
	p0 =	sne.s32 s2, $0x0  }
0x46f: {  	s3 =	rddreg [dreg:$0x2];
	[bflag:$0x3] =	sbarrier.arrive $0xFFFF;
	s2 =	simm.s32 @!p0 $0x1C05  }
0x470: {  	[timem:s3], [sflag:s2] =	dma.local @!p0 [hbm:s0], s1  }
0x471: {  	s0 =	simm.s32 @!p0 $0x5  }
0x472: {  	_ =	swait.ge @!p0 [sflag:s0], s1  }
0x473: {  	s1 =	ssub.s32 @!p0 $0x0, s1;
	[sflag:s0] =	ssyncset.done @!p0 $0x0  }
0x474: {  	[sflag:s0] =	ssyncadd.s32 @!p0 s1  }
0x475: {  	[bflag:$0x3] =	sbarrier.arrive $0xFFFF  }
0x476: {  	_ =	shalt  }

</sc_bundles>
